<compile_context>
chip_gen: v7x
topology: tpu7x:2x2x1
jax: 0.10.2.dev20260603
libtpu: 0.0.44.dev20260713+nightly
codegen_flags: <defaults>
</compile_context>

<pallas_src>
import functools

import jax
import jax.numpy as jnp
from jax import lax
from jax.experimental import pallas as pl
from jax.experimental.pallas import tpu as pltpu
from jax.experimental.pallas import tpu_sc as plsc

T = 11
D = 128
E = 320000
NTX = 10000
NENT = 10000
VOCAB = 10000
EPS = 1e-5

APL = 10240
APP = APL + 8
CH = 80
TV = T * VOCAB
GR = 2 * TV
TNP2 = 112640
NPS = TNP2 // 16
NGRP = 8
EPSC = E // 16
SB = 2000
NCHE = SB // CH
GRPE = 5
EPT3 = E // 32
RB = 1000
RBE = 1024


def _prek_body(emb_ref, w_ref, av_ref, dv_ref, g_ref, as_ref, ad_ref):
    b = pl.program_id(2)
    tw = jnp.dot(emb_ref[0], w_ref[...], preferred_element_type=jnp.float32)
    as_row = jnp.sum(tw * av_ref[...], axis=1)
    ad_row = jnp.sum(tw * dv_ref[...], axis=1)
    scale = jnp.where(b == 0, 1.0, 0.2)
    e = jnp.exp(scale * as_row)
    g_ref[0, 0] = tw * e[:, None]
    as_ref[0, 0] = as_row.reshape(RB, 1)
    ad_ref[0, 0] = ad_row.reshape(RB, 1)


def _build_tables(emb_tables, gat_w, att_src, att_dst):
    grid = (T, VOCAB // RB, 2)
    return pl.pallas_call(
        _prek_body,
        grid=grid,
        in_specs=[
            pl.BlockSpec((1, RB, D), lambda t, i, b: (t, i, 0)),
            pl.BlockSpec((D, D), lambda t, i, b: (0, 0)),
            pl.BlockSpec((1, D), lambda t, i, b: (0, 0)),
            pl.BlockSpec((1, D), lambda t, i, b: (0, 0)),
        ],
        out_specs=[
            pl.BlockSpec((1, 1, RB, D), lambda t, i, b: (b, t, i, 0)),
            pl.BlockSpec((1, 1, RB, 1), lambda t, i, b: (t, i, 0, 0)),
            pl.BlockSpec((1, 1, RB, 1), lambda t, i, b: (t, i, 0, 0)),
        ],
        out_shape=[
            jax.ShapeDtypeStruct((2, T, VOCAB, D), jnp.float32),
            jax.ShapeDtypeStruct((T, VOCAB // RB, RB, 1), jnp.float32),
            jax.ShapeDtypeStruct((T, VOCAB // RB, RB, 1), jnp.float32),
        ],
    )(emb_tables, gat_w, att_src.reshape(1, D), att_dst.reshape(1, D))


def _sc_nodes_body(ex2_hbm, as_hbm, ad_hbm, asn, adn, adapl, exb, vb, exn,
                   adnb, sem):
    c = lax.axis_index("c")
    s = lax.axis_index("s")
    base = s * NPS
    pltpu.sync_copy(ex2_hbm.at[pl.ds(base, NPS)], exb)

    def gather_plane(tbl, out):
        def g(gi, _):
            def fire(ci, _):
                o = (gi * NGRP + ci) * CH
                pltpu.async_copy(tbl.at[exb.at[pl.ds(o, CH)]],
                                 vb.at[pl.ds(o, CH)], sem)
                return 0

            def drain(ci, _):
                o = (gi * NGRP + ci) * CH
                pltpu.make_async_copy(tbl.at[exb.at[pl.ds(o, CH)]],
                                      vb.at[pl.ds(o, CH)], sem).wait()
                return 0

            lax.fori_loop(0, NGRP, fire, 0)
            lax.fori_loop(0, NGRP, drain, 0)
            return 0

        lax.fori_loop(0, (NPS // CH) // NGRP, g, 0)
        pltpu.sync_copy(vb, out.at[pl.ds(base, NPS)])

    @pl.when(c == 0)
    def _():
        gather_plane(as_hbm, asn)

        def t_ex(t, _):
            nb = s * 640
            pltpu.sync_copy(ex2_hbm.at[pl.ds(t * NENT + nb, 640)], exn)

            def af(k, _):
                o = k * CH
                pltpu.async_copy(ad_hbm.at[exn.at[pl.ds(o, CH)]],
                                 adnb.at[pl.ds(o, CH)], sem)
                return 0

            def adr(k, _):
                o = k * CH
                pltpu.make_async_copy(ad_hbm.at[exn.at[pl.ds(o, CH)]],
                                      adnb.at[pl.ds(o, CH)], sem).wait()
                return 0

            lax.fori_loop(0, 640 // CH, af, 0)
            lax.fori_loop(0, 640 // CH, adr, 0)
            pltpu.sync_copy(adnb, adapl.at[pl.ds(t * APL + nb, 640)])
            return 0

        lax.fori_loop(0, T, t_ex, 0)

    @pl.when(c == 1)
    def _():
        gather_plane(ad_hbm, adn)


def _sc_nodes(ex2_flat, as_flat, ad_flat):
    mesh = plsc.VectorSubcoreMesh(core_axis_name="c", subcore_axis_name="s")
    f = functools.partial(
        pl.kernel,
        out_type=(
            jax.ShapeDtypeStruct((TNP2,), jnp.float32),
            jax.ShapeDtypeStruct((TNP2,), jnp.float32),
            jax.ShapeDtypeStruct((T * APL,), jnp.float32),
        ),
        mesh=mesh,
        scratch_types=[
            pltpu.VMEM((NPS,), jnp.int32),
            pltpu.VMEM((NPS,), jnp.float32),
            pltpu.VMEM((640,), jnp.int32),
            pltpu.VMEM((640,), jnp.float32),
            pltpu.SemaphoreType.DMA,
        ],
    )(_sc_nodes_body)
    return f(ex2_flat, as_flat, ad_flat)


def _sc_edge_body(srcx_hbm, dstx_hbm, ex2_hbm, asn_hbm, adn_hbm, g_hbm, vacc,
                  sacc, srcb, dstb, s2b, asb, adb, idxg, idxs, dnb, rows,
                  zbuf, zs, acc, accs, sem, sem2):
    c = lax.axis_index("c")
    s = lax.axis_index("s")

    zero16 = jnp.zeros((16,), jnp.float32)

    def zfill(i, _):
        r = i // 8
        j = i % 8
        zbuf[r, pl.ds(j * 16, 16)] = zero16
        return 0

    lax.fori_loop(0, 64 * 8, zfill, 0)

    def zsfill(i, _):
        zs[pl.ds(i * 16, 16)] = zero16
        return 0

    lax.fori_loop(0, 40, zsfill, 0)

    scale = jnp.where(c == 0, 1.0, 0.2)

    def t_body(t, _):
        def zc(q, _):
            pltpu.sync_copy(zbuf, acc.at[pl.ds(s * 640 + q * 64, 64)])
            return 0

        lax.fori_loop(0, 10, zc, 0)
        pltpu.sync_copy(zs, accs.at[pl.ds(s * 640, 640)])
        plsc.subcore_barrier()

        def sub_body(bi, _):
            ebase = t * E + s * EPSC + bi * SB
            pltpu.sync_copy(srcx_hbm.at[pl.ds(ebase, SB)], srcb)
            pltpu.sync_copy(dstx_hbm.at[pl.ds(ebase, SB)], dstb)

            def g1(g, _):
                def fire(ci, _):
                    o = (g * GRPE + ci) * CH
                    pltpu.async_copy(ex2_hbm.at[srcb.at[pl.ds(o, CH)]],
                                     s2b.at[pl.ds(o, CH)], sem)
                    pltpu.async_copy(asn_hbm.at[srcb.at[pl.ds(o, CH)]],
                                     asb.at[pl.ds(o, CH)], sem)
                    pltpu.async_copy(adn_hbm.at[dstb.at[pl.ds(o, CH)]],
                                     adb.at[pl.ds(o, CH)], sem)
                    return 0

                def drain(ci, _):
                    o = (g * GRPE + ci) * CH
                    pltpu.make_async_copy(ex2_hbm.at[srcb.at[pl.ds(o, CH)]],
                                          s2b.at[pl.ds(o, CH)], sem).wait()
                    pltpu.make_async_copy(asn_hbm.at[srcb.at[pl.ds(o, CH)]],
                                          asb.at[pl.ds(o, CH)], sem).wait()
                    pltpu.make_async_copy(adn_hbm.at[dstb.at[pl.ds(o, CH)]],
                                          adb.at[pl.ds(o, CH)], sem).wait()
                    return 0

                lax.fori_loop(0, GRPE, fire, 0)
                lax.fori_loop(0, GRPE, drain, 0)
                return 0

            lax.fori_loop(0, NCHE // GRPE, g1, 0)

            def chunk(ci, _):
                for v in range(5):
                    off = ci * CH + v * 16
                    fs = asb[pl.ds(off, 16)]
                    a = fs + adb[pl.ds(off, 16)]
                    br = jnp.where(a > 0.0, 0, 1)
                    idxg[pl.ds(v * 16, 16)] = s2b[pl.ds(off, 16)] + c * TV
                    dv = dstb[pl.ds(off, 16)] - t * NENT
                    idxs[pl.ds(v * 16, 16)] = jnp.where(br == c, dv, APL)
                    dnb[pl.ds(v * 16, 16)] = jnp.exp(scale * fs)
                pltpu.async_copy(g_hbm.at[idxg], rows, sem2).wait()
                pltpu.sync_copy(rows, acc.at[idxs], add=True)
                pltpu.sync_copy(dnb, accs.at[idxs], add=True)
                return 0

            lax.fori_loop(0, NCHE, chunk, 0)
            return 0

        lax.fori_loop(0, EPSC // SB, sub_body, 0)
        plsc.subcore_barrier()

        def wb(q, _):
            r = s * 640 + q * 128
            pltpu.sync_copy(acc.at[pl.ds(r, 128)], vacc.at[c, t, pl.ds(r, 128)])
            return 0

        lax.fori_loop(0, 5, wb, 0)
        pltpu.sync_copy(accs.at[pl.ds(s * 640, 640)],
                        sacc.at[c, t, pl.ds(s * 640, 640)])
        return 0

    lax.fori_loop(0, T, t_body, 0)


def _sc_edge(srcx_flat, dstx_flat, ex2_flat, asn, adn, g_flat):
    mesh = plsc.VectorSubcoreMesh(core_axis_name="c", subcore_axis_name="s")
    f = functools.partial(
        pl.kernel,
        out_type=(
            jax.ShapeDtypeStruct((2, T, APL, D), jnp.float32),
            jax.ShapeDtypeStruct((2, T, APL), jnp.float32),
        ),
        mesh=mesh,
        scratch_types=[
            pltpu.VMEM((SB,), jnp.int32),
            pltpu.VMEM((SB,), jnp.int32),
            pltpu.VMEM((SB,), jnp.int32),
            pltpu.VMEM((SB,), jnp.float32),
            pltpu.VMEM((SB,), jnp.float32),
            pltpu.VMEM((CH,), jnp.int32),
            pltpu.VMEM((CH,), jnp.int32),
            pltpu.VMEM((CH,), jnp.float32),
            pltpu.VMEM((CH, D), jnp.float32),
            pltpu.VMEM((64, D), jnp.float32),
            pltpu.VMEM((640,), jnp.float32),
            pltpu.VMEM_SHARED((APP, D), jnp.float32),
            pltpu.VMEM_SHARED((APP,), jnp.float32),
            pltpu.SemaphoreType.DMA,
            pltpu.SemaphoreType.DMA,
        ],
    )(_sc_edge_body)
    return f(srcx_flat, dstx_flat, ex2_flat, asn, adn, g_flat)


def _epi_body(vp_ref, vm_ref, sp_ref, sm_ref, adn_ref, gb_ref, lg_ref, lb_ref,
              h_ref):
    vp = vp_ref[0, 0]
    vm = vm_ref[0, 0]
    sp = sp_ref[0, 0]
    sm = sm_ref[0, 0]
    adnv = adn_ref[0]
    fp = jnp.exp(adnv)
    fm = jnp.exp(0.2 * adnv)
    num = fp * vp + fm * vm
    den = fp * sp + fm * sm + 1e-16
    o = num / den + gb_ref[...]
    mean = jnp.mean(o, axis=1, keepdims=True)
    var = jnp.mean((o - mean) ** 2, axis=1, keepdims=True)
    h = (o - mean) / jnp.sqrt(var + EPS) * lg_ref[0] + lb_ref[0]
    h_ref[0] = h


def _epilogue(vacc, sacc, adapl, gat_b, ln_g, ln_b):
    grid = (T, APL // RBE)
    sacc3 = sacc.reshape(2, T, APL, 1)
    return pl.pallas_call(
        _epi_body,
        grid=grid,
        in_specs=[
            pl.BlockSpec((1, 1, RBE, D), lambda t, i: (0, t, i, 0)),
            pl.BlockSpec((1, 1, RBE, D), lambda t, i: (1, t, i, 0)),
            pl.BlockSpec((1, 1, RBE, 1), lambda t, i: (0, t, i, 0)),
            pl.BlockSpec((1, 1, RBE, 1), lambda t, i: (1, t, i, 0)),
            pl.BlockSpec((1, RBE, 1), lambda t, i: (t, i, 0)),
            pl.BlockSpec((1, D), lambda t, i: (0, 0)),
            pl.BlockSpec((1, 1, D), lambda t, i: (t, 0, 0)),
            pl.BlockSpec((1, 1, D), lambda t, i: (t, 0, 0)),
        ],
        out_specs=pl.BlockSpec((1, RBE, D), lambda t, i: (t, i, 0)),
        out_shape=jax.ShapeDtypeStruct((T, APL, D), jnp.float32),
    )(vacc, vacc, sacc3, sacc3, adapl.reshape(T, APL, 1),
      gat_b.reshape(1, D), ln_g.reshape(T, 1, D), ln_b.reshape(T, 1, D))


def _sc_agg_body(src_hbm, dst_hbm, h_hbm, agg, srcb, dstb, idxg, idxs, rows,
                 zbuf, acc, sem):
    c = lax.axis_index("c")
    s = lax.axis_index("s")
    zero16 = jnp.zeros((16,), jnp.float32)

    def zfill(i, _):
        r = i // 8
        j = i % 8
        zbuf[r, pl.ds(j * 16, 16)] = zero16
        return 0

    lax.fori_loop(0, 128 * 8, zfill, 0)

    def t_body(t, _):
        ebase = t * E + c * (E // 2) + s * EPT3
        pltpu.sync_copy(src_hbm.at[pl.ds(ebase, EPT3)], srcb)
        pltpu.sync_copy(dst_hbm.at[pl.ds(ebase, EPT3)], dstb)

        def zc(q, _):
            pltpu.sync_copy(zbuf, acc.at[pl.ds(s * 640 + q * 128, 128)])
            return 0

        lax.fori_loop(0, 5, zc, 0)
        plsc.subcore_barrier()

        def chunk(ci, _):
            for v in range(5):
                off = ci * CH + v * 16
                sv = srcb[pl.ds(off, 16)]
                dv = dstb[pl.ds(off, 16)]
                idxg[pl.ds(v * 16, 16)] = sv + t * APL
                idxs[pl.ds(v * 16, 16)] = dv
            pltpu.async_copy(h_hbm.at[idxg], rows, sem).wait()
            pltpu.sync_copy(rows, acc.at[idxs], add=True)
            return 0

        lax.fori_loop(0, EPT3 // CH, chunk, 0)
        plsc.subcore_barrier()

        def wb(q, _):
            r = s * 640 + q * 128
            pltpu.sync_copy(acc.at[pl.ds(r, 128)], agg.at[c, t, pl.ds(r, 128)])
            return 0

        lax.fori_loop(0, 5, wb, 0)
        return 0

    lax.fori_loop(0, T, t_body, 0)


def _sc_agg(src_flat, dst_flat, h_flat):
    mesh = plsc.VectorSubcoreMesh(core_axis_name="c", subcore_axis_name="s")
    f = functools.partial(
        pl.kernel,
        out_type=jax.ShapeDtypeStruct((2, T, APL, D), jnp.float32),
        mesh=mesh,
        scratch_types=[
            pltpu.VMEM((EPT3,), jnp.int32),
            pltpu.VMEM((EPT3,), jnp.int32),
            pltpu.VMEM((CH,), jnp.int32),
            pltpu.VMEM((CH,), jnp.int32),
            pltpu.VMEM((CH, D), jnp.float32),
            pltpu.VMEM((128, D), jnp.float32),
            pltpu.VMEM_SHARED((APL, D), jnp.float32),
            pltpu.SemaphoreType.DMA,
        ],
    )(_sc_agg_body)
    return f(src_flat, dst_flat, h_flat)


def _mlp_body(tx_ref, agg_ref, w1_ref, b1_ref, w2_ref, b2_ref, w3_ref, b3_ref,
              out_ref):
    acc = jnp.dot(tx_ref[...], w1_ref[0], preferred_element_type=jnp.float32)
    for t in range(T):
        m = agg_ref[0, t] + agg_ref[1, t]
        acc = acc + jnp.dot(m, w1_ref[t + 1], preferred_element_type=jnp.float32)
    h1 = jnp.maximum(acc + b1_ref[...], 0.0)
    h2 = jnp.maximum(
        jnp.dot(h1, w2_ref[...], preferred_element_type=jnp.float32)
        + b2_ref[...], 0.0)
    out_ref[...] = (
        jnp.dot(h2, w3_ref[...], preferred_element_type=jnp.float32)
        + b3_ref[...])


def _mlp(tx_x, agg, w1, b1, w2, b2, w3, b3):
    grid = (NTX // RB,)
    return pl.pallas_call(
        _mlp_body,
        grid=grid,
        in_specs=[
            pl.BlockSpec((RB, D), lambda i: (i, 0)),
            pl.BlockSpec((2, T, RB, D), lambda i: (0, 0, i, 0)),
            pl.BlockSpec((T + 1, D, D), lambda i: (0, 0, 0)),
            pl.BlockSpec((1, D), lambda i: (0, 0)),
            pl.BlockSpec((D, 64), lambda i: (0, 0)),
            pl.BlockSpec((1, 64), lambda i: (0, 0)),
            pl.BlockSpec((64, 1), lambda i: (0, 0)),
            pl.BlockSpec((1, 1), lambda i: (0, 0)),
        ],
        out_specs=pl.BlockSpec((RB, 1), lambda i: (i, 0)),
        out_shape=jax.ShapeDtypeStruct((NTX, 1), jnp.float32),
    )(tx_x, agg, w1.reshape(T + 1, D, D), b1.reshape(1, D), w2,
      b2.reshape(1, 64), w3, b3.reshape(1, 1))


def kernel(tx_x, entity_x, edge_index, emb_tables, tx_w, tx_b, gat_w,
           att_src, att_dst, gat_b, ln_g, ln_b, w1, b1, w2, b2, w3, b3):
    g4, as4, ad4 = _build_tables(emb_tables, gat_w, att_src, att_dst)
    g_flat = g4.reshape(GR, D)
    as_flat = as4.reshape(TV)
    ad_flat = ad4.reshape(TV)
    edge_index = edge_index.astype(jnp.int32)
    src_flat = edge_index[:, 0, :].reshape(T * E)
    dst_flat = edge_index[:, 1, :].reshape(T * E)
    toff = jnp.arange(T, dtype=jnp.int32)[:, None]
    srcx_flat = (edge_index[:, 0, :] + toff * NENT).reshape(T * E)
    dstx_flat = (edge_index[:, 1, :] + toff * NENT).reshape(T * E)
    ex2 = entity_x.astype(jnp.int32) + toff * VOCAB
    ex2_flat = jnp.pad(ex2.reshape(T * NENT), (0, TNP2 - T * NENT))
    asn, adn, adapl = _sc_nodes(ex2_flat, as_flat, ad_flat)
    vacc, sacc = _sc_edge(srcx_flat, dstx_flat, ex2_flat, asn, adn, g_flat)
    h = _epilogue(vacc, sacc, adapl, gat_b, ln_g, ln_b)
    h_flat = h.reshape(T * APL, D)
    agg = _sc_agg(src_flat, dst_flat, h_flat)
    return _mlp(tx_x, agg, w1, b1, w2, b2, w3, b3)

# --- scband reference (transcript-rebuilt; emitter-appended) ---
"""Pipeline reference for scband-fraud-detector-gat-87445534147094 (READ-ONLY COPY).

The authoritative reference and input builder live on the scoring server;
editing this copy changes nothing except your own understanding.
"""

import jax, jax.numpy as jnp
import numpy as np

N_TX = 10000
N_ENT = 10000
E = 320000
T = 11
D = 128
VOCAB = 10000
EPS = 1e-5


def _layernorm(x, g, b):
    m = x.mean(-1, keepdims=True)
    v = ((x - m) ** 2).mean(-1, keepdims=True)
    return (x - m) / jnp.sqrt(v + EPS) * g + b


def _gat_conv(x, src, dst, W, a_s, a_d, bias):
    # PyG GATConv with heads=1, concat=True, eval mode (dropout off)
    xp = x @ W  # [N, D]
    alpha_src = (xp * a_s).sum(-1)  # [N]
    alpha_dst = (xp * a_d).sum(-1)  # [N]
    e = alpha_src[src] + alpha_dst[dst]
    e = jnp.where(e > 0, e, 0.2 * e)  # LeakyReLU(0.2)
    N = x.shape[0]
    emax = jax.ops.segment_max(e, dst, num_segments=N)
    emax = jnp.where(jnp.isfinite(emax), emax, 0.0)
    ee = jnp.exp(e - jax.lax.stop_gradient(emax)[dst])
    denom = jax.ops.segment_sum(ee, dst, num_segments=N)
    alpha = ee / (denom[dst] + 1e-16)
    out = jax.ops.segment_sum(alpha[:, None] * xp[src], dst, num_segments=N)
    return out + bias


def setup_inputs(seed: int = 0):
    key = jax.random.key(seed)
    ks = jax.random.split(key, 16)
    inp = {}
    inp['tx_x'] = jax.random.normal(ks[0], (N_TX, D), jnp.float32)
    inp['entity_x'] = jax.random.randint(ks[1], (T, N_ENT), 0, VOCAB)
    src = jax.random.randint(ks[2], (T, 1, E), 0, N_ENT)
    dst = jax.random.randint(ks[3], (T, 1, E), 0, N_TX)
    inp['edge_index'] = jnp.concatenate([src, dst], axis=1)  # [T, 2, E]
    inp['emb_tables'] = jax.random.normal(ks[4], (T, VOCAB, D), jnp.float32) * 0.02
    inp['tx_w'] = jax.random.normal(ks[5], (D, D), jnp.float32) / np.sqrt(D)
    inp['tx_b'] = jnp.zeros((D,), jnp.float32)
    inp['gat_w'] = jax.random.normal(ks[6], (D, D), jnp.float32) / np.sqrt(D)
    inp['att_src'] = jax.random.normal(ks[7], (D,), jnp.float32) * 0.1
    inp['att_dst'] = jax.random.normal(ks[8], (D,), jnp.float32) * 0.1
    inp['gat_b'] = jnp.zeros((D,), jnp.float32)
    inp['ln_g'] = jnp.ones((T, D), jnp.float32)
    inp['ln_b'] = jnp.zeros((T, D), jnp.float32)
    c_in = D + D * T
    inp['w1'] = jax.random.normal(ks[9], (c_in, D), jnp.float32) / np.sqrt(c_in)
    inp['b1'] = jnp.zeros((D,), jnp.float32)
    inp['w2'] = jax.random.normal(ks[10], (D, 64), jnp.float32) / np.sqrt(D)
    inp['b2'] = jnp.zeros((64,), jnp.float32)
    inp['w3'] = jax.random.normal(ks[11], (64, 1), jnp.float32) / 8.0
    inp['b3'] = jnp.zeros((1,), jnp.float32)
    return inp


def reference(tx_x, entity_x, edge_index, emb_tables, tx_w, tx_b, gat_w, att_src, att_dst, gat_b, ln_g, ln_b, w1, b1, w2, b2, w3, b3):
    tx_h = tx_x @ tx_w + tx_b  # computed but unused, matches original forward
    msgs = []
    for t in range(T):
        emb = jnp.take(emb_tables[t], entity_x[t], axis=0)  # [N_ENT, D]
        src = edge_index[t, 0]
        dst = edge_index[t, 1]
        h = _gat_conv(emb, src, dst, gat_w, att_src, att_dst, gat_b)
        h = _layernorm(h, ln_g[t], ln_b[t])
        agg = jax.ops.segment_sum(h[src], dst, num_segments=N_TX)  # index_add_
        msgs.append(agg)
    combined = jnp.concatenate([tx_x] + msgs, axis=-1)
    h1 = jax.nn.relu(combined @ w1 + b1)
    h2 = jax.nn.relu(h1 @ w2 + b2)
    logits = h2 @ w3 + b3
    return logits

if __name__ == "__main__":
    import jax
    _d = setup_inputs()
    print(jax.jit(kernel)(*tuple(_d.values())))

</pallas_src>

<mosaic_0001>
#map = affine_map<(d0, d1) -> (0)>
module attributes {stable_mosaic.version = 14 : i64} {
  func.func @_sc_nodes_body(%arg0: i32, %arg1: i32, %arg2: memref<112640xi32, #tpu.memory_space<hbm>>, %arg3: memref<110000xf32, #tpu.memory_space<hbm>>, %arg4: memref<110000xf32, #tpu.memory_space<hbm>>, %arg5: memref<112640xf32, #tpu.memory_space<hbm>>, %arg6: memref<112640xf32, #tpu.memory_space<hbm>>, %arg7: memref<112640xf32, #tpu.memory_space<hbm>>, %arg8: memref<7040xi32, #tpu.memory_space<vmem>>, %arg9: memref<7040xf32, #tpu.memory_space<vmem>>, %arg10: memref<640xi32, #tpu.memory_space<vmem>>, %arg11: memref<640xf32, #tpu.memory_space<vmem>>, %arg12: memref<!tpu.dma_semaphore, #tpu.memory_space<semaphore_mem>>) attributes {dimension_semantics = [#tpu.dimension_semantics<core_parallel>, #tpu.dimension_semantics<subcore_parallel>], iteration_bounds = array<i64: 2, 16>, scalar_prefetch = 0 : i64, scratch_operands = 5 : i64, tpu.core_type = #tpu.core_type<sc_vector_subcore>, window_params = [{transform_indices = #map}, {transform_indices = #map}, {transform_indices = #map}, {transform_indices = #map}, {transform_indices = #map}, {transform_indices = #map}]} {
    %mul3A = arith.constant 7040 : i32
    %mul3A_0 = arith.muli %arg1, %mul3A : i32
    "tpu.region"() ({
      %run_scoped3A = tpu.sem_alloc : memref<!tpu.dma_semaphore, #tpu.memory_space<semaphore_mem>>
      %dma_start3A = tpu.memref_slice %arg2[%mul3A_0] : memref<112640xi32, #tpu.memory_space<hbm>> -> memref<7040xi32, #tpu.memory_space<hbm>>
      %dma_start3A_8 = tpu.memref_slice %arg2[%mul3A_0] : memref<112640xi32, #tpu.memory_space<hbm>> -> memref<7040xi32, #tpu.memory_space<hbm>>
      tpu.enqueue_dma source(%dma_start3A_8 : memref<7040xi32, #tpu.memory_space<hbm>>) target(%arg8 : memref<7040xi32, #tpu.memory_space<vmem>>) target_semaphore(%run_scoped3A : memref<!tpu.dma_semaphore, #tpu.memory_space<semaphore_mem>>)
      %dma_wait3A = tpu.memref_slice %arg2[%mul3A_0] : memref<112640xi32, #tpu.memory_space<hbm>> -> memref<7040xi32, #tpu.memory_space<hbm>>
      %dma_wait3A_9 = tpu.memref_slice %arg2[%mul3A_0] : memref<112640xi32, #tpu.memory_space<hbm>> -> memref<7040xi32, #tpu.memory_space<hbm>>
      tpu.wait_dma2 semaphore(%run_scoped3A : memref<!tpu.dma_semaphore, #tpu.memory_space<semaphore_mem>>) src(%dma_wait3A_9 : memref<7040xi32, #tpu.memory_space<hbm>>) dst(%arg8 : memref<7040xi32, #tpu.memory_space<vmem>>)
      tpu.yield
    }) : () -> ()
    %eq3A = arith.constant 0 : i32
    %eq3A_1 = arith.cmpi eq, %arg0, %eq3A : i32
    %convert_element_type3A = arith.extui %eq3A_1 : i1 to i32
    %cond3A = arith.constant 0 : i32
    %cond3A_2 = arith.cmpi ne, %convert_element_type3A, %cond3A : i32
    scf.if %cond3A_2 {
      %scan3A = arith.constant 0 : i32
      %scan3A_8 = arith.constant 0 : i32
      %scan3A_9 = arith.constant 11 : i32
      %scan3A_10 = arith.addi %scan3A_8, %scan3A_9 : i32
      %scan3A_11 = arith.constant 1 : i32
      %scan3A_12 = scf.for %scan3A_21 = %scan3A_8 to %scan3A_10 step %scan3A_11 iter_args(%scan3A_22 = %scan3A) -> (i32)  : i32 {
        %scan3A_23 = arith.constant 0 : i32
        %scan3A_24 = arith.constant 0 : i32
        %scan3A_25 = arith.constant 8 : i32
        %scan3A_26 = arith.addi %scan3A_24, %scan3A_25 : i32
        %scan3A_27 = arith.constant 1 : i32
        %scan3A_28 = scf.for %scan3A_38 = %scan3A_24 to %scan3A_26 step %scan3A_27 iter_args(%scan3A_39 = %scan3A_23) -> (i32)  : i32 {
          %mul3A_40 = arith.constant 8 : i32
          %mul3A_41 = arith.muli %scan3A_21, %mul3A_40 : i32
          %add3A = arith.addi %mul3A_41, %scan3A_38 : i32
          %mul3A_42 = arith.constant 80 : i32
          %mul3A_43 = arith.muli %add3A, %mul3A_42 : i32
          %dma_start3A = tpu.memref_slice %arg9[%mul3A_43] : memref<7040xf32, #tpu.memory_space<vmem>> -> memref<80xf32, #tpu.memory_space<vmem>>
          %dma_start3A_44 = tpu.memref_slice %arg8[%mul3A_43] : memref<7040xi32, #tpu.memory_space<vmem>> -> memref<80xi32, #tpu.memory_space<vmem>>
          %dma_start3A_45 = arith.constant 0 : i32
          %dma_start3A_46 = tpu.memref_slice %arg3[%dma_start3A_45] : memref<110000xf32, #tpu.memory_space<hbm>> -> memref<110000xf32, #tpu.memory_space<hbm>>
          tpu.enqueue_indirect_dma source(%dma_start3A_46 : memref<110000xf32, #tpu.memory_space<hbm>>) target(%dma_start3A : memref<80xf32, #tpu.memory_space<vmem>>) offsets(%dma_start3A_44 : memref<80xi32, #tpu.memory_space<vmem>>) semaphore(%arg12 : memref<!tpu.dma_semaphore, #tpu.memory_space<semaphore_mem>>)
          %scan3A_47 = arith.constant 0 : i32
          scf.yield %scan3A_47 : i32
        }
        %scan3A_29 = arith.constant 8 : i32
        %scan3A_30 = arith.constant 0 : i32
        %scan3A_31 = arith.constant 0 : i32
        %scan3A_32 = arith.constant 8 : i32
        %scan3A_33 = arith.addi %scan3A_31, %scan3A_32 : i32
        %scan3A_34 = arith.constant 1 : i32
        %scan3A_35 = scf.for %scan3A_38 = %scan3A_31 to %scan3A_33 step %scan3A_34 iter_args(%scan3A_39 = %scan3A_30) -> (i32)  : i32 {
          %mul3A_40 = arith.constant 8 : i32
          %mul3A_41 = arith.muli %scan3A_21, %mul3A_40 : i32
          %add3A = arith.addi %mul3A_41, %scan3A_38 : i32
          %mul3A_42 = arith.constant 80 : i32
          %mul3A_43 = arith.muli %add3A, %mul3A_42 : i32
          %dma_wait3A = tpu.memref_slice %arg9[%mul3A_43] : memref<7040xf32, #tpu.memory_space<vmem>> -> memref<80xf32, #tpu.memory_space<vmem>>
          %dma_wait3A_44 = tpu.memref_slice %arg8[%mul3A_43] : memref<7040xi32, #tpu.memory_space<vmem>> -> memref<80xi32, #tpu.memory_space<vmem>>
          %dma_wait3A_45 = arith.constant 0 : i32
          %dma_wait3A_46 = tpu.memref_slice %arg3[%dma_wait3A_45] : memref<110000xf32, #tpu.memory_space<hbm>> -> memref<110000xf32, #tpu.memory_space<hbm>>
          tpu.wait_indirect_dma semaphore(%arg12 : memref<!tpu.dma_semaphore, #tpu.memory_space<semaphore_mem>>) src(%dma_wait3A_46 : memref<110000xf32, #tpu.memory_space<hbm>>) dst(%dma_wait3A : memref<80xf32, #tpu.memory_space<vmem>>)
          %scan3A_47 = arith.constant 0 : i32
          scf.yield %scan3A_47 : i32
        }
        %scan3A_36 = arith.constant 8 : i32
        %scan3A_37 = arith.constant 0 : i32
        scf.yield %scan3A_37 : i32
      }
      %scan3A_13 = arith.constant 11 : i32
      "tpu.region"() ({
        %run_scoped3A = tpu.sem_alloc : memref<!tpu.dma_semaphore, #tpu.memory_space<semaphore_mem>>
        %dma_start3A = tpu.memref_slice %arg5[%mul3A_0] : memref<112640xf32, #tpu.memory_space<hbm>> -> memref<7040xf32, #tpu.memory_space<hbm>>
        %dma_start3A_21 = tpu.memref_slice %arg5[%mul3A_0] : memref<112640xf32, #tpu.memory_space<hbm>> -> memref<7040xf32, #tpu.memory_space<hbm>>
        tpu.enqueue_dma source(%arg9 : memref<7040xf32, #tpu.memory_space<vmem>>) target(%dma_start3A_21 : memref<7040xf32, #tpu.memory_space<hbm>>) target_semaphore(%run_scoped3A : memref<!tpu.dma_semaphore, #tpu.memory_space<semaphore_mem>>)
        %dma_wait3A = tpu.memref_slice %arg5[%mul3A_0] : memref<112640xf32, #tpu.memory_space<hbm>> -> memref<7040xf32, #tpu.memory_space<hbm>>
        %dma_wait3A_22 = tpu.memref_slice %arg5[%mul3A_0] : memref<112640xf32, #tpu.memory_space<hbm>> -> memref<7040xf32, #tpu.memory_space<hbm>>
        tpu.wait_dma2 semaphore(%run_scoped3A : memref<!tpu.dma_semaphore, #tpu.memory_space<semaphore_mem>>) src(%arg9 : memref<7040xf32, #tpu.memory_space<vmem>>) dst(%dma_wait3A_22 : memref<7040xf32, #tpu.memory_space<hbm>>)
        tpu.yield
      }) : () -> ()
      %scan3A_14 = arith.constant 0 : i32
      %scan3A_15 = arith.constant 0 : i32
      %scan3A_16 = arith.constant 11 : i32
      %scan3A_17 = arith.addi %scan3A_15, %scan3A_16 : i32
      %scan3A_18 = arith.constant 1 : i32
      %scan3A_19 = scf.for %scan3A_21 = %scan3A_15 to %scan3A_17 step %scan3A_18 iter_args(%scan3A_22 = %scan3A_14) -> (i32)  : i32 {
        %mul3A_23 = arith.constant 640 : i32
        %mul3A_24 = arith.muli %arg1, %mul3A_23 : i32
        %mul3A_25 = arith.constant 10000 : i32
        %mul3A_26 = arith.muli %scan3A_21, %mul3A_25 : i32
        %add3A = arith.addi %mul3A_26, %mul3A_24 : i32
        "tpu.region"() ({
          %run_scoped3A = tpu.sem_alloc : memref<!tpu.dma_semaphore, #tpu.memory_space<semaphore_mem>>
          %dma_start3A = tpu.memref_slice %arg2[%add3A] : memref<112640xi32, #tpu.memory_space<hbm>> -> memref<640xi32, #tpu.memory_space<hbm>>
          %dma_start3A_45 = tpu.memref_slice %arg2[%add3A] : memref<112640xi32, #tpu.memory_space<hbm>> -> memref<640xi32, #tpu.memory_space<hbm>>
          tpu.enqueue_dma source(%dma_start3A_45 : memref<640xi32, #tpu.memory_space<hbm>>) target(%arg10 : memref<640xi32, #tpu.memory_space<vmem>>) target_semaphore(%run_scoped3A : memref<!tpu.dma_semaphore, #tpu.memory_space<semaphore_mem>>)
          %dma_wait3A = tpu.memref_slice %arg2[%add3A] : memref<112640xi32, #tpu.memory_space<hbm>> -> memref<640xi32, #tpu.memory_space<hbm>>
          %dma_wait3A_46 = tpu.memref_slice %arg2[%add3A] : memref<112640xi32, #tpu.memory_space<hbm>> -> memref<640xi32, #tpu.memory_space<hbm>>
          tpu.wait_dma2 semaphore(%run_scoped3A : memref<!tpu.dma_semaphore, #tpu.memory_space<semaphore_mem>>) src(%dma_wait3A_46 : memref<640xi32, #tpu.memory_space<hbm>>) dst(%arg10 : memref<640xi32, #tpu.memory_space<vmem>>)
          tpu.yield
        }) : () -> ()
        %scan3A_27 = arith.constant 0 : i32
        %scan3A_28 = arith.constant 0 : i32
        %scan3A_29 = arith.constant 8 : i32
        %scan3A_30 = arith.addi %scan3A_28, %scan3A_29 : i32
        %scan3A_31 = arith.constant 1 : i32
        %scan3A_32 = scf.for %scan3A_45 = %scan3A_28 to %scan3A_30 step %scan3A_31 iter_args(%scan3A_46 = %scan3A_27) -> (i32)  : i32 {
          %mul3A_47 = arith.constant 80 : i32
          %mul3A_48 = arith.muli %scan3A_45, %mul3A_47 : i32
          %dma_start3A = tpu.memref_slice %arg11[%mul3A_48] : memref<640xf32, #tpu.memory_space<vmem>> -> memref<80xf32, #tpu.memory_space<vmem>>
          %dma_start3A_49 = tpu.memref_slice %arg10[%mul3A_48] : memref<640xi32, #tpu.memory_space<vmem>> -> memref<80xi32, #tpu.memory_space<vmem>>
          %dma_start3A_50 = arith.constant 0 : i32
          %dma_start3A_51 = tpu.memref_slice %arg4[%dma_start3A_50] : memref<110000xf32, #tpu.memory_space<hbm>> -> memref<110000xf32, #tpu.memory_space<hbm>>
          tpu.enqueue_indirect_dma source(%dma_start3A_51 : memref<110000xf32, #tpu.memory_space<hbm>>) target(%dma_start3A : memref<80xf32, #tpu.memory_space<vmem>>) offsets(%dma_start3A_49 : memref<80xi32, #tpu.memory_space<vmem>>) semaphore(%arg12 : memref<!tpu.dma_semaphore, #tpu.memory_space<semaphore_mem>>)
          %scan3A_52 = arith.constant 0 : i32
          scf.yield %scan3A_52 : i32
        }
        %scan3A_33 = arith.constant 8 : i32
        %scan3A_34 = arith.constant 0 : i32
        %scan3A_35 = arith.constant 0 : i32
        %scan3A_36 = arith.constant 8 : i32
        %scan3A_37 = arith.addi %scan3A_35, %scan3A_36 : i32
        %scan3A_38 = arith.constant 1 : i32
        %scan3A_39 = scf.for %scan3A_45 = %scan3A_35 to %scan3A_37 step %scan3A_38 iter_args(%scan3A_46 = %scan3A_34) -> (i32)  : i32 {
          %mul3A_47 = arith.constant 80 : i32
          %mul3A_48 = arith.muli %scan3A_45, %mul3A_47 : i32
          %dma_wait3A = tpu.memref_slice %arg11[%mul3A_48] : memref<640xf32, #tpu.memory_space<vmem>> -> memref<80xf32, #tpu.memory_space<vmem>>
          %dma_wait3A_49 = tpu.memref_slice %arg10[%mul3A_48] : memref<640xi32, #tpu.memory_space<vmem>> -> memref<80xi32, #tpu.memory_space<vmem>>
          %dma_wait3A_50 = arith.constant 0 : i32
          %dma_wait3A_51 = tpu.memref_slice %arg4[%dma_wait3A_50] : memref<110000xf32, #tpu.memory_space<hbm>> -> memref<110000xf32, #tpu.memory_space<hbm>>
          tpu.wait_indirect_dma semaphore(%arg12 : memref<!tpu.dma_semaphore, #tpu.memory_space<semaphore_mem>>) src(%dma_wait3A_51 : memref<110000xf32, #tpu.memory_space<hbm>>) dst(%dma_wait3A : memref<80xf32, #tpu.memory_space<vmem>>)
          %scan3A_52 = arith.constant 0 : i32
          scf.yield %scan3A_52 : i32
        }
        %scan3A_40 = arith.constant 8 : i32
        %mul3A_41 = arith.constant 10240 : i32
        %mul3A_42 = arith.muli %scan3A_21, %mul3A_41 : i32
        %add3A_43 = arith.addi %mul3A_42, %mul3A_24 : i32
        "tpu.region"() ({
          %run_scoped3A = tpu.sem_alloc : memref<!tpu.dma_semaphore, #tpu.memory_space<semaphore_mem>>
          %dma_start3A = tpu.memref_slice %arg7[%add3A_43] : memref<112640xf32, #tpu.memory_space<hbm>> -> memref<640xf32, #tpu.memory_space<hbm>>
          %dma_start3A_45 = tpu.memref_slice %arg7[%add3A_43] : memref<112640xf32, #tpu.memory_space<hbm>> -> memref<640xf32, #tpu.memory_space<hbm>>
          tpu.enqueue_dma source(%arg11 : memref<640xf32, #tpu.memory_space<vmem>>) target(%dma_start3A_45 : memref<640xf32, #tpu.memory_space<hbm>>) target_semaphore(%run_scoped3A : memref<!tpu.dma_semaphore, #tpu.memory_space<semaphore_mem>>)
          %dma_wait3A = tpu.memref_slice %arg7[%add3A_43] : memref<112640xf32, #tpu.memory_space<hbm>> -> memref<640xf32, #tpu.memory_space<hbm>>
          %dma_wait3A_46 = tpu.memref_slice %arg7[%add3A_43] : memref<112640xf32, #tpu.memory_space<hbm>> -> memref<640xf32, #tpu.memory_space<hbm>>
          tpu.wait_dma2 semaphore(%run_scoped3A : memref<!tpu.dma_semaphore, #tpu.memory_space<semaphore_mem>>) src(%arg11 : memref<640xf32, #tpu.memory_space<vmem>>) dst(%dma_wait3A_46 : memref<640xf32, #tpu.memory_space<hbm>>)
          tpu.yield
        }) : () -> ()
        %scan3A_44 = arith.constant 0 : i32
        scf.yield %scan3A_44 : i32
      }
      %scan3A_20 = arith.constant 11 : i32
    } else {
    }
    %eq3A_3 = arith.constant 1 : i32
    %eq3A_4 = arith.cmpi eq, %arg0, %eq3A_3 : i32
    %convert_element_type3A_5 = arith.extui %eq3A_4 : i1 to i32
    %cond3A_6 = arith.constant 0 : i32
    %cond3A_7 = arith.cmpi ne, %convert_element_type3A_5, %cond3A_6 : i32
    scf.if %cond3A_7 {
      %scan3A = arith.constant 0 : i32
      %scan3A_8 = arith.constant 0 : i32
      %scan3A_9 = arith.constant 11 : i32
      %scan3A_10 = arith.addi %scan3A_8, %scan3A_9 : i32
      %scan3A_11 = arith.constant 1 : i32
      %scan3A_12 = scf.for %scan3A_14 = %scan3A_8 to %scan3A_10 step %scan3A_11 iter_args(%scan3A_15 = %scan3A) -> (i32)  : i32 {
        %scan3A_16 = arith.constant 0 : i32
        %scan3A_17 = arith.constant 0 : i32
        %scan3A_18 = arith.constant 8 : i32
        %scan3A_19 = arith.addi %scan3A_17, %scan3A_18 : i32
        %scan3A_20 = arith.constant 1 : i32
        %scan3A_21 = scf.for %scan3A_31 = %scan3A_17 to %scan3A_19 step %scan3A_20 iter_args(%scan3A_32 = %scan3A_16) -> (i32)  : i32 {
          %mul3A_33 = arith.constant 8 : i32
          %mul3A_34 = arith.muli %scan3A_14, %mul3A_33 : i32
          %add3A = arith.addi %mul3A_34, %scan3A_31 : i32
          %mul3A_35 = arith.constant 80 : i32
          %mul3A_36 = arith.muli %add3A, %mul3A_35 : i32
          %dma_start3A = tpu.memref_slice %arg9[%mul3A_36] : memref<7040xf32, #tpu.memory_space<vmem>> -> memref<80xf32, #tpu.memory_space<vmem>>
          %dma_start3A_37 = tpu.memref_slice %arg8[%mul3A_36] : memref<7040xi32, #tpu.memory_space<vmem>> -> memref<80xi32, #tpu.memory_space<vmem>>
          %dma_start3A_38 = arith.constant 0 : i32
          %dma_start3A_39 = tpu.memref_slice %arg4[%dma_start3A_38] : memref<110000xf32, #tpu.memory_space<hbm>> -> memref<110000xf32, #tpu.memory_space<hbm>>
          tpu.enqueue_indirect_dma source(%dma_start3A_39 : memref<110000xf32, #tpu.memory_space<hbm>>) target(%dma_start3A : memref<80xf32, #tpu.memory_space<vmem>>) offsets(%dma_start3A_37 : memref<80xi32, #tpu.memory_space<vmem>>) semaphore(%arg12 : memref<!tpu.dma_semaphore, #tpu.memory_space<semaphore_mem>>)
          %scan3A_40 = arith.constant 0 : i32
          scf.yield %scan3A_40 : i32
        }
        %scan3A_22 = arith.constant 8 : i32
        %scan3A_23 = arith.constant 0 : i32
        %scan3A_24 = arith.constant 0 : i32
        %scan3A_25 = arith.constant 8 : i32
        %scan3A_26 = arith.addi %scan3A_24, %scan3A_25 : i32
        %scan3A_27 = arith.constant 1 : i32
        %scan3A_28 = scf.for %scan3A_31 = %scan3A_24 to %scan3A_26 step %scan3A_27 iter_args(%scan3A_32 = %scan3A_23) -> (i32)  : i32 {
          %mul3A_33 = arith.constant 8 : i32
          %mul3A_34 = arith.muli %scan3A_14, %mul3A_33 : i32
          %add3A = arith.addi %mul3A_34, %scan3A_31 : i32
          %mul3A_35 = arith.constant 80 : i32
          %mul3A_36 = arith.muli %add3A, %mul3A_35 : i32
          %dma_wait3A = tpu.memref_slice %arg9[%mul3A_36] : memref<7040xf32, #tpu.memory_space<vmem>> -> memref<80xf32, #tpu.memory_space<vmem>>
          %dma_wait3A_37 = tpu.memref_slice %arg8[%mul3A_36] : memref<7040xi32, #tpu.memory_space<vmem>> -> memref<80xi32, #tpu.memory_space<vmem>>
          %dma_wait3A_38 = arith.constant 0 : i32
          %dma_wait3A_39 = tpu.memref_slice %arg4[%dma_wait3A_38] : memref<110000xf32, #tpu.memory_space<hbm>> -> memref<110000xf32, #tpu.memory_space<hbm>>
          tpu.wait_indirect_dma semaphore(%arg12 : memref<!tpu.dma_semaphore, #tpu.memory_space<semaphore_mem>>) src(%dma_wait3A_39 : memref<110000xf32, #tpu.memory_space<hbm>>) dst(%dma_wait3A : memref<80xf32, #tpu.memory_space<vmem>>)
          %scan3A_40 = arith.constant 0 : i32
          scf.yield %scan3A_40 : i32
        }
        %scan3A_29 = arith.constant 8 : i32
        %scan3A_30 = arith.constant 0 : i32
        scf.yield %scan3A_30 : i32
      }
      %scan3A_13 = arith.constant 11 : i32
      "tpu.region"() ({
        %run_scoped3A = tpu.sem_alloc : memref<!tpu.dma_semaphore, #tpu.memory_space<semaphore_mem>>
        %dma_start3A = tpu.memref_slice %arg6[%mul3A_0] : memref<112640xf32, #tpu.memory_space<hbm>> -> memref<7040xf32, #tpu.memory_space<hbm>>
        %dma_start3A_14 = tpu.memref_slice %arg6[%mul3A_0] : memref<112640xf32, #tpu.memory_space<hbm>> -> memref<7040xf32, #tpu.memory_space<hbm>>
        tpu.enqueue_dma source(%arg9 : memref<7040xf32, #tpu.memory_space<vmem>>) target(%dma_start3A_14 : memref<7040xf32, #tpu.memory_space<hbm>>) target_semaphore(%run_scoped3A : memref<!tpu.dma_semaphore, #tpu.memory_space<semaphore_mem>>)
        %dma_wait3A = tpu.memref_slice %arg6[%mul3A_0] : memref<112640xf32, #tpu.memory_space<hbm>> -> memref<7040xf32, #tpu.memory_space<hbm>>
        %dma_wait3A_15 = tpu.memref_slice %arg6[%mul3A_0] : memref<112640xf32, #tpu.memory_space<hbm>> -> memref<7040xf32, #tpu.memory_space<hbm>>
        tpu.wait_dma2 semaphore(%run_scoped3A : memref<!tpu.dma_semaphore, #tpu.memory_space<semaphore_mem>>) src(%arg9 : memref<7040xf32, #tpu.memory_space<vmem>>) dst(%dma_wait3A_15 : memref<7040xf32, #tpu.memory_space<hbm>>)
        tpu.yield
      }) : () -> ()
    } else {
    }
    return
  }
}

#map = affine_map<(d0, d1) -> (0)>
#map1 = affine_map<(d0, d1) -> (0, 0)>
#map2 = affine_map<(d0, d1) -> (0, 0, 0, 0)>
module attributes {stable_mosaic.version = 14 : i64} {
  func.func @_sc_agg_body(%arg0: i32, %arg1: i32, %arg2: memref<3520000xi32, #tpu.memory_space<hbm>>, %arg3: memref<3520000xi32, #tpu.memory_space<hbm>>, %arg4: memref<112640x128xf32, #tpu.memory_space<hbm>>, %arg5: memref<2x11x10240x128xf32, #tpu.memory_space<hbm>>, %arg6: memref<10000xi32, #tpu.memory_space<vmem>>, %arg7: memref<10000xi32, #tpu.memory_space<vmem>>, %arg8: memref<80xi32, #tpu.memory_space<vmem>>, %arg9: memref<80xi32, #tpu.memory_space<vmem>>, %arg10: memref<80x128xf32, #tpu.memory_space<vmem>>, %arg11: memref<128x128xf32, #tpu.memory_space<vmem>>, %arg12: memref<10240x128xf32, #tpu.memory_space<vmem_shared>>, %arg13: memref<!tpu.dma_semaphore, #tpu.memory_space<semaphore_mem>>) attributes {dimension_semantics = [#tpu.dimension_semantics<core_parallel>, #tpu.dimension_semantics<subcore_parallel>], iteration_bounds = array<i64: 2, 16>, scalar_prefetch = 0 : i64, scratch_operands = 8 : i64, tpu.core_type = #tpu.core_type<sc_vector_subcore>, window_params = [{transform_indices = #map}, {transform_indices = #map}, {transform_indices = #map1}, {transform_indices = #map2}]} {
    %broadcast_in_dim3A = arith.constant 0.000000e+00 : f32
    %broadcast_in_dim3A_0 = vector.broadcast %broadcast_in_dim3A : f32 to vector<16xf32>
    %scan3A = arith.constant 0 : i32
    %scan3A_1 = arith.constant 0 : i32
    %scan3A_2 = arith.constant 1024 : i32
    %scan3A_3 = arith.addi %scan3A_1, %scan3A_2 : i32
    %scan3A_4 = arith.constant 1 : i32
    %scan3A_5 = scf.for %scan3A_14 = %scan3A_1 to %scan3A_3 step %scan3A_4 iter_args(%scan3A_15 = %scan3A) -> (i32)  : i32 {
      %jit3A = arith.constant 8 : i32
      %div3A = arith.divsi %scan3A_14, %jit3A : i32
      %sign3A = arith.constant 0 : i32
      %sign3A_16 = arith.cmpi sgt, %scan3A_14, %sign3A : i32
      %sign3A_17 = arith.extui %sign3A_16 : i1 to i32
      %sign3A_18 = arith.constant 0 : i32
      %sign3A_19 = arith.cmpi slt, %scan3A_14, %sign3A_18 : i32
      %sign3A_20 = arith.extui %sign3A_19 : i1 to i32
      %sign3A_21 = arith.subi %sign3A_17, %sign3A_20 : i32
      %sign3A_22 = arith.constant 0 : i32
      %sign3A_23 = arith.cmpi sgt, %jit3A, %sign3A_22 : i32
      %sign3A_24 = arith.extui %sign3A_23 : i1 to i32
      %sign3A_25 = arith.constant 0 : i32
      %sign3A_26 = arith.cmpi slt, %jit3A, %sign3A_25 : i32
      %sign3A_27 = arith.extui %sign3A_26 : i1 to i32
      %sign3A_28 = arith.subi %sign3A_24, %sign3A_27 : i32
      %ne3A = arith.cmpi ne, %sign3A_21, %sign3A_28 : i32
      %rem3A = arith.remsi %scan3A_14, %jit3A : i32
      %ne3A_29 = arith.constant 0 : i32
      %ne3A_30 = arith.cmpi ne, %rem3A, %ne3A_29 : i32
      %and3A = arith.andi %ne3A, %ne3A_30 : i1
      %sub3A = arith.constant 1 : i32
      %sub3A_31 = arith.subi %div3A, %sub3A : i32
      %select_n3A = arith.select %and3A, %sub3A_31, %div3A : i32
      %jit3A_32 = arith.constant 8 : i32
      %eq3A = arith.constant 0 : i32
      %eq3A_33 = arith.cmpi eq, %jit3A_32, %eq3A : i32
      %jit3A_34 = arith.constant 1 : i32
      %select_n3A_35 = arith.select %eq3A_33, %jit3A_34, %jit3A_32 : i32
      %rem3A_36 = arith.remsi %scan3A_14, %select_n3A_35 : i32
      %ne3A_37 = arith.constant 0 : i32
      %ne3A_38 = arith.cmpi ne, %rem3A_36, %ne3A_37 : i32
      %lt3A = arith.constant 0 : i32
      %lt3A_39 = arith.cmpi slt, %rem3A_36, %lt3A : i32
      %lt3A_40 = arith.constant 0 : i32
      %lt3A_41 = arith.cmpi slt, %select_n3A_35, %lt3A_40 : i32
      %ne3A_42 = arith.xori %lt3A_39, %lt3A_41 : i1
      %and3A_43 = arith.andi %ne3A_42, %ne3A_38 : i1
      %add3A = arith.addi %rem3A_36, %select_n3A_35 : i32
      %select_n3A_44 = arith.select %and3A_43, %add3A, %rem3A_36 : i32
      %mul3A = arith.constant 16 : i32
      %mul3A_45 = arith.muli %select_n3A_44, %mul3A : i32
      %swap3A = arith.index_cast %select_n3A : i32 to index
      %swap3A_46 = arith.index_cast %mul3A_45 : i32 to index
      %swap3A_47 = tpu.vector_load %arg11[%swap3A, %swap3A_46] {strides = array<i32>} : memref<128x128xf32, #tpu.memory_space<vmem>>, vector<1x16xf32>,
      %swap3A_48 = vector.shape_cast %swap3A_47 : vector<1x16xf32> to vector<16xf32>
      %swap3A_49 = vector.shape_cast %broadcast_in_dim3A_0 : vector<16xf32> to vector<1x16xf32>
      tpu.vector_store %arg11[%swap3A, %swap3A_46], %swap3A_49 {strides = array<i32>} : memref<128x128xf32, #tpu.memory_space<vmem>>, vector<1x16xf32>,
      %scan3A_50 = arith.constant 0 : i32
      scf.yield %scan3A_50 : i32
    }
    %scan3A_6 = arith.constant 1024 : i32
    %scan3A_7 = arith.constant 0 : i32
    %scan3A_8 = arith.constant 0 : i32
    %scan3A_9 = arith.constant 11 : i32
    %scan3A_10 = arith.addi %scan3A_8, %scan3A_9 : i32
    %scan3A_11 = arith.constant 1 : i32
    %scan3A_12 = scf.for %scan3A_14 = %scan3A_8 to %scan3A_10 step %scan3A_11 iter_args(%scan3A_15 = %scan3A_7) -> (i32)  : i32 {
      %mul3A = arith.constant 320000 : i32
      %mul3A_16 = arith.muli %scan3A_14, %mul3A : i32
      %mul3A_17 = arith.constant 160000 : i32
      %mul3A_18 = arith.muli %arg0, %mul3A_17 : i32
      %add3A = arith.addi %mul3A_16, %mul3A_18 : i32
      %mul3A_19 = arith.constant 10000 : i32
      %mul3A_20 = arith.muli %arg1, %mul3A_19 : i32
      %add3A_21 = arith.addi %add3A, %mul3A_20 : i32
      "tpu.region"() ({
        %run_scoped3A = tpu.sem_alloc : memref<!tpu.dma_semaphore, #tpu.memory_space<semaphore_mem>>
        %dma_start3A = tpu.memref_slice %arg2[%add3A_21] : memref<3520000xi32, #tpu.memory_space<hbm>> -> memref<10000xi32, #tpu.memory_space<hbm>>
        %dma_start3A_45 = tpu.memref_slice %arg2[%add3A_21] : memref<3520000xi32, #tpu.memory_space<hbm>> -> memref<10000xi32, #tpu.memory_space<hbm>>
        tpu.enqueue_dma source(%dma_start3A_45 : memref<10000xi32, #tpu.memory_space<hbm>>) target(%arg6 : memref<10000xi32, #tpu.memory_space<vmem>>) target_semaphore(%run_scoped3A : memref<!tpu.dma_semaphore, #tpu.memory_space<semaphore_mem>>)
        %dma_wait3A = tpu.memref_slice %arg2[%add3A_21] : memref<3520000xi32, #tpu.memory_space<hbm>> -> memref<10000xi32, #tpu.memory_space<hbm>>
        %dma_wait3A_46 = tpu.memref_slice %arg2[%add3A_21] : memref<3520000xi32, #tpu.memory_space<hbm>> -> memref<10000xi32, #tpu.memory_space<hbm>>
        tpu.wait_dma2 semaphore(%run_scoped3A : memref<!tpu.dma_semaphore, #tpu.memory_space<semaphore_mem>>) src(%dma_wait3A_46 : memref<10000xi32, #tpu.memory_space<hbm>>) dst(%arg6 : memref<10000xi32, #tpu.memory_space<vmem>>)
        tpu.yield
      }) : () -> ()
      "tpu.region"() ({
        %run_scoped3A = tpu.sem_alloc : memref<!tpu.dma_semaphore, #tpu.memory_space<semaphore_mem>>
        %dma_start3A = tpu.memref_slice %arg3[%add3A_21] : memref<3520000xi32, #tpu.memory_space<hbm>> -> memref<10000xi32, #tpu.memory_space<hbm>>
        %dma_start3A_45 = tpu.memref_slice %arg3[%add3A_21] : memref<3520000xi32, #tpu.memory_space<hbm>> -> memref<10000xi32, #tpu.memory_space<hbm>>
        tpu.enqueue_dma source(%dma_start3A_45 : memref<10000xi32, #tpu.memory_space<hbm>>) target(%arg7 : memref<10000xi32, #tpu.memory_space<vmem>>) target_semaphore(%run_scoped3A : memref<!tpu.dma_semaphore, #tpu.memory_space<semaphore_mem>>)
        %dma_wait3A = tpu.memref_slice %arg3[%add3A_21] : memref<3520000xi32, #tpu.memory_space<hbm>> -> memref<10000xi32, #tpu.memory_space<hbm>>
        %dma_wait3A_46 = tpu.memref_slice %arg3[%add3A_21] : memref<3520000xi32, #tpu.memory_space<hbm>> -> memref<10000xi32, #tpu.memory_space<hbm>>
        tpu.wait_dma2 semaphore(%run_scoped3A : memref<!tpu.dma_semaphore, #tpu.memory_space<semaphore_mem>>) src(%dma_wait3A_46 : memref<10000xi32, #tpu.memory_space<hbm>>) dst(%arg7 : memref<10000xi32, #tpu.memory_space<vmem>>)
        tpu.yield
      }) : () -> ()
      %scan3A_22 = arith.constant 0 : i32
      %scan3A_23 = arith.constant 0 : i32
      %scan3A_24 = arith.constant 5 : i32
      %scan3A_25 = arith.addi %scan3A_23, %scan3A_24 : i32
      %scan3A_26 = arith.constant 1 : i32
      %scan3A_27 = scf.for %scan3A_45 = %scan3A_23 to %scan3A_25 step %scan3A_26 iter_args(%scan3A_46 = %scan3A_22) -> (i32)  : i32 {
        %mul3A_47 = arith.constant 640 : i32
        %mul3A_48 = arith.muli %arg1, %mul3A_47 : i32
        %mul3A_49 = arith.constant 128 : i32
        %mul3A_50 = arith.muli %scan3A_45, %mul3A_49 : i32
        %add3A_51 = arith.addi %mul3A_48, %mul3A_50 : i32
        "tpu.region"() ({
          %run_scoped3A = tpu.sem_alloc : memref<!tpu.dma_semaphore, #tpu.memory_space<semaphore_mem>>
          %dma_start3A = arith.constant 0 : i32
          %dma_start3A_53 = tpu.memref_slice %arg12[%add3A_51, %dma_start3A] : memref<10240x128xf32, #tpu.memory_space<vmem_shared>> -> memref<128x128xf32, #tpu.memory_space<vmem_shared>>
          %dma_start3A_54 = arith.constant 0 : i32
          %dma_start3A_55 = tpu.memref_slice %arg12[%add3A_51, %dma_start3A_54] : memref<10240x128xf32, #tpu.memory_space<vmem_shared>> -> memref<128x128xf32, #tpu.memory_space<vmem_shared>>
          tpu.enqueue_dma source(%arg11 : memref<128x128xf32, #tpu.memory_space<vmem>>) target(%dma_start3A_55 : memref<128x128xf32, #tpu.memory_space<vmem_shared>>) target_semaphore(%run_scoped3A : memref<!tpu.dma_semaphore, #tpu.memory_space<semaphore_mem>>)
          %dma_wait3A = arith.constant 0 : i32
          %dma_wait3A_56 = tpu.memref_slice %arg12[%add3A_51, %dma_wait3A] : memref<10240x128xf32, #tpu.memory_space<vmem_shared>> -> memref<128x128xf32, #tpu.memory_space<vmem_shared>>
          %dma_wait3A_57 = arith.constant 0 : i32
          %dma_wait3A_58 = tpu.memref_slice %arg12[%add3A_51, %dma_wait3A_57] : memref<10240x128xf32, #tpu.memory_space<vmem_shared>> -> memref<128x128xf32, #tpu.memory_space<vmem_shared>>
          tpu.wait_dma2 semaphore(%run_scoped3A : memref<!tpu.dma_semaphore, #tpu.memory_space<semaphore_mem>>) src(%arg11 : memref<128x128xf32, #tpu.memory_space<vmem>>) dst(%dma_wait3A_58 : memref<128x128xf32, #tpu.memory_space<vmem_shared>>)
          tpu.yield
        }) : () -> ()
        %scan3A_52 = arith.constant 0 : i32
        scf.yield %scan3A_52 : i32
      }
      %scan3A_28 = arith.constant 5 : i32
      %barrier3A = arith.constant 0 : index
      tpu.barrier barrier_id(%barrier3A)
      %scan3A_29 = arith.constant 0 : i32
      %scan3A_30 = arith.constant 0 : i32
      %scan3A_31 = arith.constant 125 : i32
      %scan3A_32 = arith.addi %scan3A_30, %scan3A_31 : i32
      %scan3A_33 = arith.constant 1 : i32
      %scan3A_34 = scf.for %scan3A_45 = %scan3A_30 to %scan3A_32 step %scan3A_33 iter_args(%scan3A_46 = %scan3A_29) -> (i32)  : i32 {
        %mul3A_47 = arith.constant 80 : i32
        %mul3A_48 = arith.muli %scan3A_45, %mul3A_47 : i32
        %add3A_49 = arith.constant 0 : i32
        %add3A_50 = arith.addi %mul3A_48, %add3A_49 : i32
        %get3A = arith.index_cast %add3A_50 : i32 to index
        %get3A_51 = tpu.vector_load %arg6[%get3A] {strides = array<i32>} : memref<10000xi32, #tpu.memory_space<vmem>>, vector<16xi32>,
        %get3A_52 = vector.shape_cast %get3A_51 : vector<16xi32> to vector<16xi32>
        %get3A_53 = arith.index_cast %add3A_50 : i32 to index
        %get3A_54 = tpu.vector_load %arg7[%get3A_53] {strides = array<i32>} : memref<10000xi32, #tpu.memory_space<vmem>>, vector<16xi32>,
        %get3A_55 = vector.shape_cast %get3A_54 : vector<16xi32> to vector<16xi32>
        %mul3A_56 = arith.constant 10240 : i32
        %mul3A_57 = arith.muli %scan3A_14, %mul3A_56 : i32
        %add3A_58 = vector.broadcast %mul3A_57 : i32 to vector<16xi32>
        %add3A_59 = arith.addi %get3A_52, %add3A_58 : vector<16xi32>
        %swap3A = arith.constant 0 : index
        %swap3A_60 = tpu.vector_load %arg8[%swap3A] {strides = array<i32>} : memref<80xi32, #tpu.memory_space<vmem>>, vector<16xi32>,
        %swap3A_61 = vector.shape_cast %swap3A_60 : vector<16xi32> to vector<16xi32>
        %swap3A_62 = vector.shape_cast %add3A_59 : vector<16xi32> to vector<16xi32>
        tpu.vector_store %arg8[%swap3A], %swap3A_62 {strides = array<i32>} : memref<80xi32, #tpu.memory_space<vmem>>, vector<16xi32>,
        %swap3A_63 = arith.constant 0 : index
        %swap3A_64 = tpu.vector_load %arg9[%swap3A_63] {strides = array<i32>} : memref<80xi32, #tpu.memory_space<vmem>>, vector<16xi32>,
        %swap3A_65 = vector.shape_cast %swap3A_64 : vector<16xi32> to vector<16xi32>
        %swap3A_66 = vector.shape_cast %get3A_55 : vector<16xi32> to vector<16xi32>
        tpu.vector_store %arg9[%swap3A_63], %swap3A_66 {strides = array<i32>} : memref<80xi32, #tpu.memory_space<vmem>>, vector<16xi32>,
        %mul3A_67 = arith.constant 80 : i32
        %mul3A_68 = arith.muli %scan3A_45, %mul3A_67 : i32
        %add3A_69 = arith.constant 16 : i32
        %add3A_70 = arith.addi %mul3A_68, %add3A_69 : i32
        %get3A_71 = arith.index_cast %add3A_70 : i32 to index
        %get3A_72 = tpu.vector_load %arg6[%get3A_71] {strides = array<i32>} : memref<10000xi32, #tpu.memory_space<vmem>>, vector<16xi32>,
        %get3A_73 = vector.shape_cast %get3A_72 : vector<16xi32> to vector<16xi32>
        %get3A_74 = arith.index_cast %add3A_70 : i32 to index
        %get3A_75 = tpu.vector_load %arg7[%get3A_74] {strides = array<i32>} : memref<10000xi32, #tpu.memory_space<vmem>>, vector<16xi32>,
        %get3A_76 = vector.shape_cast %get3A_75 : vector<16xi32> to vector<16xi32>
        %mul3A_77 = arith.constant 10240 : i32
        %mul3A_78 = arith.muli %scan3A_14, %mul3A_77 : i32
        %add3A_79 = vector.broadcast %mul3A_78 : i32 to vector<16xi32>
        %add3A_80 = arith.addi %get3A_73, %add3A_79 : vector<16xi32>
        %swap3A_81 = arith.constant 16 : index
        %swap3A_82 = tpu.vector_load %arg8[%swap3A_81] {strides = array<i32>} : memref<80xi32, #tpu.memory_space<vmem>>, vector<16xi32>,
        %swap3A_83 = vector.shape_cast %swap3A_82 : vector<16xi32> to vector<16xi32>
        %swap3A_84 = vector.shape_cast %add3A_80 : vector<16xi32> to vector<16xi32>
        tpu.vector_store %arg8[%swap3A_81], %swap3A_84 {strides = array<i32>} : memref<80xi32, #tpu.memory_space<vmem>>, vector<16xi32>,
        %swap3A_85 = arith.constant 16 : index
        %swap3A_86 = tpu.vector_load %arg9[%swap3A_85] {strides = array<i32>} : memref<80xi32, #tpu.memory_space<vmem>>, vector<16xi32>,
        %swap3A_87 = vector.shape_cast %swap3A_86 : vector<16xi32> to vector<16xi32>
        %swap3A_88 = vector.shape_cast %get3A_76 : vector<16xi32> to vector<16xi32>
        tpu.vector_store %arg9[%swap3A_85], %swap3A_88 {strides = array<i32>} : memref<80xi32, #tpu.memory_space<vmem>>, vector<16xi32>,
        %mul3A_89 = arith.constant 80 : i32
        %mul3A_90 = arith.muli %scan3A_45, %mul3A_89 : i32
        %add3A_91 = arith.constant 32 : i32
        %add3A_92 = arith.addi %mul3A_90, %add3A_91 : i32
        %get3A_93 = arith.index_cast %add3A_92 : i32 to index
        %get3A_94 = tpu.vector_load %arg6[%get3A_93] {strides = array<i32>} : memref<10000xi32, #tpu.memory_space<vmem>>, vector<16xi32>,
        %get3A_95 = vector.shape_cast %get3A_94 : vector<16xi32> to vector<16xi32>
        %get3A_96 = arith.index_cast %add3A_92 : i32 to index
        %get3A_97 = tpu.vector_load %arg7[%get3A_96] {strides = array<i32>} : memref<10000xi32, #tpu.memory_space<vmem>>, vector<16xi32>,
        %get3A_98 = vector.shape_cast %get3A_97 : vector<16xi32> to vector<16xi32>
        %mul3A_99 = arith.constant 10240 : i32
        %mul3A_100 = arith.muli %scan3A_14, %mul3A_99 : i32
        %add3A_101 = vector.broadcast %mul3A_100 : i32 to vector<16xi32>
        %add3A_102 = arith.addi %get3A_95, %add3A_101 : vector<16xi32>
        %swap3A_103 = arith.constant 32 : index
        %swap3A_104 = tpu.vector_load %arg8[%swap3A_103] {strides = array<i32>} : memref<80xi32, #tpu.memory_space<vmem>>, vector<16xi32>,
        %swap3A_105 = vector.shape_cast %swap3A_104 : vector<16xi32> to vector<16xi32>
        %swap3A_106 = vector.shape_cast %add3A_102 : vector<16xi32> to vector<16xi32>
        tpu.vector_store %arg8[%swap3A_103], %swap3A_106 {strides = array<i32>} : memref<80xi32, #tpu.memory_space<vmem>>, vector<16xi32>,
        %swap3A_107 = arith.constant 32 : index
        %swap3A_108 = tpu.vector_load %arg9[%swap3A_107] {strides = array<i32>} : memref<80xi32, #tpu.memory_space<vmem>>, vector<16xi32>,
        %swap3A_109 = vector.shape_cast %swap3A_108 : vector<16xi32> to vector<16xi32>
        %swap3A_110 = vector.shape_cast %get3A_98 : vector<16xi32> to vector<16xi32>
        tpu.vector_store %arg9[%swap3A_107], %swap3A_110 {strides = array<i32>} : memref<80xi32, #tpu.memory_space<vmem>>, vector<16xi32>,
        %mul3A_111 = arith.constant 80 : i32
        %mul3A_112 = arith.muli %scan3A_45, %mul3A_111 : i32
        %add3A_113 = arith.constant 48 : i32
        %add3A_114 = arith.addi %mul3A_112, %add3A_113 : i32
        %get3A_115 = arith.index_cast %add3A_114 : i32 to index
        %get3A_116 = tpu.vector_load %arg6[%get3A_115] {strides = array<i32>} : memref<10000xi32, #tpu.memory_space<vmem>>, vector<16xi32>,
        %get3A_117 = vector.shape_cast %get3A_116 : vector<16xi32> to vector<16xi32>
        %get3A_118 = arith.index_cast %add3A_114 : i32 to index
        %get3A_119 = tpu.vector_load %arg7[%get3A_118] {strides = array<i32>} : memref<10000xi32, #tpu.memory_space<vmem>>, vector<16xi32>,
        %get3A_120 = vector.shape_cast %get3A_119 : vector<16xi32> to vector<16xi32>
        %mul3A_121 = arith.constant 10240 : i32
        %mul3A_122 = arith.muli %scan3A_14, %mul3A_121 : i32
        %add3A_123 = vector.broadcast %mul3A_122 : i32 to vector<16xi32>
        %add3A_124 = arith.addi %get3A_117, %add3A_123 : vector<16xi32>
        %swap3A_125 = arith.constant 48 : index
        %swap3A_126 = tpu.vector_load %arg8[%swap3A_125] {strides = array<i32>} : memref<80xi32, #tpu.memory_space<vmem>>, vector<16xi32>,
        %swap3A_127 = vector.shape_cast %swap3A_126 : vector<16xi32> to vector<16xi32>
        %swap3A_128 = vector.shape_cast %add3A_124 : vector<16xi32> to vector<16xi32>
        tpu.vector_store %arg8[%swap3A_125], %swap3A_128 {strides = array<i32>} : memref<80xi32, #tpu.memory_space<vmem>>, vector<16xi32>,
        %swap3A_129 = arith.constant 48 : index
        %swap3A_130 = tpu.vector_load %arg9[%swap3A_129] {strides = array<i32>} : memref<80xi32, #tpu.memory_space<vmem>>, vector<16xi32>,
        %swap3A_131 = vector.shape_cast %swap3A_130 : vector<16xi32> to vector<16xi32>
        %swap3A_132 = vector.shape_cast %get3A_120 : vector<16xi32> to vector<16xi32>
        tpu.vector_store %arg9[%swap3A_129], %swap3A_132 {strides = array<i32>} : memref<80xi32, #tpu.memory_space<vmem>>, vector<16xi32>,
        %mul3A_133 = arith.constant 80 : i32
        %mul3A_134 = arith.muli %scan3A_45, %mul3A_133 : i32
        %add3A_135 = arith.constant 64 : i32
        %add3A_136 = arith.addi %mul3A_134, %add3A_135 : i32
        %get3A_137 = arith.index_cast %add3A_136 : i32 to index
        %get3A_138 = tpu.vector_load %arg6[%get3A_137] {strides = array<i32>} : memref<10000xi32, #tpu.memory_space<vmem>>, vector<16xi32>,
        %get3A_139 = vector.shape_cast %get3A_138 : vector<16xi32> to vector<16xi32>
        %get3A_140 = arith.index_cast %add3A_136 : i32 to index
        %get3A_141 = tpu.vector_load %arg7[%get3A_140] {strides = array<i32>} : memref<10000xi32, #tpu.memory_space<vmem>>, vector<16xi32>,
        %get3A_142 = vector.shape_cast %get3A_141 : vector<16xi32> to vector<16xi32>
        %mul3A_143 = arith.constant 10240 : i32
        %mul3A_144 = arith.muli %scan3A_14, %mul3A_143 : i32
        %add3A_145 = vector.broadcast %mul3A_144 : i32 to vector<16xi32>
        %add3A_146 = arith.addi %get3A_139, %add3A_145 : vector<16xi32>
        %swap3A_147 = arith.constant 64 : index
        %swap3A_148 = tpu.vector_load %arg8[%swap3A_147] {strides = array<i32>} : memref<80xi32, #tpu.memory_space<vmem>>, vector<16xi32>,
        %swap3A_149 = vector.shape_cast %swap3A_148 : vector<16xi32> to vector<16xi32>
        %swap3A_150 = vector.shape_cast %add3A_146 : vector<16xi32> to vector<16xi32>
        tpu.vector_store %arg8[%swap3A_147], %swap3A_150 {strides = array<i32>} : memref<80xi32, #tpu.memory_space<vmem>>, vector<16xi32>,
        %swap3A_151 = arith.constant 64 : index
        %swap3A_152 = tpu.vector_load %arg9[%swap3A_151] {strides = array<i32>} : memref<80xi32, #tpu.memory_space<vmem>>, vector<16xi32>,
        %swap3A_153 = vector.shape_cast %swap3A_152 : vector<16xi32> to vector<16xi32>
        %swap3A_154 = vector.shape_cast %get3A_142 : vector<16xi32> to vector<16xi32>
        tpu.vector_store %arg9[%swap3A_151], %swap3A_154 {strides = array<i32>} : memref<80xi32, #tpu.memory_space<vmem>>, vector<16xi32>,
        %dma_start3A = arith.constant 0 : i32
        %dma_start3A_155 = arith.constant 0 : i32
        %dma_start3A_156 = tpu.memref_slice %arg4[%dma_start3A, %dma_start3A_155] : memref<112640x128xf32, #tpu.memory_space<hbm>> -> memref<112640x128xf32, #tpu.memory_space<hbm>>
        tpu.enqueue_indirect_dma source(%dma_start3A_156 : memref<112640x128xf32, #tpu.memory_space<hbm>>) target(%arg10 : memref<80x128xf32, #tpu.memory_space<vmem>>) offsets(%arg8 : memref<80xi32, #tpu.memory_space<vmem>>) semaphore(%arg13 : memref<!tpu.dma_semaphore, #tpu.memory_space<semaphore_mem>>)
        %dma_wait3A = arith.constant 0 : i32
        %dma_wait3A_157 = arith.constant 0 : i32
        %dma_wait3A_158 = tpu.memref_slice %arg4[%dma_wait3A, %dma_wait3A_157] : memref<112640x128xf32, #tpu.memory_space<hbm>> -> memref<112640x128xf32, #tpu.memory_space<hbm>>
        tpu.wait_indirect_dma semaphore(%arg13 : memref<!tpu.dma_semaphore, #tpu.memory_space<semaphore_mem>>) src(%dma_wait3A_158 : memref<112640x128xf32, #tpu.memory_space<hbm>>) dst(%arg10 : memref<80x128xf32, #tpu.memory_space<vmem>>)
        "tpu.region"() ({
          %run_scoped3A = tpu.sem_alloc : memref<!tpu.dma_semaphore, #tpu.memory_space<semaphore_mem>>
          %dma_start3A_160 = arith.constant 0 : i32
          %dma_start3A_161 = arith.constant 0 : i32
          %dma_start3A_162 = tpu.memref_slice %arg12[%dma_start3A_160, %dma_start3A_161] : memref<10240x128xf32, #tpu.memory_space<vmem_shared>> -> memref<10240x128xf32, #tpu.memory_space<vmem_shared>>
          tpu.enqueue_indirect_dma source(%arg10 : memref<80x128xf32, #tpu.memory_space<vmem>>) target(%dma_start3A_162 : memref<10240x128xf32, #tpu.memory_space<vmem_shared>>) offsets(%arg9 : memref<80xi32, #tpu.memory_space<vmem>>) semaphore(%run_scoped3A : memref<!tpu.dma_semaphore, #tpu.memory_space<semaphore_mem>>) {add = true}
          %dma_wait3A_163 = arith.constant 0 : i32
          %dma_wait3A_164 = arith.constant 0 : i32
          %dma_wait3A_165 = tpu.memref_slice %arg12[%dma_wait3A_163, %dma_wait3A_164] : memref<10240x128xf32, #tpu.memory_space<vmem_shared>> -> memref<10240x128xf32, #tpu.memory_space<vmem_shared>>
          tpu.wait_indirect_dma semaphore(%run_scoped3A : memref<!tpu.dma_semaphore, #tpu.memory_space<semaphore_mem>>) src(%arg10 : memref<80x128xf32, #tpu.memory_space<vmem>>) dst(%dma_wait3A_165 : memref<10240x128xf32, #tpu.memory_space<vmem_shared>>)
          tpu.yield
        }) : () -> ()
        %scan3A_159 = arith.constant 0 : i32
        scf.yield %scan3A_159 : i32
      }
      %scan3A_35 = arith.constant 125 : i32
      %barrier3A_36 = arith.constant 0 : index
      tpu.barrier barrier_id(%barrier3A_36)
      %scan3A_37 = arith.constant 0 : i32
      %scan3A_38 = arith.constant 0 : i32
      %scan3A_39 = arith.constant 5 : i32
      %scan3A_40 = arith.addi %scan3A_38, %scan3A_39 : i32
      %scan3A_41 = arith.constant 1 : i32
      %scan3A_42 = scf.for %scan3A_45 = %scan3A_38 to %scan3A_40 step %scan3A_41 iter_args(%scan3A_46 = %scan3A_37) -> (i32)  : i32 {
        %mul3A_47 = arith.constant 640 : i32
        %mul3A_48 = arith.muli %arg1, %mul3A_47 : i32
        %mul3A_49 = arith.constant 128 : i32
        %mul3A_50 = arith.muli %scan3A_45, %mul3A_49 : i32
        %add3A_51 = arith.addi %mul3A_48, %mul3A_50 : i32
        "tpu.region"() ({
          %run_scoped3A = tpu.sem_alloc : memref<!tpu.dma_semaphore, #tpu.memory_space<semaphore_mem>>
          %dma_start3A = arith.constant 0 : i32
          %dma_start3A_53 = tpu.memref_slice %arg5[%arg0, %scan3A_14, %add3A_51, %dma_start3A] : memref<2x11x10240x128xf32, #tpu.memory_space<hbm>> -> memref<1x1x128x128xf32, #tpu.memory_space<hbm>>
          %dma_start3A_54 = tpu.memref_squeeze %dma_start3A_53 : memref<1x1x128x128xf32, #tpu.memory_space<hbm>> -> memref<128x128xf32, #tpu.memory_space<hbm>>
          %dma_start3A_55 = arith.constant 0 : i32
          %dma_start3A_56 = tpu.memref_slice %arg12[%add3A_51, %dma_start3A_55] : memref<10240x128xf32, #tpu.memory_space<vmem_shared>> -> memref<128x128xf32, #tpu.memory_space<vmem_shared>>
          tpu.enqueue_dma source(%dma_start3A_56 : memref<128x128xf32, #tpu.memory_space<vmem_shared>>) target(%dma_start3A_54 : memref<128x128xf32, #tpu.memory_space<hbm>>) target_semaphore(%run_scoped3A : memref<!tpu.dma_semaphore, #tpu.memory_space<semaphore_mem>>)
          %dma_wait3A = arith.constant 0 : i32
          %dma_wait3A_57 = tpu.memref_slice %arg5[%arg0, %scan3A_14, %add3A_51, %dma_wait3A] : memref<2x11x10240x128xf32, #tpu.memory_space<hbm>> -> memref<1x1x128x128xf32, #tpu.memory_space<hbm>>
          %dma_wait3A_58 = tpu.memref_squeeze %dma_wait3A_57 : memref<1x1x128x128xf32, #tpu.memory_space<hbm>> -> memref<128x128xf32, #tpu.memory_space<hbm>>
          %dma_wait3A_59 = arith.constant 0 : i32
          %dma_wait3A_60 = tpu.memref_slice %arg12[%add3A_51, %dma_wait3A_59] : memref<10240x128xf32, #tpu.memory_space<vmem_shared>> -> memref<128x128xf32, #tpu.memory_space<vmem_shared>>
          tpu.wait_dma2 semaphore(%run_scoped3A : memref<!tpu.dma_semaphore, #tpu.memory_space<semaphore_mem>>) src(%dma_wait3A_60 : memref<128x128xf32, #tpu.memory_space<vmem_shared>>) dst(%dma_wait3A_58 : memref<128x128xf32, #tpu.memory_space<hbm>>)
          tpu.yield
        }) : () -> ()
        %scan3A_52 = arith.constant 0 : i32
        scf.yield %scan3A_52 : i32
      }
      %scan3A_43 = arith.constant 5 : i32
      %scan3A_44 = arith.constant 0 : i32
      scf.yield %scan3A_44 : i32
    }
    %scan3A_13 = arith.constant 11 : i32
    return
  }
}

#map = affine_map<(d0, d1) -> (0)>
#map1 = affine_map<(d0, d1) -> (0, 0)>
#map2 = affine_map<(d0, d1) -> (0, 0, 0, 0)>
#map3 = affine_map<(d0, d1) -> (0, 0, 0)>
module attributes {stable_mosaic.version = 14 : i64} {
  func.func @_sc_edge_body(%arg0: i32, %arg1: i32, %arg2: memref<3520000xi32, #tpu.memory_space<hbm>>, %arg3: memref<3520000xi32, #tpu.memory_space<hbm>>, %arg4: memref<112640xi32, #tpu.memory_space<hbm>>, %arg5: memref<112640xf32, #tpu.memory_space<hbm>>, %arg6: memref<112640xf32, #tpu.memory_space<hbm>>, %arg7: memref<220000x128xf32, #tpu.memory_space<hbm>>, %arg8: memref<2x11x10240x128xf32, #tpu.memory_space<hbm>>, %arg9: memref<2x11x10240xf32, #tpu.memory_space<hbm>>, %arg10: memref<2000xi32, #tpu.memory_space<vmem>>, %arg11: memref<2000xi32, #tpu.memory_space<vmem>>, %arg12: memref<2000xi32, #tpu.memory_space<vmem>>, %arg13: memref<2000xf32, #tpu.memory_space<vmem>>, %arg14: memref<2000xf32, #tpu.memory_space<vmem>>, %arg15: memref<80xi32, #tpu.memory_space<vmem>>, %arg16: memref<80xi32, #tpu.memory_space<vmem>>, %arg17: memref<80xf32, #tpu.memory_space<vmem>>, %arg18: memref<80x128xf32, #tpu.memory_space<vmem>>, %arg19: memref<64x128xf32, #tpu.memory_space<vmem>>, %arg20: memref<640xf32, #tpu.memory_space<vmem>>, %arg21: memref<10248x128xf32, #tpu.memory_space<vmem_shared>>, %arg22: memref<10248xf32, #tpu.memory_space<vmem_shared>>, %arg23: memref<!tpu.dma_semaphore, #tpu.memory_space<semaphore_mem>>, %arg24: memref<!tpu.dma_semaphore, #tpu.memory_space<semaphore_mem>>) attributes {dimension_semantics = [#tpu.dimension_semantics<core_parallel>, #tpu.dimension_semantics<subcore_parallel>], iteration_bounds = array<i64: 2, 16>, scalar_prefetch = 0 : i64, scratch_operands = 15 : i64, tpu.core_type = #tpu.core_type<sc_vector_subcore>, window_params = [{transform_indices = #map}, {transform_indices = #map}, {transform_indices = #map}, {transform_indices = #map}, {transform_indices = #map}, {transform_indices = #map1}, {transform_indices = #map2}, {transform_indices = #map3}]} {
    %broadcast_in_dim3A = arith.constant 0.000000e+00 : f32
    %broadcast_in_dim3A_0 = vector.broadcast %broadcast_in_dim3A : f32 to vector<16xf32>
    %scan3A = arith.constant 0 : i32
    %scan3A_1 = arith.constant 0 : i32
    %scan3A_2 = arith.constant 512 : i32
    %scan3A_3 = arith.addi %scan3A_1, %scan3A_2 : i32
    %scan3A_4 = arith.constant 1 : i32
    %scan3A_5 = scf.for %scan3A_23 = %scan3A_1 to %scan3A_3 step %scan3A_4 iter_args(%scan3A_24 = %scan3A) -> (i32)  : i32 {
      %jit3A_25 = arith.constant 8 : i32
      %div3A = arith.divsi %scan3A_23, %jit3A_25 : i32
      %sign3A = arith.constant 0 : i32
      %sign3A_26 = arith.cmpi sgt, %scan3A_23, %sign3A : i32
      %sign3A_27 = arith.extui %sign3A_26 : i1 to i32
      %sign3A_28 = arith.constant 0 : i32
      %sign3A_29 = arith.cmpi slt, %scan3A_23, %sign3A_28 : i32
      %sign3A_30 = arith.extui %sign3A_29 : i1 to i32
      %sign3A_31 = arith.subi %sign3A_27, %sign3A_30 : i32
      %sign3A_32 = arith.constant 0 : i32
      %sign3A_33 = arith.cmpi sgt, %jit3A_25, %sign3A_32 : i32
      %sign3A_34 = arith.extui %sign3A_33 : i1 to i32
      %sign3A_35 = arith.constant 0 : i32
      %sign3A_36 = arith.cmpi slt, %jit3A_25, %sign3A_35 : i32
      %sign3A_37 = arith.extui %sign3A_36 : i1 to i32
      %sign3A_38 = arith.subi %sign3A_34, %sign3A_37 : i32
      %ne3A = arith.cmpi ne, %sign3A_31, %sign3A_38 : i32
      %rem3A = arith.remsi %scan3A_23, %jit3A_25 : i32
      %ne3A_39 = arith.constant 0 : i32
      %ne3A_40 = arith.cmpi ne, %rem3A, %ne3A_39 : i32
      %and3A = arith.andi %ne3A, %ne3A_40 : i1
      %sub3A = arith.constant 1 : i32
      %sub3A_41 = arith.subi %div3A, %sub3A : i32
      %select_n3A_42 = arith.select %and3A, %sub3A_41, %div3A : i32
      %jit3A_43 = arith.constant 8 : i32
      %eq3A_44 = arith.constant 0 : i32
      %eq3A_45 = arith.cmpi eq, %jit3A_43, %eq3A_44 : i32
      %jit3A_46 = arith.constant 1 : i32
      %select_n3A_47 = arith.select %eq3A_45, %jit3A_46, %jit3A_43 : i32
      %rem3A_48 = arith.remsi %scan3A_23, %select_n3A_47 : i32
      %ne3A_49 = arith.constant 0 : i32
      %ne3A_50 = arith.cmpi ne, %rem3A_48, %ne3A_49 : i32
      %lt3A = arith.constant 0 : i32
      %lt3A_51 = arith.cmpi slt, %rem3A_48, %lt3A : i32
      %lt3A_52 = arith.constant 0 : i32
      %lt3A_53 = arith.cmpi slt, %select_n3A_47, %lt3A_52 : i32
      %ne3A_54 = arith.xori %lt3A_51, %lt3A_53 : i1
      %and3A_55 = arith.andi %ne3A_54, %ne3A_50 : i1
      %add3A = arith.addi %rem3A_48, %select_n3A_47 : i32
      %select_n3A_56 = arith.select %and3A_55, %add3A, %rem3A_48 : i32
      %mul3A = arith.constant 16 : i32
      %mul3A_57 = arith.muli %select_n3A_56, %mul3A : i32
      %swap3A = arith.index_cast %select_n3A_42 : i32 to index
      %swap3A_58 = arith.index_cast %mul3A_57 : i32 to index
      %swap3A_59 = tpu.vector_load %arg19[%swap3A, %swap3A_58] {strides = array<i32>} : memref<64x128xf32, #tpu.memory_space<vmem>>, vector<1x16xf32>,
      %swap3A_60 = vector.shape_cast %swap3A_59 : vector<1x16xf32> to vector<16xf32>
      %swap3A_61 = vector.shape_cast %broadcast_in_dim3A_0 : vector<16xf32> to vector<1x16xf32>
      tpu.vector_store %arg19[%swap3A, %swap3A_58], %swap3A_61 {strides = array<i32>} : memref<64x128xf32, #tpu.memory_space<vmem>>, vector<1x16xf32>,
      %scan3A_62 = arith.constant 0 : i32
      scf.yield %scan3A_62 : i32
    }
    %scan3A_6 = arith.constant 512 : i32
    %scan3A_7 = arith.constant 0 : i32
    %scan3A_8 = arith.constant 0 : i32
    %scan3A_9 = arith.constant 40 : i32
    %scan3A_10 = arith.addi %scan3A_8, %scan3A_9 : i32
    %scan3A_11 = arith.constant 1 : i32
    %scan3A_12 = scf.for %scan3A_23 = %scan3A_8 to %scan3A_10 step %scan3A_11 iter_args(%scan3A_24 = %scan3A_7) -> (i32)  : i32 {
      %mul3A = arith.constant 16 : i32
      %mul3A_25 = arith.muli %scan3A_23, %mul3A : i32
      %swap3A = arith.index_cast %mul3A_25 : i32 to index
      %swap3A_26 = tpu.vector_load %arg20[%swap3A] {strides = array<i32>} : memref<640xf32, #tpu.memory_space<vmem>>, vector<16xf32>,
      %swap3A_27 = vector.shape_cast %swap3A_26 : vector<16xf32> to vector<16xf32>
      %swap3A_28 = vector.shape_cast %broadcast_in_dim3A_0 : vector<16xf32> to vector<16xf32>
      tpu.vector_store %arg20[%swap3A], %swap3A_28 {strides = array<i32>} : memref<640xf32, #tpu.memory_space<vmem>>, vector<16xf32>,
      %scan3A_29 = arith.constant 0 : i32
      scf.yield %scan3A_29 : i32
    }
    %scan3A_13 = arith.constant 40 : i32
    %eq3A = arith.constant 0 : i32
    %eq3A_14 = arith.cmpi eq, %arg0, %eq3A : i32
    %jit3A = arith.constant 1.000000e+00 : f32
    %jit3A_15 = arith.constant 2.000000e-01 : f32
    %select_n3A = arith.select %eq3A_14, %jit3A, %jit3A_15 : f32
    %scan3A_16 = arith.constant 0 : i32
    %scan3A_17 = arith.constant 0 : i32
    %scan3A_18 = arith.constant 11 : i32
    %scan3A_19 = arith.addi %scan3A_17, %scan3A_18 : i32
    %scan3A_20 = arith.constant 1 : i32
    %scan3A_21 = scf.for %scan3A_23 = %scan3A_17 to %scan3A_19 step %scan3A_20 iter_args(%scan3A_24 = %scan3A_16) -> (i32)  : i32 {
      %scan3A_25 = arith.constant 0 : i32
      %scan3A_26 = arith.constant 0 : i32
      %scan3A_27 = arith.constant 10 : i32
      %scan3A_28 = arith.addi %scan3A_26, %scan3A_27 : i32
      %scan3A_29 = arith.constant 1 : i32
      %scan3A_30 = scf.for %scan3A_53 = %scan3A_26 to %scan3A_28 step %scan3A_29 iter_args(%scan3A_54 = %scan3A_25) -> (i32)  : i32 {
        %mul3A_55 = arith.constant 640 : i32
        %mul3A_56 = arith.muli %arg1, %mul3A_55 : i32
        %mul3A_57 = arith.constant 64 : i32
        %mul3A_58 = arith.muli %scan3A_53, %mul3A_57 : i32
        %add3A = arith.addi %mul3A_56, %mul3A_58 : i32
        "tpu.region"() ({
          %run_scoped3A = tpu.sem_alloc : memref<!tpu.dma_semaphore, #tpu.memory_space<semaphore_mem>>
          %dma_start3A = arith.constant 0 : i32
          %dma_start3A_60 = tpu.memref_slice %arg21[%add3A, %dma_start3A] : memref<10248x128xf32, #tpu.memory_space<vmem_shared>> -> memref<64x128xf32, #tpu.memory_space<vmem_shared>>
          %dma_start3A_61 = arith.constant 0 : i32
          %dma_start3A_62 = tpu.memref_slice %arg21[%add3A, %dma_start3A_61] : memref<10248x128xf32, #tpu.memory_space<vmem_shared>> -> memref<64x128xf32, #tpu.memory_space<vmem_shared>>
          tpu.enqueue_dma source(%arg19 : memref<64x128xf32, #tpu.memory_space<vmem>>) target(%dma_start3A_62 : memref<64x128xf32, #tpu.memory_space<vmem_shared>>) target_semaphore(%run_scoped3A : memref<!tpu.dma_semaphore, #tpu.memory_space<semaphore_mem>>)
          %dma_wait3A = arith.constant 0 : i32
          %dma_wait3A_63 = tpu.memref_slice %arg21[%add3A, %dma_wait3A] : memref<10248x128xf32, #tpu.memory_space<vmem_shared>> -> memref<64x128xf32, #tpu.memory_space<vmem_shared>>
          %dma_wait3A_64 = arith.constant 0 : i32
          %dma_wait3A_65 = tpu.memref_slice %arg21[%add3A, %dma_wait3A_64] : memref<10248x128xf32, #tpu.memory_space<vmem_shared>> -> memref<64x128xf32, #tpu.memory_space<vmem_shared>>
          tpu.wait_dma2 semaphore(%run_scoped3A : memref<!tpu.dma_semaphore, #tpu.memory_space<semaphore_mem>>) src(%arg19 : memref<64x128xf32, #tpu.memory_space<vmem>>) dst(%dma_wait3A_65 : memref<64x128xf32, #tpu.memory_space<vmem_shared>>)
          tpu.yield
        }) : () -> ()
        %scan3A_59 = arith.constant 0 : i32
        scf.yield %scan3A_59 : i32
      }
      %scan3A_31 = arith.constant 10 : i32
      %mul3A = arith.constant 640 : i32
      %mul3A_32 = arith.muli %arg1, %mul3A : i32
      "tpu.region"() ({
        %run_scoped3A = tpu.sem_alloc : memref<!tpu.dma_semaphore, #tpu.memory_space<semaphore_mem>>
        %dma_start3A = tpu.memref_slice %arg22[%mul3A_32] : memref<10248xf32, #tpu.memory_space<vmem_shared>> -> memref<640xf32, #tpu.memory_space<vmem_shared>>
        %dma_start3A_53 = tpu.memref_slice %arg22[%mul3A_32] : memref<10248xf32, #tpu.memory_space<vmem_shared>> -> memref<640xf32, #tpu.memory_space<vmem_shared>>
        tpu.enqueue_dma source(%arg20 : memref<640xf32, #tpu.memory_space<vmem>>) target(%dma_start3A_53 : memref<640xf32, #tpu.memory_space<vmem_shared>>) target_semaphore(%run_scoped3A : memref<!tpu.dma_semaphore, #tpu.memory_space<semaphore_mem>>)
        %dma_wait3A = tpu.memref_slice %arg22[%mul3A_32] : memref<10248xf32, #tpu.memory_space<vmem_shared>> -> memref<640xf32, #tpu.memory_space<vmem_shared>>
        %dma_wait3A_54 = tpu.memref_slice %arg22[%mul3A_32] : memref<10248xf32, #tpu.memory_space<vmem_shared>> -> memref<640xf32, #tpu.memory_space<vmem_shared>>
        tpu.wait_dma2 semaphore(%run_scoped3A : memref<!tpu.dma_semaphore, #tpu.memory_space<semaphore_mem>>) src(%arg20 : memref<640xf32, #tpu.memory_space<vmem>>) dst(%dma_wait3A_54 : memref<640xf32, #tpu.memory_space<vmem_shared>>)
        tpu.yield
      }) : () -> ()
      %barrier3A = arith.constant 0 : index
      tpu.barrier barrier_id(%barrier3A)
      %scan3A_33 = arith.constant 0 : i32
      %scan3A_34 = arith.constant 0 : i32
      %scan3A_35 = arith.constant 10 : i32
      %scan3A_36 = arith.addi %scan3A_34, %scan3A_35 : i32
      %scan3A_37 = arith.constant 1 : i32
      %scan3A_38 = scf.for %scan3A_53 = %scan3A_34 to %scan3A_36 step %scan3A_37 iter_args(%scan3A_54 = %scan3A_33) -> (i32)  : i32 {
        %mul3A_55 = arith.constant 320000 : i32
        %mul3A_56 = arith.muli %scan3A_23, %mul3A_55 : i32
        %mul3A_57 = arith.constant 20000 : i32
        %mul3A_58 = arith.muli %arg1, %mul3A_57 : i32
        %add3A = arith.addi %mul3A_56, %mul3A_58 : i32
        %mul3A_59 = arith.constant 2000 : i32
        %mul3A_60 = arith.muli %scan3A_53, %mul3A_59 : i32
        %add3A_61 = arith.addi %add3A, %mul3A_60 : i32
        "tpu.region"() ({
          %run_scoped3A = tpu.sem_alloc : memref<!tpu.dma_semaphore, #tpu.memory_space<semaphore_mem>>
          %dma_start3A = tpu.memref_slice %arg2[%add3A_61] : memref<3520000xi32, #tpu.memory_space<hbm>> -> memref<2000xi32, #tpu.memory_space<hbm>>
          %dma_start3A_77 = tpu.memref_slice %arg2[%add3A_61] : memref<3520000xi32, #tpu.memory_space<hbm>> -> memref<2000xi32, #tpu.memory_space<hbm>>
          tpu.enqueue_dma source(%dma_start3A_77 : memref<2000xi32, #tpu.memory_space<hbm>>) target(%arg10 : memref<2000xi32, #tpu.memory_space<vmem>>) target_semaphore(%run_scoped3A : memref<!tpu.dma_semaphore, #tpu.memory_space<semaphore_mem>>)
          %dma_wait3A = tpu.memref_slice %arg2[%add3A_61] : memref<3520000xi32, #tpu.memory_space<hbm>> -> memref<2000xi32, #tpu.memory_space<hbm>>
          %dma_wait3A_78 = tpu.memref_slice %arg2[%add3A_61] : memref<3520000xi32, #tpu.memory_space<hbm>> -> memref<2000xi32, #tpu.memory_space<hbm>>
          tpu.wait_dma2 semaphore(%run_scoped3A : memref<!tpu.dma_semaphore, #tpu.memory_space<semaphore_mem>>) src(%dma_wait3A_78 : memref<2000xi32, #tpu.memory_space<hbm>>) dst(%arg10 : memref<2000xi32, #tpu.memory_space<vmem>>)
          tpu.yield
        }) : () -> ()
        "tpu.region"() ({
          %run_scoped3A = tpu.sem_alloc : memref<!tpu.dma_semaphore, #tpu.memory_space<semaphore_mem>>
          %dma_start3A = tpu.memref_slice %arg3[%add3A_61] : memref<3520000xi32, #tpu.memory_space<hbm>> -> memref<2000xi32, #tpu.memory_space<hbm>>
          %dma_start3A_77 = tpu.memref_slice %arg3[%add3A_61] : memref<3520000xi32, #tpu.memory_space<hbm>> -> memref<2000xi32, #tpu.memory_space<hbm>>
          tpu.enqueue_dma source(%dma_start3A_77 : memref<2000xi32, #tpu.memory_space<hbm>>) target(%arg11 : memref<2000xi32, #tpu.memory_space<vmem>>) target_semaphore(%run_scoped3A : memref<!tpu.dma_semaphore, #tpu.memory_space<semaphore_mem>>)
          %dma_wait3A = tpu.memref_slice %arg3[%add3A_61] : memref<3520000xi32, #tpu.memory_space<hbm>> -> memref<2000xi32, #tpu.memory_space<hbm>>
          %dma_wait3A_78 = tpu.memref_slice %arg3[%add3A_61] : memref<3520000xi32, #tpu.memory_space<hbm>> -> memref<2000xi32, #tpu.memory_space<hbm>>
          tpu.wait_dma2 semaphore(%run_scoped3A : memref<!tpu.dma_semaphore, #tpu.memory_space<semaphore_mem>>) src(%dma_wait3A_78 : memref<2000xi32, #tpu.memory_space<hbm>>) dst(%arg11 : memref<2000xi32, #tpu.memory_space<vmem>>)
          tpu.yield
        }) : () -> ()
        %scan3A_62 = arith.constant 0 : i32
        %scan3A_63 = arith.constant 0 : i32
        %scan3A_64 = arith.constant 5 : i32
        %scan3A_65 = arith.addi %scan3A_63, %scan3A_64 : i32
        %scan3A_66 = arith.constant 1 : i32
        %scan3A_67 = scf.for %scan3A_77 = %scan3A_63 to %scan3A_65 step %scan3A_66 iter_args(%scan3A_78 = %scan3A_62) -> (i32)  : i32 {
          %scan3A_79 = arith.constant 0 : i32
          %scan3A_80 = arith.constant 0 : i32
          %scan3A_81 = arith.constant 5 : i32
          %scan3A_82 = arith.addi %scan3A_80, %scan3A_81 : i32
          %scan3A_83 = arith.constant 1 : i32
          %scan3A_84 = scf.for %scan3A_94 = %scan3A_80 to %scan3A_82 step %scan3A_83 iter_args(%scan3A_95 = %scan3A_79) -> (i32)  : i32 {
            %mul3A_96 = arith.constant 5 : i32
            %mul3A_97 = arith.muli %scan3A_77, %mul3A_96 : i32
            %add3A_98 = arith.addi %mul3A_97, %scan3A_94 : i32
            %mul3A_99 = arith.constant 80 : i32
            %mul3A_100 = arith.muli %add3A_98, %mul3A_99 : i32
            %dma_start3A = tpu.memref_slice %arg12[%mul3A_100] : memref<2000xi32, #tpu.memory_space<vmem>> -> memref<80xi32, #tpu.memory_space<vmem>>
            %dma_start3A_101 = tpu.memref_slice %arg10[%mul3A_100] : memref<2000xi32, #tpu.memory_space<vmem>> -> memref<80xi32, #tpu.memory_space<vmem>>
            %dma_start3A_102 = arith.constant 0 : i32
            %dma_start3A_103 = tpu.memref_slice %arg4[%dma_start3A_102] : memref<112640xi32, #tpu.memory_space<hbm>> -> memref<112640xi32, #tpu.memory_space<hbm>>
            tpu.enqueue_indirect_dma source(%dma_start3A_103 : memref<112640xi32, #tpu.memory_space<hbm>>) target(%dma_start3A : memref<80xi32, #tpu.memory_space<vmem>>) offsets(%dma_start3A_101 : memref<80xi32, #tpu.memory_space<vmem>>) semaphore(%arg23 : memref<!tpu.dma_semaphore, #tpu.memory_space<semaphore_mem>>)
            %dma_start3A_104 = tpu.memref_slice %arg13[%mul3A_100] : memref<2000xf32, #tpu.memory_space<vmem>> -> memref<80xf32, #tpu.memory_space<vmem>>
            %dma_start3A_105 = tpu.memref_slice %arg10[%mul3A_100] : memref<2000xi32, #tpu.memory_space<vmem>> -> memref<80xi32, #tpu.memory_space<vmem>>
            %dma_start3A_106 = arith.constant 0 : i32
            %dma_start3A_107 = tpu.memref_slice %arg5[%dma_start3A_106] : memref<112640xf32, #tpu.memory_space<hbm>> -> memref<112640xf32, #tpu.memory_space<hbm>>
            tpu.enqueue_indirect_dma source(%dma_start3A_107 : memref<112640xf32, #tpu.memory_space<hbm>>) target(%dma_start3A_104 : memref<80xf32, #tpu.memory_space<vmem>>) offsets(%dma_start3A_105 : memref<80xi32, #tpu.memory_space<vmem>>) semaphore(%arg23 : memref<!tpu.dma_semaphore, #tpu.memory_space<semaphore_mem>>)
            %dma_start3A_108 = tpu.memref_slice %arg14[%mul3A_100] : memref<2000xf32, #tpu.memory_space<vmem>> -> memref<80xf32, #tpu.memory_space<vmem>>
            %dma_start3A_109 = tpu.memref_slice %arg11[%mul3A_100] : memref<2000xi32, #tpu.memory_space<vmem>> -> memref<80xi32, #tpu.memory_space<vmem>>
            %dma_start3A_110 = arith.constant 0 : i32
            %dma_start3A_111 = tpu.memref_slice %arg6[%dma_start3A_110] : memref<112640xf32, #tpu.memory_space<hbm>> -> memref<112640xf32, #tpu.memory_space<hbm>>
            tpu.enqueue_indirect_dma source(%dma_start3A_111 : memref<112640xf32, #tpu.memory_space<hbm>>) target(%dma_start3A_108 : memref<80xf32, #tpu.memory_space<vmem>>) offsets(%dma_start3A_109 : memref<80xi32, #tpu.memory_space<vmem>>) semaphore(%arg23 : memref<!tpu.dma_semaphore, #tpu.memory_space<semaphore_mem>>)
            %scan3A_112 = arith.constant 0 : i32
            scf.yield %scan3A_112 : i32
          }
          %scan3A_85 = arith.constant 5 : i32
          %scan3A_86 = arith.constant 0 : i32
          %scan3A_87 = arith.constant 0 : i32
          %scan3A_88 = arith.constant 5 : i32
          %scan3A_89 = arith.addi %scan3A_87, %scan3A_88 : i32
          %scan3A_90 = arith.constant 1 : i32
          %scan3A_91 = scf.for %scan3A_94 = %scan3A_87 to %scan3A_89 step %scan3A_90 iter_args(%scan3A_95 = %scan3A_86) -> (i32)  : i32 {
            %mul3A_96 = arith.constant 5 : i32
            %mul3A_97 = arith.muli %scan3A_77, %mul3A_96 : i32
            %add3A_98 = arith.addi %mul3A_97, %scan3A_94 : i32
            %mul3A_99 = arith.constant 80 : i32
            %mul3A_100 = arith.muli %add3A_98, %mul3A_99 : i32
            %dma_wait3A = tpu.memref_slice %arg12[%mul3A_100] : memref<2000xi32, #tpu.memory_space<vmem>> -> memref<80xi32, #tpu.memory_space<vmem>>
            %dma_wait3A_101 = tpu.memref_slice %arg10[%mul3A_100] : memref<2000xi32, #tpu.memory_space<vmem>> -> memref<80xi32, #tpu.memory_space<vmem>>
            %dma_wait3A_102 = arith.constant 0 : i32
            %dma_wait3A_103 = tpu.memref_slice %arg4[%dma_wait3A_102] : memref<112640xi32, #tpu.memory_space<hbm>> -> memref<112640xi32, #tpu.memory_space<hbm>>
            tpu.wait_indirect_dma semaphore(%arg23 : memref<!tpu.dma_semaphore, #tpu.memory_space<semaphore_mem>>) src(%dma_wait3A_103 : memref<112640xi32, #tpu.memory_space<hbm>>) dst(%dma_wait3A : memref<80xi32, #tpu.memory_space<vmem>>)
            %dma_wait3A_104 = tpu.memref_slice %arg13[%mul3A_100] : memref<2000xf32, #tpu.memory_space<vmem>> -> memref<80xf32, #tpu.memory_space<vmem>>
            %dma_wait3A_105 = tpu.memref_slice %arg10[%mul3A_100] : memref<2000xi32, #tpu.memory_space<vmem>> -> memref<80xi32, #tpu.memory_space<vmem>>
            %dma_wait3A_106 = arith.constant 0 : i32
            %dma_wait3A_107 = tpu.memref_slice %arg5[%dma_wait3A_106] : memref<112640xf32, #tpu.memory_space<hbm>> -> memref<112640xf32, #tpu.memory_space<hbm>>
            tpu.wait_indirect_dma semaphore(%arg23 : memref<!tpu.dma_semaphore, #tpu.memory_space<semaphore_mem>>) src(%dma_wait3A_107 : memref<112640xf32, #tpu.memory_space<hbm>>) dst(%dma_wait3A_104 : memref<80xf32, #tpu.memory_space<vmem>>)
            %dma_wait3A_108 = tpu.memref_slice %arg14[%mul3A_100] : memref<2000xf32, #tpu.memory_space<vmem>> -> memref<80xf32, #tpu.memory_space<vmem>>
            %dma_wait3A_109 = tpu.memref_slice %arg11[%mul3A_100] : memref<2000xi32, #tpu.memory_space<vmem>> -> memref<80xi32, #tpu.memory_space<vmem>>
            %dma_wait3A_110 = arith.constant 0 : i32
            %dma_wait3A_111 = tpu.memref_slice %arg6[%dma_wait3A_110] : memref<112640xf32, #tpu.memory_space<hbm>> -> memref<112640xf32, #tpu.memory_space<hbm>>
            tpu.wait_indirect_dma semaphore(%arg23 : memref<!tpu.dma_semaphore, #tpu.memory_space<semaphore_mem>>) src(%dma_wait3A_111 : memref<112640xf32, #tpu.memory_space<hbm>>) dst(%dma_wait3A_108 : memref<80xf32, #tpu.memory_space<vmem>>)
            %scan3A_112 = arith.constant 0 : i32
            scf.yield %scan3A_112 : i32
          }
          %scan3A_92 = arith.constant 5 : i32
          %scan3A_93 = arith.constant 0 : i32
          scf.yield %scan3A_93 : i32
        }
        %scan3A_68 = arith.constant 5 : i32
        %scan3A_69 = arith.constant 0 : i32
        %scan3A_70 = arith.constant 0 : i32
        %scan3A_71 = arith.constant 25 : i32
        %scan3A_72 = arith.addi %scan3A_70, %scan3A_71 : i32
        %scan3A_73 = arith.constant 1 : i32
        %scan3A_74 = scf.for %scan3A_77 = %scan3A_70 to %scan3A_72 step %scan3A_73 iter_args(%scan3A_78 = %scan3A_69) -> (i32)  : i32 {
          %mul3A_79 = arith.constant 80 : i32
          %mul3A_80 = arith.muli %scan3A_77, %mul3A_79 : i32
          %add3A_81 = arith.constant 0 : i32
          %add3A_82 = arith.addi %mul3A_80, %add3A_81 : i32
          %get3A = arith.index_cast %add3A_82 : i32 to index
          %get3A_83 = tpu.vector_load %arg13[%get3A] {strides = array<i32>} : memref<2000xf32, #tpu.memory_space<vmem>>, vector<16xf32>,
          %get3A_84 = vector.shape_cast %get3A_83 : vector<16xf32> to vector<16xf32>
          %get3A_85 = arith.index_cast %add3A_82 : i32 to index
          %get3A_86 = tpu.vector_load %arg14[%get3A_85] {strides = array<i32>} : memref<2000xf32, #tpu.memory_space<vmem>>, vector<16xf32>,
          %get3A_87 = vector.shape_cast %get3A_86 : vector<16xf32> to vector<16xf32>
          %add3A_88 = arith.addf %get3A_84, %get3A_87 : vector<16xf32>
          %gt3A = arith.constant 0.000000e+00 : f32
          %gt3A_89 = vector.broadcast %gt3A : f32 to vector<16xf32>
          %gt3A_90 = arith.cmpf ogt, %add3A_88, %gt3A_89 : vector<16xf32>
          %jit3A_91 = arith.constant 0 : i32
          %jit3A_92 = arith.constant 1 : i32
          %broadcast_in_dim3A_93 = vector.broadcast %jit3A_91 : i32 to vector<16xi32>
          %broadcast_in_dim3A_94 = vector.broadcast %jit3A_92 : i32 to vector<16xi32>
          %select_n3A_95 = arith.select %gt3A_90, %broadcast_in_dim3A_93, %broadcast_in_dim3A_94 : vector<16xi1>, vector<16xi32>
          %get3A_96 = arith.index_cast %add3A_82 : i32 to index
          %get3A_97 = tpu.vector_load %arg12[%get3A_96] {strides = array<i32>} : memref<2000xi32, #tpu.memory_space<vmem>>, vector<16xi32>,
          %get3A_98 = vector.shape_cast %get3A_97 : vector<16xi32> to vector<16xi32>
          %mul3A_99 = arith.constant 110000 : i32
          %mul3A_100 = arith.muli %arg0, %mul3A_99 : i32
          %add3A_101 = vector.broadcast %mul3A_100 : i32 to vector<16xi32>
          %add3A_102 = arith.addi %get3A_98, %add3A_101 : vector<16xi32>
          %swap3A = arith.constant 0 : index
          %swap3A_103 = tpu.vector_load %arg15[%swap3A] {strides = array<i32>} : memref<80xi32, #tpu.memory_space<vmem>>, vector<16xi32>,
          %swap3A_104 = vector.shape_cast %swap3A_103 : vector<16xi32> to vector<16xi32>
          %swap3A_105 = vector.shape_cast %add3A_102 : vector<16xi32> to vector<16xi32>
          tpu.vector_store %arg15[%swap3A], %swap3A_105 {strides = array<i32>} : memref<80xi32, #tpu.memory_space<vmem>>, vector<16xi32>,
          %get3A_106 = arith.index_cast %add3A_82 : i32 to index
          %get3A_107 = tpu.vector_load %arg11[%get3A_106] {strides = array<i32>} : memref<2000xi32, #tpu.memory_space<vmem>>, vector<16xi32>,
          %get3A_108 = vector.shape_cast %get3A_107 : vector<16xi32> to vector<16xi32>
          %mul3A_109 = arith.constant 10000 : i32
          %mul3A_110 = arith.muli %scan3A_23, %mul3A_109 : i32
          %sub3A = vector.broadcast %mul3A_110 : i32 to vector<16xi32>
          %sub3A_111 = arith.subi %get3A_108, %sub3A : vector<16xi32>
          %eq3A_112 = vector.broadcast %arg0 : i32 to vector<16xi32>
          %eq3A_113 = arith.cmpi eq, %select_n3A_95, %eq3A_112 : vector<16xi32>
          %jit3A_114 = arith.constant 10240 : i32
          %broadcast_in_dim3A_115 = vector.broadcast %jit3A_114 : i32 to vector<16xi32>
          %select_n3A_116 = arith.select %eq3A_113, %sub3A_111, %broadcast_in_dim3A_115 : vector<16xi1>, vector<16xi32>
          %swap3A_117 = arith.constant 0 : index
          %swap3A_118 = tpu.vector_load %arg16[%swap3A_117] {strides = array<i32>} : memref<80xi32, #tpu.memory_space<vmem>>, vector<16xi32>,
          %swap3A_119 = vector.shape_cast %swap3A_118 : vector<16xi32> to vector<16xi32>
          %swap3A_120 = vector.shape_cast %select_n3A_116 : vector<16xi32> to vector<16xi32>
          tpu.vector_store %arg16[%swap3A_117], %swap3A_120 {strides = array<i32>} : memref<80xi32, #tpu.memory_space<vmem>>, vector<16xi32>,
          %mul3A_121 = vector.broadcast %select_n3A : f32 to vector<16xf32>
          %mul3A_122 = arith.mulf %mul3A_121, %get3A_84 : vector<16xf32>
          %exp3A = math.exp %mul3A_122 : vector<16xf32>
          %swap3A_123 = arith.constant 0 : index
          %swap3A_124 = tpu.vector_load %arg17[%swap3A_123] {strides = array<i32>} : memref<80xf32, #tpu.memory_space<vmem>>, vector<16xf32>,
          %swap3A_125 = vector.shape_cast %swap3A_124 : vector<16xf32> to vector<16xf32>
          %swap3A_126 = vector.shape_cast %exp3A : vector<16xf32> to vector<16xf32>
          tpu.vector_store %arg17[%swap3A_123], %swap3A_126 {strides = array<i32>} : memref<80xf32, #tpu.memory_space<vmem>>, vector<16xf32>,
          %mul3A_127 = arith.constant 80 : i32
          %mul3A_128 = arith.muli %scan3A_77, %mul3A_127 : i32
          %add3A_129 = arith.constant 16 : i32
          %add3A_130 = arith.addi %mul3A_128, %add3A_129 : i32
          %get3A_131 = arith.index_cast %add3A_130 : i32 to index
          %get3A_132 = tpu.vector_load %arg13[%get3A_131] {strides = array<i32>} : memref<2000xf32, #tpu.memory_space<vmem>>, vector<16xf32>,
          %get3A_133 = vector.shape_cast %get3A_132 : vector<16xf32> to vector<16xf32>
          %get3A_134 = arith.index_cast %add3A_130 : i32 to index
          %get3A_135 = tpu.vector_load %arg14[%get3A_134] {strides = array<i32>} : memref<2000xf32, #tpu.memory_space<vmem>>, vector<16xf32>,
          %get3A_136 = vector.shape_cast %get3A_135 : vector<16xf32> to vector<16xf32>
          %add3A_137 = arith.addf %get3A_133, %get3A_136 : vector<16xf32>
          %gt3A_138 = arith.constant 0.000000e+00 : f32
          %gt3A_139 = vector.broadcast %gt3A_138 : f32 to vector<16xf32>
          %gt3A_140 = arith.cmpf ogt, %add3A_137, %gt3A_139 : vector<16xf32>
          %jit3A_141 = arith.constant 0 : i32
          %jit3A_142 = arith.constant 1 : i32
          %broadcast_in_dim3A_143 = vector.broadcast %jit3A_141 : i32 to vector<16xi32>
          %broadcast_in_dim3A_144 = vector.broadcast %jit3A_142 : i32 to vector<16xi32>
          %select_n3A_145 = arith.select %gt3A_140, %broadcast_in_dim3A_143, %broadcast_in_dim3A_144 : vector<16xi1>, vector<16xi32>
          %get3A_146 = arith.index_cast %add3A_130 : i32 to index
          %get3A_147 = tpu.vector_load %arg12[%get3A_146] {strides = array<i32>} : memref<2000xi32, #tpu.memory_space<vmem>>, vector<16xi32>,
          %get3A_148 = vector.shape_cast %get3A_147 : vector<16xi32> to vector<16xi32>
          %mul3A_149 = arith.constant 110000 : i32
          %mul3A_150 = arith.muli %arg0, %mul3A_149 : i32
          %add3A_151 = vector.broadcast %mul3A_150 : i32 to vector<16xi32>
          %add3A_152 = arith.addi %get3A_148, %add3A_151 : vector<16xi32>
          %swap3A_153 = arith.constant 16 : index
          %swap3A_154 = tpu.vector_load %arg15[%swap3A_153] {strides = array<i32>} : memref<80xi32, #tpu.memory_space<vmem>>, vector<16xi32>,
          %swap3A_155 = vector.shape_cast %swap3A_154 : vector<16xi32> to vector<16xi32>
          %swap3A_156 = vector.shape_cast %add3A_152 : vector<16xi32> to vector<16xi32>
          tpu.vector_store %arg15[%swap3A_153], %swap3A_156 {strides = array<i32>} : memref<80xi32, #tpu.memory_space<vmem>>, vector<16xi32>,
          %get3A_157 = arith.index_cast %add3A_130 : i32 to index
          %get3A_158 = tpu.vector_load %arg11[%get3A_157] {strides = array<i32>} : memref<2000xi32, #tpu.memory_space<vmem>>, vector<16xi32>,
          %get3A_159 = vector.shape_cast %get3A_158 : vector<16xi32> to vector<16xi32>
          %mul3A_160 = arith.constant 10000 : i32
          %mul3A_161 = arith.muli %scan3A_23, %mul3A_160 : i32
          %sub3A_162 = vector.broadcast %mul3A_161 : i32 to vector<16xi32>
          %sub3A_163 = arith.subi %get3A_159, %sub3A_162 : vector<16xi32>
          %eq3A_164 = vector.broadcast %arg0 : i32 to vector<16xi32>
          %eq3A_165 = arith.cmpi eq, %select_n3A_145, %eq3A_164 : vector<16xi32>
          %jit3A_166 = arith.constant 10240 : i32
          %broadcast_in_dim3A_167 = vector.broadcast %jit3A_166 : i32 to vector<16xi32>
          %select_n3A_168 = arith.select %eq3A_165, %sub3A_163, %broadcast_in_dim3A_167 : vector<16xi1>, vector<16xi32>
          %swap3A_169 = arith.constant 16 : index
          %swap3A_170 = tpu.vector_load %arg16[%swap3A_169] {strides = array<i32>} : memref<80xi32, #tpu.memory_space<vmem>>, vector<16xi32>,
          %swap3A_171 = vector.shape_cast %swap3A_170 : vector<16xi32> to vector<16xi32>
          %swap3A_172 = vector.shape_cast %select_n3A_168 : vector<16xi32> to vector<16xi32>
          tpu.vector_store %arg16[%swap3A_169], %swap3A_172 {strides = array<i32>} : memref<80xi32, #tpu.memory_space<vmem>>, vector<16xi32>,
          %mul3A_173 = vector.broadcast %select_n3A : f32 to vector<16xf32>
          %mul3A_174 = arith.mulf %mul3A_173, %get3A_133 : vector<16xf32>
          %exp3A_175 = math.exp %mul3A_174 : vector<16xf32>
          %swap3A_176 = arith.constant 16 : index
          %swap3A_177 = tpu.vector_load %arg17[%swap3A_176] {strides = array<i32>} : memref<80xf32, #tpu.memory_space<vmem>>, vector<16xf32>,
          %swap3A_178 = vector.shape_cast %swap3A_177 : vector<16xf32> to vector<16xf32>
          %swap3A_179 = vector.shape_cast %exp3A_175 : vector<16xf32> to vector<16xf32>
          tpu.vector_store %arg17[%swap3A_176], %swap3A_179 {strides = array<i32>} : memref<80xf32, #tpu.memory_space<vmem>>, vector<16xf32>,
          %mul3A_180 = arith.constant 80 : i32
          %mul3A_181 = arith.muli %scan3A_77, %mul3A_180 : i32
          %add3A_182 = arith.constant 32 : i32
          %add3A_183 = arith.addi %mul3A_181, %add3A_182 : i32
          %get3A_184 = arith.index_cast %add3A_183 : i32 to index
          %get3A_185 = tpu.vector_load %arg13[%get3A_184] {strides = array<i32>} : memref<2000xf32, #tpu.memory_space<vmem>>, vector<16xf32>,
          %get3A_186 = vector.shape_cast %get3A_185 : vector<16xf32> to vector<16xf32>
          %get3A_187 = arith.index_cast %add3A_183 : i32 to index
          %get3A_188 = tpu.vector_load %arg14[%get3A_187] {strides = array<i32>} : memref<2000xf32, #tpu.memory_space<vmem>>, vector<16xf32>,
          %get3A_189 = vector.shape_cast %get3A_188 : vector<16xf32> to vector<16xf32>
          %add3A_190 = arith.addf %get3A_186, %get3A_189 : vector<16xf32>
          %gt3A_191 = arith.constant 0.000000e+00 : f32
          %gt3A_192 = vector.broadcast %gt3A_191 : f32 to vector<16xf32>
          %gt3A_193 = arith.cmpf ogt, %add3A_190, %gt3A_192 : vector<16xf32>
          %jit3A_194 = arith.constant 0 : i32
          %jit3A_195 = arith.constant 1 : i32
          %broadcast_in_dim3A_196 = vector.broadcast %jit3A_194 : i32 to vector<16xi32>
          %broadcast_in_dim3A_197 = vector.broadcast %jit3A_195 : i32 to vector<16xi32>
          %select_n3A_198 = arith.select %gt3A_193, %broadcast_in_dim3A_196, %broadcast_in_dim3A_197 : vector<16xi1>, vector<16xi32>
          %get3A_199 = arith.index_cast %add3A_183 : i32 to index
          %get3A_200 = tpu.vector_load %arg12[%get3A_199] {strides = array<i32>} : memref<2000xi32, #tpu.memory_space<vmem>>, vector<16xi32>,
          %get3A_201 = vector.shape_cast %get3A_200 : vector<16xi32> to vector<16xi32>
          %mul3A_202 = arith.constant 110000 : i32
          %mul3A_203 = arith.muli %arg0, %mul3A_202 : i32
          %add3A_204 = vector.broadcast %mul3A_203 : i32 to vector<16xi32>
          %add3A_205 = arith.addi %get3A_201, %add3A_204 : vector<16xi32>
          %swap3A_206 = arith.constant 32 : index
          %swap3A_207 = tpu.vector_load %arg15[%swap3A_206] {strides = array<i32>} : memref<80xi32, #tpu.memory_space<vmem>>, vector<16xi32>,
          %swap3A_208 = vector.shape_cast %swap3A_207 : vector<16xi32> to vector<16xi32>
          %swap3A_209 = vector.shape_cast %add3A_205 : vector<16xi32> to vector<16xi32>
          tpu.vector_store %arg15[%swap3A_206], %swap3A_209 {strides = array<i32>} : memref<80xi32, #tpu.memory_space<vmem>>, vector<16xi32>,
          %get3A_210 = arith.index_cast %add3A_183 : i32 to index
          %get3A_211 = tpu.vector_load %arg11[%get3A_210] {strides = array<i32>} : memref<2000xi32, #tpu.memory_space<vmem>>, vector<16xi32>,
          %get3A_212 = vector.shape_cast %get3A_211 : vector<16xi32> to vector<16xi32>
          %mul3A_213 = arith.constant 10000 : i32
          %mul3A_214 = arith.muli %scan3A_23, %mul3A_213 : i32
          %sub3A_215 = vector.broadcast %mul3A_214 : i32 to vector<16xi32>
          %sub3A_216 = arith.subi %get3A_212, %sub3A_215 : vector<16xi32>
          %eq3A_217 = vector.broadcast %arg0 : i32 to vector<16xi32>
          %eq3A_218 = arith.cmpi eq, %select_n3A_198, %eq3A_217 : vector<16xi32>
          %jit3A_219 = arith.constant 10240 : i32
          %broadcast_in_dim3A_220 = vector.broadcast %jit3A_219 : i32 to vector<16xi32>
          %select_n3A_221 = arith.select %eq3A_218, %sub3A_216, %broadcast_in_dim3A_220 : vector<16xi1>, vector<16xi32>
          %swap3A_222 = arith.constant 32 : index
          %swap3A_223 = tpu.vector_load %arg16[%swap3A_222] {strides = array<i32>} : memref<80xi32, #tpu.memory_space<vmem>>, vector<16xi32>,
          %swap3A_224 = vector.shape_cast %swap3A_223 : vector<16xi32> to vector<16xi32>
          %swap3A_225 = vector.shape_cast %select_n3A_221 : vector<16xi32> to vector<16xi32>
          tpu.vector_store %arg16[%swap3A_222], %swap3A_225 {strides = array<i32>} : memref<80xi32, #tpu.memory_space<vmem>>, vector<16xi32>,
          %mul3A_226 = vector.broadcast %select_n3A : f32 to vector<16xf32>
          %mul3A_227 = arith.mulf %mul3A_226, %get3A_186 : vector<16xf32>
          %exp3A_228 = math.exp %mul3A_227 : vector<16xf32>
          %swap3A_229 = arith.constant 32 : index
          %swap3A_230 = tpu.vector_load %arg17[%swap3A_229] {strides = array<i32>} : memref<80xf32, #tpu.memory_space<vmem>>, vector<16xf32>,
          %swap3A_231 = vector.shape_cast %swap3A_230 : vector<16xf32> to vector<16xf32>
          %swap3A_232 = vector.shape_cast %exp3A_228 : vector<16xf32> to vector<16xf32>
          tpu.vector_store %arg17[%swap3A_229], %swap3A_232 {strides = array<i32>} : memref<80xf32, #tpu.memory_space<vmem>>, vector<16xf32>,
          %mul3A_233 = arith.constant 80 : i32
          %mul3A_234 = arith.muli %scan3A_77, %mul3A_233 : i32
          %add3A_235 = arith.constant 48 : i32
          %add3A_236 = arith.addi %mul3A_234, %add3A_235 : i32
          %get3A_237 = arith.index_cast %add3A_236 : i32 to index
          %get3A_238 = tpu.vector_load %arg13[%get3A_237] {strides = array<i32>} : memref<2000xf32, #tpu.memory_space<vmem>>, vector<16xf32>,
          %get3A_239 = vector.shape_cast %get3A_238 : vector<16xf32> to vector<16xf32>
          %get3A_240 = arith.index_cast %add3A_236 : i32 to index
          %get3A_241 = tpu.vector_load %arg14[%get3A_240] {strides = array<i32>} : memref<2000xf32, #tpu.memory_space<vmem>>, vector<16xf32>,
          %get3A_242 = vector.shape_cast %get3A_241 : vector<16xf32> to vector<16xf32>
          %add3A_243 = arith.addf %get3A_239, %get3A_242 : vector<16xf32>
          %gt3A_244 = arith.constant 0.000000e+00 : f32
          %gt3A_245 = vector.broadcast %gt3A_244 : f32 to vector<16xf32>
          %gt3A_246 = arith.cmpf ogt, %add3A_243, %gt3A_245 : vector<16xf32>
          %jit3A_247 = arith.constant 0 : i32
          %jit3A_248 = arith.constant 1 : i32
          %broadcast_in_dim3A_249 = vector.broadcast %jit3A_247 : i32 to vector<16xi32>
          %broadcast_in_dim3A_250 = vector.broadcast %jit3A_248 : i32 to vector<16xi32>
          %select_n3A_251 = arith.select %gt3A_246, %broadcast_in_dim3A_249, %broadcast_in_dim3A_250 : vector<16xi1>, vector<16xi32>
          %get3A_252 = arith.index_cast %add3A_236 : i32 to index
          %get3A_253 = tpu.vector_load %arg12[%get3A_252] {strides = array<i32>} : memref<2000xi32, #tpu.memory_space<vmem>>, vector<16xi32>,
          %get3A_254 = vector.shape_cast %get3A_253 : vector<16xi32> to vector<16xi32>
          %mul3A_255 = arith.constant 110000 : i32
          %mul3A_256 = arith.muli %arg0, %mul3A_255 : i32
          %add3A_257 = vector.broadcast %mul3A_256 : i32 to vector<16xi32>
          %add3A_258 = arith.addi %get3A_254, %add3A_257 : vector<16xi32>
          %swap3A_259 = arith.constant 48 : index
          %swap3A_260 = tpu.vector_load %arg15[%swap3A_259] {strides = array<i32>} : memref<80xi32, #tpu.memory_space<vmem>>, vector<16xi32>,
          %swap3A_261 = vector.shape_cast %swap3A_260 : vector<16xi32> to vector<16xi32>
          %swap3A_262 = vector.shape_cast %add3A_258 : vector<16xi32> to vector<16xi32>
          tpu.vector_store %arg15[%swap3A_259], %swap3A_262 {strides = array<i32>} : memref<80xi32, #tpu.memory_space<vmem>>, vector<16xi32>,
          %get3A_263 = arith.index_cast %add3A_236 : i32 to index
          %get3A_264 = tpu.vector_load %arg11[%get3A_263] {strides = array<i32>} : memref<2000xi32, #tpu.memory_space<vmem>>, vector<16xi32>,
          %get3A_265 = vector.shape_cast %get3A_264 : vector<16xi32> to vector<16xi32>
          %mul3A_266 = arith.constant 10000 : i32
          %mul3A_267 = arith.muli %scan3A_23, %mul3A_266 : i32
          %sub3A_268 = vector.broadcast %mul3A_267 : i32 to vector<16xi32>
          %sub3A_269 = arith.subi %get3A_265, %sub3A_268 : vector<16xi32>
          %eq3A_270 = vector.broadcast %arg0 : i32 to vector<16xi32>
          %eq3A_271 = arith.cmpi eq, %select_n3A_251, %eq3A_270 : vector<16xi32>
          %jit3A_272 = arith.constant 10240 : i32
          %broadcast_in_dim3A_273 = vector.broadcast %jit3A_272 : i32 to vector<16xi32>
          %select_n3A_274 = arith.select %eq3A_271, %sub3A_269, %broadcast_in_dim3A_273 : vector<16xi1>, vector<16xi32>
          %swap3A_275 = arith.constant 48 : index
          %swap3A_276 = tpu.vector_load %arg16[%swap3A_275] {strides = array<i32>} : memref<80xi32, #tpu.memory_space<vmem>>, vector<16xi32>,
          %swap3A_277 = vector.shape_cast %swap3A_276 : vector<16xi32> to vector<16xi32>
          %swap3A_278 = vector.shape_cast %select_n3A_274 : vector<16xi32> to vector<16xi32>
          tpu.vector_store %arg16[%swap3A_275], %swap3A_278 {strides = array<i32>} : memref<80xi32, #tpu.memory_space<vmem>>, vector<16xi32>,
          %mul3A_279 = vector.broadcast %select_n3A : f32 to vector<16xf32>
          %mul3A_280 = arith.mulf %mul3A_279, %get3A_239 : vector<16xf32>
          %exp3A_281 = math.exp %mul3A_280 : vector<16xf32>
          %swap3A_282 = arith.constant 48 : index
          %swap3A_283 = tpu.vector_load %arg17[%swap3A_282] {strides = array<i32>} : memref<80xf32, #tpu.memory_space<vmem>>, vector<16xf32>,
          %swap3A_284 = vector.shape_cast %swap3A_283 : vector<16xf32> to vector<16xf32>
          %swap3A_285 = vector.shape_cast %exp3A_281 : vector<16xf32> to vector<16xf32>
          tpu.vector_store %arg17[%swap3A_282], %swap3A_285 {strides = array<i32>} : memref<80xf32, #tpu.memory_space<vmem>>, vector<16xf32>,
          %mul3A_286 = arith.constant 80 : i32
          %mul3A_287 = arith.muli %scan3A_77, %mul3A_286 : i32
          %add3A_288 = arith.constant 64 : i32
          %add3A_289 = arith.addi %mul3A_287, %add3A_288 : i32
          %get3A_290 = arith.index_cast %add3A_289 : i32 to index
          %get3A_291 = tpu.vector_load %arg13[%get3A_290] {strides = array<i32>} : memref<2000xf32, #tpu.memory_space<vmem>>, vector<16xf32>,
          %get3A_292 = vector.shape_cast %get3A_291 : vector<16xf32> to vector<16xf32>
          %get3A_293 = arith.index_cast %add3A_289 : i32 to index
          %get3A_294 = tpu.vector_load %arg14[%get3A_293] {strides = array<i32>} : memref<2000xf32, #tpu.memory_space<vmem>>, vector<16xf32>,
          %get3A_295 = vector.shape_cast %get3A_294 : vector<16xf32> to vector<16xf32>
          %add3A_296 = arith.addf %get3A_292, %get3A_295 : vector<16xf32>
          %gt3A_297 = arith.constant 0.000000e+00 : f32
          %gt3A_298 = vector.broadcast %gt3A_297 : f32 to vector<16xf32>
          %gt3A_299 = arith.cmpf ogt, %add3A_296, %gt3A_298 : vector<16xf32>
          %jit3A_300 = arith.constant 0 : i32
          %jit3A_301 = arith.constant 1 : i32
          %broadcast_in_dim3A_302 = vector.broadcast %jit3A_300 : i32 to vector<16xi32>
          %broadcast_in_dim3A_303 = vector.broadcast %jit3A_301 : i32 to vector<16xi32>
          %select_n3A_304 = arith.select %gt3A_299, %broadcast_in_dim3A_302, %broadcast_in_dim3A_303 : vector<16xi1>, vector<16xi32>
          %get3A_305 = arith.index_cast %add3A_289 : i32 to index
          %get3A_306 = tpu.vector_load %arg12[%get3A_305] {strides = array<i32>} : memref<2000xi32, #tpu.memory_space<vmem>>, vector<16xi32>,
          %get3A_307 = vector.shape_cast %get3A_306 : vector<16xi32> to vector<16xi32>
          %mul3A_308 = arith.constant 110000 : i32
          %mul3A_309 = arith.muli %arg0, %mul3A_308 : i32
          %add3A_310 = vector.broadcast %mul3A_309 : i32 to vector<16xi32>
          %add3A_311 = arith.addi %get3A_307, %add3A_310 : vector<16xi32>
          %swap3A_312 = arith.constant 64 : index
          %swap3A_313 = tpu.vector_load %arg15[%swap3A_312] {strides = array<i32>} : memref<80xi32, #tpu.memory_space<vmem>>, vector<16xi32>,
          %swap3A_314 = vector.shape_cast %swap3A_313 : vector<16xi32> to vector<16xi32>
          %swap3A_315 = vector.shape_cast %add3A_311 : vector<16xi32> to vector<16xi32>
          tpu.vector_store %arg15[%swap3A_312], %swap3A_315 {strides = array<i32>} : memref<80xi32, #tpu.memory_space<vmem>>, vector<16xi32>,
          %get3A_316 = arith.index_cast %add3A_289 : i32 to index
          %get3A_317 = tpu.vector_load %arg11[%get3A_316] {strides = array<i32>} : memref<2000xi32, #tpu.memory_space<vmem>>, vector<16xi32>,
          %get3A_318 = vector.shape_cast %get3A_317 : vector<16xi32> to vector<16xi32>
          %mul3A_319 = arith.constant 10000 : i32
          %mul3A_320 = arith.muli %scan3A_23, %mul3A_319 : i32
          %sub3A_321 = vector.broadcast %mul3A_320 : i32 to vector<16xi32>
          %sub3A_322 = arith.subi %get3A_318, %sub3A_321 : vector<16xi32>
          %eq3A_323 = vector.broadcast %arg0 : i32 to vector<16xi32>
          %eq3A_324 = arith.cmpi eq, %select_n3A_304, %eq3A_323 : vector<16xi32>
          %jit3A_325 = arith.constant 10240 : i32
          %broadcast_in_dim3A_326 = vector.broadcast %jit3A_325 : i32 to vector<16xi32>
          %select_n3A_327 = arith.select %eq3A_324, %sub3A_322, %broadcast_in_dim3A_326 : vector<16xi1>, vector<16xi32>
          %swap3A_328 = arith.constant 64 : index
          %swap3A_329 = tpu.vector_load %arg16[%swap3A_328] {strides = array<i32>} : memref<80xi32, #tpu.memory_space<vmem>>, vector<16xi32>,
          %swap3A_330 = vector.shape_cast %swap3A_329 : vector<16xi32> to vector<16xi32>
          %swap3A_331 = vector.shape_cast %select_n3A_327 : vector<16xi32> to vector<16xi32>
          tpu.vector_store %arg16[%swap3A_328], %swap3A_331 {strides = array<i32>} : memref<80xi32, #tpu.memory_space<vmem>>, vector<16xi32>,
          %mul3A_332 = vector.broadcast %select_n3A : f32 to vector<16xf32>
          %mul3A_333 = arith.mulf %mul3A_332, %get3A_292 : vector<16xf32>
          %exp3A_334 = math.exp %mul3A_333 : vector<16xf32>
          %swap3A_335 = arith.constant 64 : index
          %swap3A_336 = tpu.vector_load %arg17[%swap3A_335] {strides = array<i32>} : memref<80xf32, #tpu.memory_space<vmem>>, vector<16xf32>,
          %swap3A_337 = vector.shape_cast %swap3A_336 : vector<16xf32> to vector<16xf32>
          %swap3A_338 = vector.shape_cast %exp3A_334 : vector<16xf32> to vector<16xf32>
          tpu.vector_store %arg17[%swap3A_335], %swap3A_338 {strides = array<i32>} : memref<80xf32, #tpu.memory_space<vmem>>, vector<16xf32>,
          %dma_start3A = arith.constant 0 : i32
          %dma_start3A_339 = arith.constant 0 : i32
          %dma_start3A_340 = tpu.memref_slice %arg7[%dma_start3A, %dma_start3A_339] : memref<220000x128xf32, #tpu.memory_space<hbm>> -> memref<220000x128xf32, #tpu.memory_space<hbm>>
          tpu.enqueue_indirect_dma source(%dma_start3A_340 : memref<220000x128xf32, #tpu.memory_space<hbm>>) target(%arg18 : memref<80x128xf32, #tpu.memory_space<vmem>>) offsets(%arg15 : memref<80xi32, #tpu.memory_space<vmem>>) semaphore(%arg24 : memref<!tpu.dma_semaphore, #tpu.memory_space<semaphore_mem>>)
          %dma_wait3A = arith.constant 0 : i32
          %dma_wait3A_341 = arith.constant 0 : i32
          %dma_wait3A_342 = tpu.memref_slice %arg7[%dma_wait3A, %dma_wait3A_341] : memref<220000x128xf32, #tpu.memory_space<hbm>> -> memref<220000x128xf32, #tpu.memory_space<hbm>>
          tpu.wait_indirect_dma semaphore(%arg24 : memref<!tpu.dma_semaphore, #tpu.memory_space<semaphore_mem>>) src(%dma_wait3A_342 : memref<220000x128xf32, #tpu.memory_space<hbm>>) dst(%arg18 : memref<80x128xf32, #tpu.memory_space<vmem>>)
          "tpu.region"() ({
            %run_scoped3A = tpu.sem_alloc : memref<!tpu.dma_semaphore, #tpu.memory_space<semaphore_mem>>
            %dma_start3A_344 = arith.constant 0 : i32
            %dma_start3A_345 = arith.constant 0 : i32
            %dma_start3A_346 = tpu.memref_slice %arg21[%dma_start3A_344, %dma_start3A_345] : memref<10248x128xf32, #tpu.memory_space<vmem_shared>> -> memref<10248x128xf32, #tpu.memory_space<vmem_shared>>
            tpu.enqueue_indirect_dma source(%arg18 : memref<80x128xf32, #tpu.memory_space<vmem>>) target(%dma_start3A_346 : memref<10248x128xf32, #tpu.memory_space<vmem_shared>>) offsets(%arg16 : memref<80xi32, #tpu.memory_space<vmem>>) semaphore(%run_scoped3A : memref<!tpu.dma_semaphore, #tpu.memory_space<semaphore_mem>>) {add = true}
            %dma_wait3A_347 = arith.constant 0 : i32
            %dma_wait3A_348 = arith.constant 0 : i32
            %dma_wait3A_349 = tpu.memref_slice %arg21[%dma_wait3A_347, %dma_wait3A_348] : memref<10248x128xf32, #tpu.memory_space<vmem_shared>> -> memref<10248x128xf32, #tpu.memory_space<vmem_shared>>
            tpu.wait_indirect_dma semaphore(%run_scoped3A : memref<!tpu.dma_semaphore, #tpu.memory_space<semaphore_mem>>) src(%arg18 : memref<80x128xf32, #tpu.memory_space<vmem>>) dst(%dma_wait3A_349 : memref<10248x128xf32, #tpu.memory_space<vmem_shared>>)
            tpu.yield
          }) : () -> ()
          "tpu.region"() ({
            %run_scoped3A = tpu.sem_alloc : memref<!tpu.dma_semaphore, #tpu.memory_space<semaphore_mem>>
            %dma_start3A_344 = arith.constant 0 : i32
            %dma_start3A_345 = tpu.memref_slice %arg22[%dma_start3A_344] : memref<10248xf32, #tpu.memory_space<vmem_shared>> -> memref<10248xf32, #tpu.memory_space<vmem_shared>>
            tpu.enqueue_indirect_dma source(%arg17 : memref<80xf32, #tpu.memory_space<vmem>>) target(%dma_start3A_345 : memref<10248xf32, #tpu.memory_space<vmem_shared>>) offsets(%arg16 : memref<80xi32, #tpu.memory_space<vmem>>) semaphore(%run_scoped3A : memref<!tpu.dma_semaphore, #tpu.memory_space<semaphore_mem>>) {add = true}
            %dma_wait3A_346 = arith.constant 0 : i32
            %dma_wait3A_347 = tpu.memref_slice %arg22[%dma_wait3A_346] : memref<10248xf32, #tpu.memory_space<vmem_shared>> -> memref<10248xf32, #tpu.memory_space<vmem_shared>>
            tpu.wait_indirect_dma semaphore(%run_scoped3A : memref<!tpu.dma_semaphore, #tpu.memory_space<semaphore_mem>>) src(%arg17 : memref<80xf32, #tpu.memory_space<vmem>>) dst(%dma_wait3A_347 : memref<10248xf32, #tpu.memory_space<vmem_shared>>)
            tpu.yield
          }) : () -> ()
          %scan3A_343 = arith.constant 0 : i32
          scf.yield %scan3A_343 : i32
        }
        %scan3A_75 = arith.constant 25 : i32
        %scan3A_76 = arith.constant 0 : i32
        scf.yield %scan3A_76 : i32
      }
      %scan3A_39 = arith.constant 10 : i32
      %barrier3A_40 = arith.constant 0 : index
      tpu.barrier barrier_id(%barrier3A_40)
      %scan3A_41 = arith.constant 0 : i32
      %scan3A_42 = arith.constant 0 : i32
      %scan3A_43 = arith.constant 5 : i32
      %scan3A_44 = arith.addi %scan3A_42, %scan3A_43 : i32
      %scan3A_45 = arith.constant 1 : i32
      %scan3A_46 = scf.for %scan3A_53 = %scan3A_42 to %scan3A_44 step %scan3A_45 iter_args(%scan3A_54 = %scan3A_41) -> (i32)  : i32 {
        %mul3A_55 = arith.constant 640 : i32
        %mul3A_56 = arith.muli %arg1, %mul3A_55 : i32
        %mul3A_57 = arith.constant 128 : i32
        %mul3A_58 = arith.muli %scan3A_53, %mul3A_57 : i32
        %add3A = arith.addi %mul3A_56, %mul3A_58 : i32
        "tpu.region"() ({
          %run_scoped3A = tpu.sem_alloc : memref<!tpu.dma_semaphore, #tpu.memory_space<semaphore_mem>>
          %dma_start3A = arith.constant 0 : i32
          %dma_start3A_60 = tpu.memref_slice %arg8[%arg0, %scan3A_23, %add3A, %dma_start3A] : memref<2x11x10240x128xf32, #tpu.memory_space<hbm>> -> memref<1x1x128x128xf32, #tpu.memory_space<hbm>>
          %dma_start3A_61 = tpu.memref_squeeze %dma_start3A_60 : memref<1x1x128x128xf32, #tpu.memory_space<hbm>> -> memref<128x128xf32, #tpu.memory_space<hbm>>
          %dma_start3A_62 = arith.constant 0 : i32
          %dma_start3A_63 = tpu.memref_slice %arg21[%add3A, %dma_start3A_62] : memref<10248x128xf32, #tpu.memory_space<vmem_shared>> -> memref<128x128xf32, #tpu.memory_space<vmem_shared>>
          tpu.enqueue_dma source(%dma_start3A_63 : memref<128x128xf32, #tpu.memory_space<vmem_shared>>) target(%dma_start3A_61 : memref<128x128xf32, #tpu.memory_space<hbm>>) target_semaphore(%run_scoped3A : memref<!tpu.dma_semaphore, #tpu.memory_space<semaphore_mem>>)
          %dma_wait3A = arith.constant 0 : i32
          %dma_wait3A_64 = tpu.memref_slice %arg8[%arg0, %scan3A_23, %add3A, %dma_wait3A] : memref<2x11x10240x128xf32, #tpu.memory_space<hbm>> -> memref<1x1x128x128xf32, #tpu.memory_space<hbm>>
          %dma_wait3A_65 = tpu.memref_squeeze %dma_wait3A_64 : memref<1x1x128x128xf32, #tpu.memory_space<hbm>> -> memref<128x128xf32, #tpu.memory_space<hbm>>
          %dma_wait3A_66 = arith.constant 0 : i32
          %dma_wait3A_67 = tpu.memref_slice %arg21[%add3A, %dma_wait3A_66] : memref<10248x128xf32, #tpu.memory_space<vmem_shared>> -> memref<128x128xf32, #tpu.memory_space<vmem_shared>>
          tpu.wait_dma2 semaphore(%run_scoped3A : memref<!tpu.dma_semaphore, #tpu.memory_space<semaphore_mem>>) src(%dma_wait3A_67 : memref<128x128xf32, #tpu.memory_space<vmem_shared>>) dst(%dma_wait3A_65 : memref<128x128xf32, #tpu.memory_space<hbm>>)
          tpu.yield
        }) : () -> ()
        %scan3A_59 = arith.constant 0 : i32
        scf.yield %scan3A_59 : i32
      }
      %scan3A_47 = arith.constant 5 : i32
      %mul3A_48 = arith.constant 640 : i32
      %mul3A_49 = arith.muli %arg1, %mul3A_48 : i32
      %mul3A_50 = arith.constant 640 : i32
      %mul3A_51 = arith.muli %arg1, %mul3A_50 : i32
      "tpu.region"() ({
        %run_scoped3A = tpu.sem_alloc : memref<!tpu.dma_semaphore, #tpu.memory_space<semaphore_mem>>
        %dma_start3A = tpu.memref_slice %arg9[%arg0, %scan3A_23, %mul3A_51] : memref<2x11x10240xf32, #tpu.memory_space<hbm>> -> memref<1x1x640xf32, #tpu.memory_space<hbm>>
        %dma_start3A_53 = tpu.memref_squeeze %dma_start3A : memref<1x1x640xf32, #tpu.memory_space<hbm>> -> memref<640xf32, #tpu.memory_space<hbm>>
        %dma_start3A_54 = tpu.memref_slice %arg22[%mul3A_49] : memref<10248xf32, #tpu.memory_space<vmem_shared>> -> memref<640xf32, #tpu.memory_space<vmem_shared>>
        tpu.enqueue_dma source(%dma_start3A_54 : memref<640xf32, #tpu.memory_space<vmem_shared>>) target(%dma_start3A_53 : memref<640xf32, #tpu.memory_space<hbm>>) target_semaphore(%run_scoped3A : memref<!tpu.dma_semaphore, #tpu.memory_space<semaphore_mem>>)
        %dma_wait3A = tpu.memref_slice %arg9[%arg0, %scan3A_23, %mul3A_51] : memref<2x11x10240xf32, #tpu.memory_space<hbm>> -> memref<1x1x640xf32, #tpu.memory_space<hbm>>
        %dma_wait3A_55 = tpu.memref_squeeze %dma_wait3A : memref<1x1x640xf32, #tpu.memory_space<hbm>> -> memref<640xf32, #tpu.memory_space<hbm>>
        %dma_wait3A_56 = tpu.memref_slice %arg22[%mul3A_49] : memref<10248xf32, #tpu.memory_space<vmem_shared>> -> memref<640xf32, #tpu.memory_space<vmem_shared>>
        tpu.wait_dma2 semaphore(%run_scoped3A : memref<!tpu.dma_semaphore, #tpu.memory_space<semaphore_mem>>) src(%dma_wait3A_56 : memref<640xf32, #tpu.memory_space<vmem_shared>>) dst(%dma_wait3A_55 : memref<640xf32, #tpu.memory_space<hbm>>)
        tpu.yield
      }) : () -> ()
      %scan3A_52 = arith.constant 0 : i32
      scf.yield %scan3A_52 : i32
    }
    %scan3A_22 = arith.constant 11 : i32
    return
  }
}

module attributes {stable_mosaic.version = 14 : i64} {
  func.func @_prek_body(%arg0: i32, %arg1: i32, %arg2: i32, %arg3: memref<1x1000x128xf32, #tpu.memory_space<vmem>>, %arg4: memref<128x128xf32, #tpu.memory_space<vmem>>, %arg5: memref<1x128xf32, #tpu.memory_space<vmem>>, %arg6: memref<1x128xf32, #tpu.memory_space<vmem>>, %arg7: memref<1x1x1000x128xf32, #tpu.memory_space<vmem>>, %arg8: memref<1x1x1000x1xf32, #tpu.memory_space<vmem>>, %arg9: memref<1x1x1000x1xf32, #tpu.memory_space<vmem>>) attributes {dimension_semantics = [#tpu.dimension_semantics<arbitrary>, #tpu.dimension_semantics<arbitrary>, #tpu.dimension_semantics<arbitrary>], iteration_bounds = array<i64: 11, 10, 2>, scalar_prefetch = 0 : i64, scratch_operands = 0 : i64, tpu.core_type = #tpu.core_type<tc>, window_params = [{transform_indices = @transform_0, window_bounds = array<i64: 1, 1000, 128>}, {pipeline_mode = #tpu.pipeline_mode<synchronous>, transform_indices = @transform_1, window_bounds = array<i64: 128, 128>}, {pipeline_mode = #tpu.pipeline_mode<synchronous>, transform_indices = @transform_2, window_bounds = array<i64: 1, 128>}, {pipeline_mode = #tpu.pipeline_mode<synchronous>, transform_indices = @transform_3, window_bounds = array<i64: 1, 128>}, {transform_indices = @transform_4, window_bounds = array<i64: 1, 1, 1000, 128>}, {transform_indices = @transform_5, window_bounds = array<i64: 1, 1, 1000, 1>}, {transform_indices = @transform_6, window_bounds = array<i64: 1, 1, 1000, 1>}]} {
    %get3A = arith.constant 0 : index
    %get3A_0 = arith.constant 0 : index
    %get3A_1 = arith.constant 0 : index
    %get3A_2 = vector.load %arg3[%get3A, %get3A_0, %get3A_1] : memref<1x1000x128xf32, #tpu.memory_space<vmem>>, vector<1x1000x128xf32>
    %get3A_3 = vector.shape_cast %get3A_2 : vector<1x1000x128xf32> to vector<1000x128xf32>
    %get3A_4 = arith.constant 0 : index
    %get3A_5 = arith.constant 0 : index
    %get3A_6 = vector.load %arg4[%get3A_4, %get3A_5] : memref<128x128xf32, #tpu.memory_space<vmem>>, vector<128x128xf32>
    %dot_general3A = arith.constant dense<0.000000e+00> : vector<1000x128xf32>
    %dot_general3A_7 = tpu.matmul %get3A_3, %get3A_6, %dot_general3A {dimension_numbers = #tpu.dot_dimension_numbers<[1], [0], [0], [1], [0, 0, 1, 1], [], []>, transpose_lhs_hint = false} : vector<1000x128xf32>, vector<128x128xf32>, vector<1000x128xf32> -> vector<1000x128xf32>
    %get3A_8 = arith.constant 0 : index
    %get3A_9 = arith.constant 0 : index
    %get3A_10 = vector.load %arg5[%get3A_8, %get3A_9] : memref<1x128xf32, #tpu.memory_space<vmem>>, vector<1x128xf32>
    %mul3A = vector.broadcast %get3A_10 : vector<1x128xf32> to vector<1000x128xf32>
    %mul3A_11 = arith.mulf %dot_general3A_7, %mul3A : vector<1000x128xf32>
    %reduce_sum3A = arith.constant dense<0.000000e+00> : vector<1000xf32>
    %reduce_sum3A_12 = vector.multi_reduction <add>, %mul3A_11, %reduce_sum3A [1] : vector<1000x128xf32> to vector<1000xf32>
    %get3A_13 = arith.constant 0 : index
    %get3A_14 = arith.constant 0 : index
    %get3A_15 = vector.load %arg6[%get3A_13, %get3A_14] : memref<1x128xf32, #tpu.memory_space<vmem>>, vector<1x128xf32>
    %mul3A_16 = vector.broadcast %get3A_15 : vector<1x128xf32> to vector<1000x128xf32>
    %mul3A_17 = arith.mulf %dot_general3A_7, %mul3A_16 : vector<1000x128xf32>
    %reduce_sum3A_18 = arith.constant dense<0.000000e+00> : vector<1000xf32>
    %reduce_sum3A_19 = vector.multi_reduction <add>, %mul3A_17, %reduce_sum3A_18 [1] : vector<1000x128xf32> to vector<1000xf32>
    %eq3A = arith.constant 0 : i32
    %eq3A_20 = arith.cmpi eq, %arg2, %eq3A : i32
    %jit3A = arith.constant 1.000000e+00 : f32
    %jit3A_21 = arith.constant 2.000000e-01 : f32
    %select_n3A = arith.select %eq3A_20, %jit3A, %jit3A_21 : f32
    %mul3A_22 = vector.broadcast %select_n3A : f32 to vector<1000xf32>
    %mul3A_23 = arith.mulf %mul3A_22, %reduce_sum3A_12 : vector<1000xf32>
    %exp3A = math.exp %mul3A_23 : vector<1000xf32>
    %broadcast_in_dim3A = vector.shape_cast %exp3A : vector<1000xf32> to vector<1000x1xf32>
    %mul3A_24 = vector.broadcast %broadcast_in_dim3A : vector<1000x1xf32> to vector<1000x128xf32>
    %mul3A_25 = arith.mulf %dot_general3A_7, %mul3A_24 : vector<1000x128xf32>
    %swap3A = arith.constant 0 : index
    %swap3A_26 = arith.constant 0 : index
    %swap3A_27 = arith.constant 0 : index
    %swap3A_28 = arith.constant 0 : index
    %swap3A_29 = vector.load %arg7[%swap3A, %swap3A_26, %swap3A_27, %swap3A_28] : memref<1x1x1000x128xf32, #tpu.memory_space<vmem>>, vector<1x1x1000x128xf32>
    %swap3A_30 = vector.shape_cast %swap3A_29 : vector<1x1x1000x128xf32> to vector<1000x128xf32>
    %swap3A_31 = vector.shape_cast %mul3A_25 : vector<1000x128xf32> to vector<1x1x1000x128xf32>
    tpu.vector_store %arg7[%swap3A, %swap3A_26, %swap3A_27, %swap3A_28], %swap3A_31 {strides = array<i32>} : memref<1x1x1000x128xf32, #tpu.memory_space<vmem>>, vector<1x1x1000x128xf32>,
    %reshape3A = vector.shape_cast %reduce_sum3A_12 : vector<1000xf32> to vector<1000x1xf32>
    %swap3A_32 = arith.constant 0 : index
    %swap3A_33 = arith.constant 0 : index
    %swap3A_34 = arith.constant 0 : index
    %swap3A_35 = arith.constant 0 : index
    %swap3A_36 = vector.load %arg8[%swap3A_32, %swap3A_33, %swap3A_34, %swap3A_35] : memref<1x1x1000x1xf32, #tpu.memory_space<vmem>>, vector<1x1x1000x1xf32>
    %swap3A_37 = vector.shape_cast %swap3A_36 : vector<1x1x1000x1xf32> to vector<1000x1xf32>
    %swap3A_38 = vector.shape_cast %reshape3A : vector<1000x1xf32> to vector<1x1x1000x1xf32>
    tpu.vector_store %arg8[%swap3A_32, %swap3A_33, %swap3A_34, %swap3A_35], %swap3A_38 {strides = array<i32>} : memref<1x1x1000x1xf32, #tpu.memory_space<vmem>>, vector<1x1x1000x1xf32>,
    %reshape3A_39 = vector.shape_cast %reduce_sum3A_19 : vector<1000xf32> to vector<1000x1xf32>
    %swap3A_40 = arith.constant 0 : index
    %swap3A_41 = arith.constant 0 : index
    %swap3A_42 = arith.constant 0 : index
    %swap3A_43 = arith.constant 0 : index
    %swap3A_44 = vector.load %arg9[%swap3A_40, %swap3A_41, %swap3A_42, %swap3A_43] : memref<1x1x1000x1xf32, #tpu.memory_space<vmem>>, vector<1x1x1000x1xf32>
    %swap3A_45 = vector.shape_cast %swap3A_44 : vector<1x1x1000x1xf32> to vector<1000x1xf32>
    %swap3A_46 = vector.shape_cast %reshape3A_39 : vector<1000x1xf32> to vector<1x1x1000x1xf32>
    tpu.vector_store %arg9[%swap3A_40, %swap3A_41, %swap3A_42, %swap3A_43], %swap3A_46 {strides = array<i32>} : memref<1x1x1000x1xf32, #tpu.memory_space<vmem>>, vector<1x1x1000x1xf32>,
    return
  }
  func.func @transform_0(%arg0: i32, %arg1: i32, %arg2: i32) -> (i32, i32, i32) {
    %c0_i32 = arith.constant 0 : i32
    %c0_i32_0 = arith.constant 0 : i32
    return %arg0, %arg1, %c0_i32 : i32, i32, i32
  }
  func.func @transform_1(%arg0: i32, %arg1: i32, %arg2: i32) -> (i32, i32) {
    %c0_i32 = arith.constant 0 : i32
    %c0_i32_0 = arith.constant 0 : i32
    %c0_i32_1 = arith.constant 0 : i32
    return %c0_i32, %c0_i32_0 : i32, i32
  }
  func.func @transform_2(%arg0: i32, %arg1: i32, %arg2: i32) -> (i32, i32) {
    %c0_i32 = arith.constant 0 : i32
    %c0_i32_0 = arith.constant 0 : i32
    %c0_i32_1 = arith.constant 0 : i32
    return %c0_i32, %c0_i32_0 : i32, i32
  }
  func.func @transform_3(%arg0: i32, %arg1: i32, %arg2: i32) -> (i32, i32) {
    %c0_i32 = arith.constant 0 : i32
    %c0_i32_0 = arith.constant 0 : i32
    %c0_i32_1 = arith.constant 0 : i32
    return %c0_i32, %c0_i32_0 : i32, i32
  }
  func.func @transform_4(%arg0: i32, %arg1: i32, %arg2: i32) -> (i32, i32, i32, i32) {
    %c0_i32 = arith.constant 0 : i32
    %c0_i32_0 = arith.constant 0 : i32
    return %arg2, %arg0, %arg1, %c0_i32 : i32, i32, i32, i32
  }
  func.func @transform_5(%arg0: i32, %arg1: i32, %arg2: i32) -> (i32, i32, i32, i32) {
    %c0_i32 = arith.constant 0 : i32
    %c0_i32_0 = arith.constant 0 : i32
    %c0_i32_1 = arith.constant 0 : i32
    return %arg0, %arg1, %c0_i32, %c0_i32_0 : i32, i32, i32, i32
  }
  func.func @transform_6(%arg0: i32, %arg1: i32, %arg2: i32) -> (i32, i32, i32, i32) {
    %c0_i32 = arith.constant 0 : i32
    %c0_i32_0 = arith.constant 0 : i32
    %c0_i32_1 = arith.constant 0 : i32
    return %arg0, %arg1, %c0_i32, %c0_i32_0 : i32, i32, i32, i32
  }
}

module attributes {stable_mosaic.version = 14 : i64} {
  func.func @_epi_body(%arg0: i32, %arg1: i32, %arg2: memref<1x1x1024x128xf32, #tpu.memory_space<vmem>>, %arg3: memref<1x1x1024x128xf32, #tpu.memory_space<vmem>>, %arg4: memref<1x1x1024x1xf32, #tpu.memory_space<vmem>>, %arg5: memref<1x1x1024x1xf32, #tpu.memory_space<vmem>>, %arg6: memref<1x1024x1xf32, #tpu.memory_space<vmem>>, %arg7: memref<1x128xf32, #tpu.memory_space<vmem>>, %arg8: memref<1x1x128xf32, #tpu.memory_space<vmem>>, %arg9: memref<1x1x128xf32, #tpu.memory_space<vmem>>, %arg10: memref<1x1024x128xf32, #tpu.memory_space<vmem>>) attributes {dimension_semantics = [#tpu.dimension_semantics<arbitrary>, #tpu.dimension_semantics<arbitrary>], iteration_bounds = array<i64: 11, 10>, scalar_prefetch = 0 : i64, scratch_operands = 0 : i64, tpu.core_type = #tpu.core_type<tc>, window_params = [{transform_indices = @transform_0, window_bounds = array<i64: 1, 1, 1024, 128>}, {transform_indices = @transform_1, window_bounds = array<i64: 1, 1, 1024, 128>}, {transform_indices = @transform_2, window_bounds = array<i64: 1, 1, 1024, 1>}, {transform_indices = @transform_3, window_bounds = array<i64: 1, 1, 1024, 1>}, {transform_indices = @transform_4, window_bounds = array<i64: 1, 1024, 1>}, {pipeline_mode = #tpu.pipeline_mode<synchronous>, transform_indices = @transform_5, window_bounds = array<i64: 1, 128>}, {transform_indices = @transform_6, window_bounds = array<i64: 1, 1, 128>}, {transform_indices = @transform_7, window_bounds = array<i64: 1, 1, 128>}, {transform_indices = @transform_8, window_bounds = array<i64: 1, 1024, 128>}]} {
    %get3A = arith.constant 0 : index
    %get3A_0 = arith.constant 0 : index
    %get3A_1 = arith.constant 0 : index
    %get3A_2 = arith.constant 0 : index
    %get3A_3 = vector.load %arg2[%get3A, %get3A_0, %get3A_1, %get3A_2] : memref<1x1x1024x128xf32, #tpu.memory_space<vmem>>, vector<1x1x1024x128xf32>
    %get3A_4 = vector.shape_cast %get3A_3 : vector<1x1x1024x128xf32> to vector<1024x128xf32>
    %get3A_5 = arith.constant 0 : index
    %get3A_6 = arith.constant 0 : index
    %get3A_7 = arith.constant 0 : index
    %get3A_8 = arith.constant 0 : index
    %get3A_9 = vector.load %arg3[%get3A_5, %get3A_6, %get3A_7, %get3A_8] : memref<1x1x1024x128xf32, #tpu.memory_space<vmem>>, vector<1x1x1024x128xf32>
    %get3A_10 = vector.shape_cast %get3A_9 : vector<1x1x1024x128xf32> to vector<1024x128xf32>
    %get3A_11 = arith.constant 0 : index
    %get3A_12 = arith.constant 0 : index
    %get3A_13 = arith.constant 0 : index
    %get3A_14 = arith.constant 0 : index
    %get3A_15 = vector.load %arg4[%get3A_11, %get3A_12, %get3A_13, %get3A_14] : memref<1x1x1024x1xf32, #tpu.memory_space<vmem>>, vector<1x1x1024x1xf32>
    %get3A_16 = vector.shape_cast %get3A_15 : vector<1x1x1024x1xf32> to vector<1024x1xf32>
    %get3A_17 = arith.constant 0 : index
    %get3A_18 = arith.constant 0 : index
    %get3A_19 = arith.constant 0 : index
    %get3A_20 = arith.constant 0 : index
    %get3A_21 = vector.load %arg5[%get3A_17, %get3A_18, %get3A_19, %get3A_20] : memref<1x1x1024x1xf32, #tpu.memory_space<vmem>>, vector<1x1x1024x1xf32>
    %get3A_22 = vector.shape_cast %get3A_21 : vector<1x1x1024x1xf32> to vector<1024x1xf32>
    %get3A_23 = arith.constant 0 : index
    %get3A_24 = arith.constant 0 : index
    %get3A_25 = arith.constant 0 : index
    %get3A_26 = vector.load %arg6[%get3A_23, %get3A_24, %get3A_25] : memref<1x1024x1xf32, #tpu.memory_space<vmem>>, vector<1x1024x1xf32>
    %get3A_27 = vector.shape_cast %get3A_26 : vector<1x1024x1xf32> to vector<1024x1xf32>
    %exp3A = math.exp %get3A_27 : vector<1024x1xf32>
    %mul3A = arith.constant 2.000000e-01 : f32
    %mul3A_28 = vector.broadcast %mul3A : f32 to vector<1024x1xf32>
    %mul3A_29 = arith.mulf %mul3A_28, %get3A_27 : vector<1024x1xf32>
    %exp3A_30 = math.exp %mul3A_29 : vector<1024x1xf32>
    %mul3A_31 = vector.broadcast %exp3A : vector<1024x1xf32> to vector<1024x128xf32>
    %mul3A_32 = arith.mulf %mul3A_31, %get3A_4 : vector<1024x128xf32>
    %mul3A_33 = vector.broadcast %exp3A_30 : vector<1024x1xf32> to vector<1024x128xf32>
    %mul3A_34 = arith.mulf %mul3A_33, %get3A_10 : vector<1024x128xf32>
    %add3A = arith.addf %mul3A_32, %mul3A_34 : vector<1024x128xf32>
    %mul3A_35 = arith.mulf %exp3A, %get3A_16 : vector<1024x1xf32>
    %mul3A_36 = arith.mulf %exp3A_30, %get3A_22 : vector<1024x1xf32>
    %add3A_37 = arith.addf %mul3A_35, %mul3A_36 : vector<1024x1xf32>
    %add3A_38 = arith.constant 1.000000e-16 : f32
    %add3A_39 = vector.broadcast %add3A_38 : f32 to vector<1024x1xf32>
    %add3A_40 = arith.addf %add3A_37, %add3A_39 : vector<1024x1xf32>
    %div3A = vector.broadcast %add3A_40 : vector<1024x1xf32> to vector<1024x128xf32>
    %div3A_41 = arith.divf %add3A, %div3A : vector<1024x128xf32>
    %get3A_42 = arith.constant 0 : index
    %get3A_43 = arith.constant 0 : index
    %get3A_44 = vector.load %arg7[%get3A_42, %get3A_43] : memref<1x128xf32, #tpu.memory_space<vmem>>, vector<1x128xf32>
    %add3A_45 = vector.broadcast %get3A_44 : vector<1x128xf32> to vector<1024x128xf32>
    %add3A_46 = arith.addf %div3A_41, %add3A_45 : vector<1024x128xf32>
    %reduce_sum3A = arith.constant dense<0.000000e+00> : vector<1024xf32>
    %reduce_sum3A_47 = vector.multi_reduction <add>, %add3A_46, %reduce_sum3A [1] : vector<1024x128xf32> to vector<1024xf32>
    %broadcast_in_dim3A = vector.shape_cast %reduce_sum3A_47 : vector<1024xf32> to vector<1024x1xf32>
    %div3A_48 = arith.constant 1.280000e+02 : f32
    %div3A_49 = vector.broadcast %div3A_48 : f32 to vector<1024x1xf32>
    %div3A_50 = arith.divf %broadcast_in_dim3A, %div3A_49 : vector<1024x1xf32>
    %sub3A = vector.broadcast %div3A_50 : vector<1024x1xf32> to vector<1024x128xf32>
    %sub3A_51 = arith.subf %add3A_46, %sub3A : vector<1024x128xf32>
    %integer_pow3A = arith.mulf %sub3A_51, %sub3A_51 : vector<1024x128xf32>
    %reduce_sum3A_52 = arith.constant dense<0.000000e+00> : vector<1024xf32>
    %reduce_sum3A_53 = vector.multi_reduction <add>, %integer_pow3A, %reduce_sum3A_52 [1] : vector<1024x128xf32> to vector<1024xf32>
    %broadcast_in_dim3A_54 = vector.shape_cast %reduce_sum3A_53 : vector<1024xf32> to vector<1024x1xf32>
    %div3A_55 = arith.constant 1.280000e+02 : f32
    %div3A_56 = vector.broadcast %div3A_55 : f32 to vector<1024x1xf32>
    %div3A_57 = arith.divf %broadcast_in_dim3A_54, %div3A_56 : vector<1024x1xf32>
    %sub3A_58 = vector.broadcast %div3A_50 : vector<1024x1xf32> to vector<1024x128xf32>
    %sub3A_59 = arith.subf %add3A_46, %sub3A_58 : vector<1024x128xf32>
    %add3A_60 = arith.constant 9.99999974E-6 : f32
    %add3A_61 = vector.broadcast %add3A_60 : f32 to vector<1024x1xf32>
    %add3A_62 = arith.addf %div3A_57, %add3A_61 : vector<1024x1xf32>
    %sqrt3A = math.sqrt %add3A_62 : vector<1024x1xf32>
    %div3A_63 = vector.broadcast %sqrt3A : vector<1024x1xf32> to vector<1024x128xf32>
    %div3A_64 = arith.divf %sub3A_59, %div3A_63 : vector<1024x128xf32>
    %get3A_65 = arith.constant 0 : index
    %get3A_66 = arith.constant 0 : index
    %get3A_67 = arith.constant 0 : index
    %get3A_68 = vector.load %arg8[%get3A_65, %get3A_66, %get3A_67] : memref<1x1x128xf32, #tpu.memory_space<vmem>>, vector<1x1x128xf32>
    %get3A_69 = vector.shape_cast %get3A_68 : vector<1x1x128xf32> to vector<1x128xf32>
    %mul3A_70 = vector.broadcast %get3A_69 : vector<1x128xf32> to vector<1024x128xf32>
    %mul3A_71 = arith.mulf %div3A_64, %mul3A_70 : vector<1024x128xf32>
    %get3A_72 = arith.constant 0 : index
    %get3A_73 = arith.constant 0 : index
    %get3A_74 = arith.constant 0 : index
    %get3A_75 = vector.load %arg9[%get3A_72, %get3A_73, %get3A_74] : memref<1x1x128xf32, #tpu.memory_space<vmem>>, vector<1x1x128xf32>
    %get3A_76 = vector.shape_cast %get3A_75 : vector<1x1x128xf32> to vector<1x128xf32>
    %add3A_77 = vector.broadcast %get3A_76 : vector<1x128xf32> to vector<1024x128xf32>
    %add3A_78 = arith.addf %mul3A_71, %add3A_77 : vector<1024x128xf32>
    %swap3A = arith.constant 0 : index
    %swap3A_79 = arith.constant 0 : index
    %swap3A_80 = arith.constant 0 : index
    %swap3A_81 = vector.load %arg10[%swap3A, %swap3A_79, %swap3A_80] : memref<1x1024x128xf32, #tpu.memory_space<vmem>>, vector<1x1024x128xf32>
    %swap3A_82 = vector.shape_cast %swap3A_81 : vector<1x1024x128xf32> to vector<1024x128xf32>
    %swap3A_83 = vector.shape_cast %add3A_78 : vector<1024x128xf32> to vector<1x1024x128xf32>
    tpu.vector_store %arg10[%swap3A, %swap3A_79, %swap3A_80], %swap3A_83 {strides = array<i32>} : memref<1x1024x128xf32, #tpu.memory_space<vmem>>, vector<1x1024x128xf32>,
    return
  }
  func.func @transform_0(%arg0: i32, %arg1: i32) -> (i32, i32, i32, i32) {
    %c0_i32 = arith.constant 0 : i32
    %c0_i32_0 = arith.constant 0 : i32
    %c0_i32_1 = arith.constant 0 : i32
    return %c0_i32, %arg0, %arg1, %c0_i32_0 : i32, i32, i32, i32
  }
  func.func @transform_1(%arg0: i32, %arg1: i32) -> (i32, i32, i32, i32) {
    %c1_i32 = arith.constant 1 : i32
    %c0_i32 = arith.constant 0 : i32
    %c0_i32_0 = arith.constant 0 : i32
    return %c1_i32, %arg0, %arg1, %c0_i32 : i32, i32, i32, i32
  }
  func.func @transform_2(%arg0: i32, %arg1: i32) -> (i32, i32, i32, i32) {
    %c0_i32 = arith.constant 0 : i32
    %c0_i32_0 = arith.constant 0 : i32
    %c0_i32_1 = arith.constant 0 : i32
    return %c0_i32, %arg0, %arg1, %c0_i32_0 : i32, i32, i32, i32
  }
  func.func @transform_3(%arg0: i32, %arg1: i32) -> (i32, i32, i32, i32) {
    %c1_i32 = arith.constant 1 : i32
    %c0_i32 = arith.constant 0 : i32
    %c0_i32_0 = arith.constant 0 : i32
    return %c1_i32, %arg0, %arg1, %c0_i32 : i32, i32, i32, i32
  }
  func.func @transform_4(%arg0: i32, %arg1: i32) -> (i32, i32, i32) {
    %c0_i32 = arith.constant 0 : i32
    %c0_i32_0 = arith.constant 0 : i32
    return %arg0, %arg1, %c0_i32 : i32, i32, i32
  }
  func.func @transform_5(%arg0: i32, %arg1: i32) -> (i32, i32) {
    %c0_i32 = arith.constant 0 : i32
    %c0_i32_0 = arith.constant 0 : i32
    %c0_i32_1 = arith.constant 0 : i32
    return %c0_i32, %c0_i32_0 : i32, i32
  }
  func.func @transform_6(%arg0: i32, %arg1: i32) -> (i32, i32, i32) {
    %c0_i32 = arith.constant 0 : i32
    %c0_i32_0 = arith.constant 0 : i32
    %c0_i32_1 = arith.constant 0 : i32
    return %arg0, %c0_i32, %c0_i32_0 : i32, i32, i32
  }
  func.func @transform_7(%arg0: i32, %arg1: i32) -> (i32, i32, i32) {
    %c0_i32 = arith.constant 0 : i32
    %c0_i32_0 = arith.constant 0 : i32
    %c0_i32_1 = arith.constant 0 : i32
    return %arg0, %c0_i32, %c0_i32_0 : i32, i32, i32
  }
  func.func @transform_8(%arg0: i32, %arg1: i32) -> (i32, i32, i32) {
    %c0_i32 = arith.constant 0 : i32
    %c0_i32_0 = arith.constant 0 : i32
    return %arg0, %arg1, %c0_i32 : i32, i32, i32
  }
}

module attributes {stable_mosaic.version = 14 : i64} {
  func.func @_mlp_body(%arg0: i32, %arg1: memref<1000x128xf32, #tpu.memory_space<vmem>>, %arg2: memref<2x11x1000x128xf32, #tpu.memory_space<vmem>>, %arg3: memref<12x128x128xf32, #tpu.memory_space<vmem>>, %arg4: memref<1x128xf32, #tpu.memory_space<vmem>>, %arg5: memref<128x64xf32, #tpu.memory_space<vmem>>, %arg6: memref<1x64xf32, #tpu.memory_space<vmem>>, %arg7: memref<64x1xf32, #tpu.memory_space<vmem>>, %arg8: memref<1x1xf32, #tpu.memory_space<vmem>>, %arg9: memref<1000x1xf32, #tpu.memory_space<vmem>>) attributes {dimension_semantics = [#tpu.dimension_semantics<arbitrary>], iteration_bounds = array<i64: 10>, scalar_prefetch = 0 : i64, scratch_operands = 0 : i64, tpu.core_type = #tpu.core_type<tc>, window_params = [{transform_indices = @transform_0, window_bounds = array<i64: 1000, 128>}, {transform_indices = @transform_1, window_bounds = array<i64: 2, 11, 1000, 128>}, {pipeline_mode = #tpu.pipeline_mode<synchronous>, transform_indices = @transform_2, window_bounds = array<i64: 12, 128, 128>}, {pipeline_mode = #tpu.pipeline_mode<synchronous>, transform_indices = @transform_3, window_bounds = array<i64: 1, 128>}, {pipeline_mode = #tpu.pipeline_mode<synchronous>, transform_indices = @transform_4, window_bounds = array<i64: 128, 64>}, {pipeline_mode = #tpu.pipeline_mode<synchronous>, transform_indices = @transform_5, window_bounds = array<i64: 1, 64>}, {pipeline_mode = #tpu.pipeline_mode<synchronous>, transform_indices = @transform_6, window_bounds = array<i64: 64, 1>}, {pipeline_mode = #tpu.pipeline_mode<synchronous>, transform_indices = @transform_7, window_bounds = array<i64: 1, 1>}, {transform_indices = @transform_8, window_bounds = array<i64: 1000, 1>}]} {
    %get3A = arith.constant 0 : index
    %get3A_0 = arith.constant 0 : index
    %get3A_1 = vector.load %arg1[%get3A, %get3A_0] : memref<1000x128xf32, #tpu.memory_space<vmem>>, vector<1000x128xf32>
    %get3A_2 = arith.constant 0 : index
    %get3A_3 = arith.constant 0 : index
    %get3A_4 = arith.constant 0 : index
    %get3A_5 = vector.load %arg3[%get3A_2, %get3A_3, %get3A_4] : memref<12x128x128xf32, #tpu.memory_space<vmem>>, vector<1x128x128xf32>
    %get3A_6 = vector.shape_cast %get3A_5 : vector<1x128x128xf32> to vector<128x128xf32>
    %dot_general3A = arith.constant dense<0.000000e+00> : vector<1000x128xf32>
    %dot_general3A_7 = tpu.matmul %get3A_1, %get3A_6, %dot_general3A {dimension_numbers = #tpu.dot_dimension_numbers<[1], [0], [0], [1], [0, 0, 1, 1], [], []>, transpose_lhs_hint = false} : vector<1000x128xf32>, vector<128x128xf32>, vector<1000x128xf32> -> vector<1000x128xf32>
    %get3A_8 = arith.constant 0 : index
    %get3A_9 = arith.constant 0 : index
    %get3A_10 = arith.constant 0 : index
    %get3A_11 = arith.constant 0 : index
    %get3A_12 = vector.load %arg2[%get3A_8, %get3A_9, %get3A_10, %get3A_11] : memref<2x11x1000x128xf32, #tpu.memory_space<vmem>>, vector<1x1x1000x128xf32>
    %get3A_13 = vector.shape_cast %get3A_12 : vector<1x1x1000x128xf32> to vector<1000x128xf32>
    %get3A_14 = arith.constant 1 : index
    %get3A_15 = arith.constant 0 : index
    %get3A_16 = arith.constant 0 : index
    %get3A_17 = arith.constant 0 : index
    %get3A_18 = vector.load %arg2[%get3A_14, %get3A_15, %get3A_16, %get3A_17] : memref<2x11x1000x128xf32, #tpu.memory_space<vmem>>, vector<1x1x1000x128xf32>
    %get3A_19 = vector.shape_cast %get3A_18 : vector<1x1x1000x128xf32> to vector<1000x128xf32>
    %add3A = arith.addf %get3A_13, %get3A_19 : vector<1000x128xf32>
    %get3A_20 = arith.constant 1 : index
    %get3A_21 = arith.constant 0 : index
    %get3A_22 = arith.constant 0 : index
    %get3A_23 = vector.load %arg3[%get3A_20, %get3A_21, %get3A_22] : memref<12x128x128xf32, #tpu.memory_space<vmem>>, vector<1x128x128xf32>
    %get3A_24 = vector.shape_cast %get3A_23 : vector<1x128x128xf32> to vector<128x128xf32>
    %dot_general3A_25 = arith.constant dense<0.000000e+00> : vector<1000x128xf32>
    %dot_general3A_26 = tpu.matmul %add3A, %get3A_24, %dot_general3A_25 {dimension_numbers = #tpu.dot_dimension_numbers<[1], [0], [0], [1], [0, 0, 1, 1], [], []>, transpose_lhs_hint = false} : vector<1000x128xf32>, vector<128x128xf32>, vector<1000x128xf32> -> vector<1000x128xf32>
    %add3A_27 = arith.addf %dot_general3A_7, %dot_general3A_26 : vector<1000x128xf32>
    %get3A_28 = arith.constant 0 : index
    %get3A_29 = arith.constant 1 : index
    %get3A_30 = arith.constant 0 : index
    %get3A_31 = arith.constant 0 : index
    %get3A_32 = vector.load %arg2[%get3A_28, %get3A_29, %get3A_30, %get3A_31] : memref<2x11x1000x128xf32, #tpu.memory_space<vmem>>, vector<1x1x1000x128xf32>
    %get3A_33 = vector.shape_cast %get3A_32 : vector<1x1x1000x128xf32> to vector<1000x128xf32>
    %get3A_34 = arith.constant 1 : index
    %get3A_35 = arith.constant 1 : index
    %get3A_36 = arith.constant 0 : index
    %get3A_37 = arith.constant 0 : index
    %get3A_38 = vector.load %arg2[%get3A_34, %get3A_35, %get3A_36, %get3A_37] : memref<2x11x1000x128xf32, #tpu.memory_space<vmem>>, vector<1x1x1000x128xf32>
    %get3A_39 = vector.shape_cast %get3A_38 : vector<1x1x1000x128xf32> to vector<1000x128xf32>
    %add3A_40 = arith.addf %get3A_33, %get3A_39 : vector<1000x128xf32>
    %get3A_41 = arith.constant 2 : index
    %get3A_42 = arith.constant 0 : index
    %get3A_43 = arith.constant 0 : index
    %get3A_44 = vector.load %arg3[%get3A_41, %get3A_42, %get3A_43] : memref<12x128x128xf32, #tpu.memory_space<vmem>>, vector<1x128x128xf32>
    %get3A_45 = vector.shape_cast %get3A_44 : vector<1x128x128xf32> to vector<128x128xf32>
    %dot_general3A_46 = arith.constant dense<0.000000e+00> : vector<1000x128xf32>
    %dot_general3A_47 = tpu.matmul %add3A_40, %get3A_45, %dot_general3A_46 {dimension_numbers = #tpu.dot_dimension_numbers<[1], [0], [0], [1], [0, 0, 1, 1], [], []>, transpose_lhs_hint = false} : vector<1000x128xf32>, vector<128x128xf32>, vector<1000x128xf32> -> vector<1000x128xf32>
    %add3A_48 = arith.addf %add3A_27, %dot_general3A_47 : vector<1000x128xf32>
    %get3A_49 = arith.constant 0 : index
    %get3A_50 = arith.constant 2 : index
    %get3A_51 = arith.constant 0 : index
    %get3A_52 = arith.constant 0 : index
    %get3A_53 = vector.load %arg2[%get3A_49, %get3A_50, %get3A_51, %get3A_52] : memref<2x11x1000x128xf32, #tpu.memory_space<vmem>>, vector<1x1x1000x128xf32>
    %get3A_54 = vector.shape_cast %get3A_53 : vector<1x1x1000x128xf32> to vector<1000x128xf32>
    %get3A_55 = arith.constant 1 : index
    %get3A_56 = arith.constant 2 : index
    %get3A_57 = arith.constant 0 : index
    %get3A_58 = arith.constant 0 : index
    %get3A_59 = vector.load %arg2[%get3A_55, %get3A_56, %get3A_57, %get3A_58] : memref<2x11x1000x128xf32, #tpu.memory_space<vmem>>, vector<1x1x1000x128xf32>
    %get3A_60 = vector.shape_cast %get3A_59 : vector<1x1x1000x128xf32> to vector<1000x128xf32>
    %add3A_61 = arith.addf %get3A_54, %get3A_60 : vector<1000x128xf32>
    %get3A_62 = arith.constant 3 : index
    %get3A_63 = arith.constant 0 : index
    %get3A_64 = arith.constant 0 : index
    %get3A_65 = vector.load %arg3[%get3A_62, %get3A_63, %get3A_64] : memref<12x128x128xf32, #tpu.memory_space<vmem>>, vector<1x128x128xf32>
    %get3A_66 = vector.shape_cast %get3A_65 : vector<1x128x128xf32> to vector<128x128xf32>
    %dot_general3A_67 = arith.constant dense<0.000000e+00> : vector<1000x128xf32>
    %dot_general3A_68 = tpu.matmul %add3A_61, %get3A_66, %dot_general3A_67 {dimension_numbers = #tpu.dot_dimension_numbers<[1], [0], [0], [1], [0, 0, 1, 1], [], []>, transpose_lhs_hint = false} : vector<1000x128xf32>, vector<128x128xf32>, vector<1000x128xf32> -> vector<1000x128xf32>
    %add3A_69 = arith.addf %add3A_48, %dot_general3A_68 : vector<1000x128xf32>
    %get3A_70 = arith.constant 0 : index
    %get3A_71 = arith.constant 3 : index
    %get3A_72 = arith.constant 0 : index
    %get3A_73 = arith.constant 0 : index
    %get3A_74 = vector.load %arg2[%get3A_70, %get3A_71, %get3A_72, %get3A_73] : memref<2x11x1000x128xf32, #tpu.memory_space<vmem>>, vector<1x1x1000x128xf32>
    %get3A_75 = vector.shape_cast %get3A_74 : vector<1x1x1000x128xf32> to vector<1000x128xf32>
    %get3A_76 = arith.constant 1 : index
    %get3A_77 = arith.constant 3 : index
    %get3A_78 = arith.constant 0 : index
    %get3A_79 = arith.constant 0 : index
    %get3A_80 = vector.load %arg2[%get3A_76, %get3A_77, %get3A_78, %get3A_79] : memref<2x11x1000x128xf32, #tpu.memory_space<vmem>>, vector<1x1x1000x128xf32>
    %get3A_81 = vector.shape_cast %get3A_80 : vector<1x1x1000x128xf32> to vector<1000x128xf32>
    %add3A_82 = arith.addf %get3A_75, %get3A_81 : vector<1000x128xf32>
    %get3A_83 = arith.constant 4 : index
    %get3A_84 = arith.constant 0 : index
    %get3A_85 = arith.constant 0 : index
    %get3A_86 = vector.load %arg3[%get3A_83, %get3A_84, %get3A_85] : memref<12x128x128xf32, #tpu.memory_space<vmem>>, vector<1x128x128xf32>
    %get3A_87 = vector.shape_cast %get3A_86 : vector<1x128x128xf32> to vector<128x128xf32>
    %dot_general3A_88 = arith.constant dense<0.000000e+00> : vector<1000x128xf32>
    %dot_general3A_89 = tpu.matmul %add3A_82, %get3A_87, %dot_general3A_88 {dimension_numbers = #tpu.dot_dimension_numbers<[1], [0], [0], [1], [0, 0, 1, 1], [], []>, transpose_lhs_hint = false} : vector<1000x128xf32>, vector<128x128xf32>, vector<1000x128xf32> -> vector<1000x128xf32>
    %add3A_90 = arith.addf %add3A_69, %dot_general3A_89 : vector<1000x128xf32>
    %get3A_91 = arith.constant 0 : index
    %get3A_92 = arith.constant 4 : index
    %get3A_93 = arith.constant 0 : index
    %get3A_94 = arith.constant 0 : index
    %get3A_95 = vector.load %arg2[%get3A_91, %get3A_92, %get3A_93, %get3A_94] : memref<2x11x1000x128xf32, #tpu.memory_space<vmem>>, vector<1x1x1000x128xf32>
    %get3A_96 = vector.shape_cast %get3A_95 : vector<1x1x1000x128xf32> to vector<1000x128xf32>
    %get3A_97 = arith.constant 1 : index
    %get3A_98 = arith.constant 4 : index
    %get3A_99 = arith.constant 0 : index
    %get3A_100 = arith.constant 0 : index
    %get3A_101 = vector.load %arg2[%get3A_97, %get3A_98, %get3A_99, %get3A_100] : memref<2x11x1000x128xf32, #tpu.memory_space<vmem>>, vector<1x1x1000x128xf32>
    %get3A_102 = vector.shape_cast %get3A_101 : vector<1x1x1000x128xf32> to vector<1000x128xf32>
    %add3A_103 = arith.addf %get3A_96, %get3A_102 : vector<1000x128xf32>
    %get3A_104 = arith.constant 5 : index
    %get3A_105 = arith.constant 0 : index
    %get3A_106 = arith.constant 0 : index
    %get3A_107 = vector.load %arg3[%get3A_104, %get3A_105, %get3A_106] : memref<12x128x128xf32, #tpu.memory_space<vmem>>, vector<1x128x128xf32>
    %get3A_108 = vector.shape_cast %get3A_107 : vector<1x128x128xf32> to vector<128x128xf32>
    %dot_general3A_109 = arith.constant dense<0.000000e+00> : vector<1000x128xf32>
    %dot_general3A_110 = tpu.matmul %add3A_103, %get3A_108, %dot_general3A_109 {dimension_numbers = #tpu.dot_dimension_numbers<[1], [0], [0], [1], [0, 0, 1, 1], [], []>, transpose_lhs_hint = false} : vector<1000x128xf32>, vector<128x128xf32>, vector<1000x128xf32> -> vector<1000x128xf32>
    %add3A_111 = arith.addf %add3A_90, %dot_general3A_110 : vector<1000x128xf32>
    %get3A_112 = arith.constant 0 : index
    %get3A_113 = arith.constant 5 : index
    %get3A_114 = arith.constant 0 : index
    %get3A_115 = arith.constant 0 : index
    %get3A_116 = vector.load %arg2[%get3A_112, %get3A_113, %get3A_114, %get3A_115] : memref<2x11x1000x128xf32, #tpu.memory_space<vmem>>, vector<1x1x1000x128xf32>
    %get3A_117 = vector.shape_cast %get3A_116 : vector<1x1x1000x128xf32> to vector<1000x128xf32>
    %get3A_118 = arith.constant 1 : index
    %get3A_119 = arith.constant 5 : index
    %get3A_120 = arith.constant 0 : index
    %get3A_121 = arith.constant 0 : index
    %get3A_122 = vector.load %arg2[%get3A_118, %get3A_119, %get3A_120, %get3A_121] : memref<2x11x1000x128xf32, #tpu.memory_space<vmem>>, vector<1x1x1000x128xf32>
    %get3A_123 = vector.shape_cast %get3A_122 : vector<1x1x1000x128xf32> to vector<1000x128xf32>
    %add3A_124 = arith.addf %get3A_117, %get3A_123 : vector<1000x128xf32>
    %get3A_125 = arith.constant 6 : index
    %get3A_126 = arith.constant 0 : index
    %get3A_127 = arith.constant 0 : index
    %get3A_128 = vector.load %arg3[%get3A_125, %get3A_126, %get3A_127] : memref<12x128x128xf32, #tpu.memory_space<vmem>>, vector<1x128x128xf32>
    %get3A_129 = vector.shape_cast %get3A_128 : vector<1x128x128xf32> to vector<128x128xf32>
    %dot_general3A_130 = arith.constant dense<0.000000e+00> : vector<1000x128xf32>
    %dot_general3A_131 = tpu.matmul %add3A_124, %get3A_129, %dot_general3A_130 {dimension_numbers = #tpu.dot_dimension_numbers<[1], [0], [0], [1], [0, 0, 1, 1], [], []>, transpose_lhs_hint = false} : vector<1000x128xf32>, vector<128x128xf32>, vector<1000x128xf32> -> vector<1000x128xf32>
    %add3A_132 = arith.addf %add3A_111, %dot_general3A_131 : vector<1000x128xf32>
    %get3A_133 = arith.constant 0 : index
    %get3A_134 = arith.constant 6 : index
    %get3A_135 = arith.constant 0 : index
    %get3A_136 = arith.constant 0 : index
    %get3A_137 = vector.load %arg2[%get3A_133, %get3A_134, %get3A_135, %get3A_136] : memref<2x11x1000x128xf32, #tpu.memory_space<vmem>>, vector<1x1x1000x128xf32>
    %get3A_138 = vector.shape_cast %get3A_137 : vector<1x1x1000x128xf32> to vector<1000x128xf32>
    %get3A_139 = arith.constant 1 : index
    %get3A_140 = arith.constant 6 : index
    %get3A_141 = arith.constant 0 : index
    %get3A_142 = arith.constant 0 : index
    %get3A_143 = vector.load %arg2[%get3A_139, %get3A_140, %get3A_141, %get3A_142] : memref<2x11x1000x128xf32, #tpu.memory_space<vmem>>, vector<1x1x1000x128xf32>
    %get3A_144 = vector.shape_cast %get3A_143 : vector<1x1x1000x128xf32> to vector<1000x128xf32>
    %add3A_145 = arith.addf %get3A_138, %get3A_144 : vector<1000x128xf32>
    %get3A_146 = arith.constant 7 : index
    %get3A_147 = arith.constant 0 : index
    %get3A_148 = arith.constant 0 : index
    %get3A_149 = vector.load %arg3[%get3A_146, %get3A_147, %get3A_148] : memref<12x128x128xf32, #tpu.memory_space<vmem>>, vector<1x128x128xf32>
    %get3A_150 = vector.shape_cast %get3A_149 : vector<1x128x128xf32> to vector<128x128xf32>
    %dot_general3A_151 = arith.constant dense<0.000000e+00> : vector<1000x128xf32>
    %dot_general3A_152 = tpu.matmul %add3A_145, %get3A_150, %dot_general3A_151 {dimension_numbers = #tpu.dot_dimension_numbers<[1], [0], [0], [1], [0, 0, 1, 1], [], []>, transpose_lhs_hint = false} : vector<1000x128xf32>, vector<128x128xf32>, vector<1000x128xf32> -> vector<1000x128xf32>
    %add3A_153 = arith.addf %add3A_132, %dot_general3A_152 : vector<1000x128xf32>
    %get3A_154 = arith.constant 0 : index
    %get3A_155 = arith.constant 7 : index
    %get3A_156 = arith.constant 0 : index
    %get3A_157 = arith.constant 0 : index
    %get3A_158 = vector.load %arg2[%get3A_154, %get3A_155, %get3A_156, %get3A_157] : memref<2x11x1000x128xf32, #tpu.memory_space<vmem>>, vector<1x1x1000x128xf32>
    %get3A_159 = vector.shape_cast %get3A_158 : vector<1x1x1000x128xf32> to vector<1000x128xf32>
    %get3A_160 = arith.constant 1 : index
    %get3A_161 = arith.constant 7 : index
    %get3A_162 = arith.constant 0 : index
    %get3A_163 = arith.constant 0 : index
    %get3A_164 = vector.load %arg2[%get3A_160, %get3A_161, %get3A_162, %get3A_163] : memref<2x11x1000x128xf32, #tpu.memory_space<vmem>>, vector<1x1x1000x128xf32>
    %get3A_165 = vector.shape_cast %get3A_164 : vector<1x1x1000x128xf32> to vector<1000x128xf32>
    %add3A_166 = arith.addf %get3A_159, %get3A_165 : vector<1000x128xf32>
    %get3A_167 = arith.constant 8 : index
    %get3A_168 = arith.constant 0 : index
    %get3A_169 = arith.constant 0 : index
    %get3A_170 = vector.load %arg3[%get3A_167, %get3A_168, %get3A_169] : memref<12x128x128xf32, #tpu.memory_space<vmem>>, vector<1x128x128xf32>
    %get3A_171 = vector.shape_cast %get3A_170 : vector<1x128x128xf32> to vector<128x128xf32>
    %dot_general3A_172 = arith.constant dense<0.000000e+00> : vector<1000x128xf32>
    %dot_general3A_173 = tpu.matmul %add3A_166, %get3A_171, %dot_general3A_172 {dimension_numbers = #tpu.dot_dimension_numbers<[1], [0], [0], [1], [0, 0, 1, 1], [], []>, transpose_lhs_hint = false} : vector<1000x128xf32>, vector<128x128xf32>, vector<1000x128xf32> -> vector<1000x128xf32>
    %add3A_174 = arith.addf %add3A_153, %dot_general3A_173 : vector<1000x128xf32>
    %get3A_175 = arith.constant 0 : index
    %get3A_176 = arith.constant 8 : index
    %get3A_177 = arith.constant 0 : index
    %get3A_178 = arith.constant 0 : index
    %get3A_179 = vector.load %arg2[%get3A_175, %get3A_176, %get3A_177, %get3A_178] : memref<2x11x1000x128xf32, #tpu.memory_space<vmem>>, vector<1x1x1000x128xf32>
    %get3A_180 = vector.shape_cast %get3A_179 : vector<1x1x1000x128xf32> to vector<1000x128xf32>
    %get3A_181 = arith.constant 1 : index
    %get3A_182 = arith.constant 8 : index
    %get3A_183 = arith.constant 0 : index
    %get3A_184 = arith.constant 0 : index
    %get3A_185 = vector.load %arg2[%get3A_181, %get3A_182, %get3A_183, %get3A_184] : memref<2x11x1000x128xf32, #tpu.memory_space<vmem>>, vector<1x1x1000x128xf32>
    %get3A_186 = vector.shape_cast %get3A_185 : vector<1x1x1000x128xf32> to vector<1000x128xf32>
    %add3A_187 = arith.addf %get3A_180, %get3A_186 : vector<1000x128xf32>
    %get3A_188 = arith.constant 9 : index
    %get3A_189 = arith.constant 0 : index
    %get3A_190 = arith.constant 0 : index
    %get3A_191 = vector.load %arg3[%get3A_188, %get3A_189, %get3A_190] : memref<12x128x128xf32, #tpu.memory_space<vmem>>, vector<1x128x128xf32>
    %get3A_192 = vector.shape_cast %get3A_191 : vector<1x128x128xf32> to vector<128x128xf32>
    %dot_general3A_193 = arith.constant dense<0.000000e+00> : vector<1000x128xf32>
    %dot_general3A_194 = tpu.matmul %add3A_187, %get3A_192, %dot_general3A_193 {dimension_numbers = #tpu.dot_dimension_numbers<[1], [0], [0], [1], [0, 0, 1, 1], [], []>, transpose_lhs_hint = false} : vector<1000x128xf32>, vector<128x128xf32>, vector<1000x128xf32> -> vector<1000x128xf32>
    %add3A_195 = arith.addf %add3A_174, %dot_general3A_194 : vector<1000x128xf32>
    %get3A_196 = arith.constant 0 : index
    %get3A_197 = arith.constant 9 : index
    %get3A_198 = arith.constant 0 : index
    %get3A_199 = arith.constant 0 : index
    %get3A_200 = vector.load %arg2[%get3A_196, %get3A_197, %get3A_198, %get3A_199] : memref<2x11x1000x128xf32, #tpu.memory_space<vmem>>, vector<1x1x1000x128xf32>
    %get3A_201 = vector.shape_cast %get3A_200 : vector<1x1x1000x128xf32> to vector<1000x128xf32>
    %get3A_202 = arith.constant 1 : index
    %get3A_203 = arith.constant 9 : index
    %get3A_204 = arith.constant 0 : index
    %get3A_205 = arith.constant 0 : index
    %get3A_206 = vector.load %arg2[%get3A_202, %get3A_203, %get3A_204, %get3A_205] : memref<2x11x1000x128xf32, #tpu.memory_space<vmem>>, vector<1x1x1000x128xf32>
    %get3A_207 = vector.shape_cast %get3A_206 : vector<1x1x1000x128xf32> to vector<1000x128xf32>
    %add3A_208 = arith.addf %get3A_201, %get3A_207 : vector<1000x128xf32>
    %get3A_209 = arith.constant 10 : index
    %get3A_210 = arith.constant 0 : index
    %get3A_211 = arith.constant 0 : index
    %get3A_212 = vector.load %arg3[%get3A_209, %get3A_210, %get3A_211] : memref<12x128x128xf32, #tpu.memory_space<vmem>>, vector<1x128x128xf32>
    %get3A_213 = vector.shape_cast %get3A_212 : vector<1x128x128xf32> to vector<128x128xf32>
    %dot_general3A_214 = arith.constant dense<0.000000e+00> : vector<1000x128xf32>
    %dot_general3A_215 = tpu.matmul %add3A_208, %get3A_213, %dot_general3A_214 {dimension_numbers = #tpu.dot_dimension_numbers<[1], [0], [0], [1], [0, 0, 1, 1], [], []>, transpose_lhs_hint = false} : vector<1000x128xf32>, vector<128x128xf32>, vector<1000x128xf32> -> vector<1000x128xf32>
    %add3A_216 = arith.addf %add3A_195, %dot_general3A_215 : vector<1000x128xf32>
    %get3A_217 = arith.constant 0 : index
    %get3A_218 = arith.constant 10 : index
    %get3A_219 = arith.constant 0 : index
    %get3A_220 = arith.constant 0 : index
    %get3A_221 = vector.load %arg2[%get3A_217, %get3A_218, %get3A_219, %get3A_220] : memref<2x11x1000x128xf32, #tpu.memory_space<vmem>>, vector<1x1x1000x128xf32>
    %get3A_222 = vector.shape_cast %get3A_221 : vector<1x1x1000x128xf32> to vector<1000x128xf32>
    %get3A_223 = arith.constant 1 : index
    %get3A_224 = arith.constant 10 : index
    %get3A_225 = arith.constant 0 : index
    %get3A_226 = arith.constant 0 : index
    %get3A_227 = vector.load %arg2[%get3A_223, %get3A_224, %get3A_225, %get3A_226] : memref<2x11x1000x128xf32, #tpu.memory_space<vmem>>, vector<1x1x1000x128xf32>
    %get3A_228 = vector.shape_cast %get3A_227 : vector<1x1x1000x128xf32> to vector<1000x128xf32>
    %add3A_229 = arith.addf %get3A_222, %get3A_228 : vector<1000x128xf32>
    %get3A_230 = arith.constant 11 : index
    %get3A_231 = arith.constant 0 : index
    %get3A_232 = arith.constant 0 : index
    %get3A_233 = vector.load %arg3[%get3A_230, %get3A_231, %get3A_232] : memref<12x128x128xf32, #tpu.memory_space<vmem>>, vector<1x128x128xf32>
    %get3A_234 = vector.shape_cast %get3A_233 : vector<1x128x128xf32> to vector<128x128xf32>
    %dot_general3A_235 = arith.constant dense<0.000000e+00> : vector<1000x128xf32>
    %dot_general3A_236 = tpu.matmul %add3A_229, %get3A_234, %dot_general3A_235 {dimension_numbers = #tpu.dot_dimension_numbers<[1], [0], [0], [1], [0, 0, 1, 1], [], []>, transpose_lhs_hint = false} : vector<1000x128xf32>, vector<128x128xf32>, vector<1000x128xf32> -> vector<1000x128xf32>
    %add3A_237 = arith.addf %add3A_216, %dot_general3A_236 : vector<1000x128xf32>
    %get3A_238 = arith.constant 0 : index
    %get3A_239 = arith.constant 0 : index
    %get3A_240 = vector.load %arg4[%get3A_238, %get3A_239] : memref<1x128xf32, #tpu.memory_space<vmem>>, vector<1x128xf32>
    %add3A_241 = vector.broadcast %get3A_240 : vector<1x128xf32> to vector<1000x128xf32>
    %add3A_242 = arith.addf %add3A_237, %add3A_241 : vector<1000x128xf32>
    %max3A = arith.constant 0.000000e+00 : f32
    %max3A_243 = vector.broadcast %max3A : f32 to vector<1000x128xf32>
    %max3A_244 = arith.maximumf %add3A_242, %max3A_243 : vector<1000x128xf32>
    %get3A_245 = arith.constant 0 : index
    %get3A_246 = arith.constant 0 : index
    %get3A_247 = vector.load %arg5[%get3A_245, %get3A_246] : memref<128x64xf32, #tpu.memory_space<vmem>>, vector<128x64xf32>
    %dot_general3A_248 = arith.constant dense<0.000000e+00> : vector<1000x64xf32>
    %dot_general3A_249 = tpu.matmul %max3A_244, %get3A_247, %dot_general3A_248 {dimension_numbers = #tpu.dot_dimension_numbers<[1], [0], [0], [1], [0, 0, 1, 1], [], []>, transpose_lhs_hint = false} : vector<1000x128xf32>, vector<128x64xf32>, vector<1000x64xf32> -> vector<1000x64xf32>
    %get3A_250 = arith.constant 0 : index
    %get3A_251 = arith.constant 0 : index
    %get3A_252 = vector.load %arg6[%get3A_250, %get3A_251] : memref<1x64xf32, #tpu.memory_space<vmem>>, vector<1x64xf32>
    %add3A_253 = vector.broadcast %get3A_252 : vector<1x64xf32> to vector<1000x64xf32>
    %add3A_254 = arith.addf %dot_general3A_249, %add3A_253 : vector<1000x64xf32>
    %max3A_255 = arith.constant 0.000000e+00 : f32
    %max3A_256 = vector.broadcast %max3A_255 : f32 to vector<1000x64xf32>
    %max3A_257 = arith.maximumf %add3A_254, %max3A_256 : vector<1000x64xf32>
    %get3A_258 = arith.constant 0 : index
    %get3A_259 = arith.constant 0 : index
    %get3A_260 = vector.load %arg7[%get3A_258, %get3A_259] : memref<64x1xf32, #tpu.memory_space<vmem>>, vector<64x1xf32>
    %dot_general3A_261 = arith.constant dense<0.000000e+00> : vector<1000x1xf32>
    %dot_general3A_262 = tpu.matmul %max3A_257, %get3A_260, %dot_general3A_261 {dimension_numbers = #tpu.dot_dimension_numbers<[1], [0], [0], [1], [0, 0, 1, 1], [], []>, transpose_lhs_hint = false} : vector<1000x64xf32>, vector<64x1xf32>, vector<1000x1xf32> -> vector<1000x1xf32>
    %get3A_263 = arith.constant 0 : index
    %get3A_264 = arith.constant 0 : index
    %get3A_265 = vector.load %arg8[%get3A_263, %get3A_264] : memref<1x1xf32, #tpu.memory_space<vmem>>, vector<1x1xf32>
    %add3A_266 = vector.broadcast %get3A_265 : vector<1x1xf32> to vector<1000x1xf32>
    %add3A_267 = arith.addf %dot_general3A_262, %add3A_266 : vector<1000x1xf32>
    %swap3A = arith.constant 0 : index
    %swap3A_268 = arith.constant 0 : index
    %swap3A_269 = vector.load %arg9[%swap3A, %swap3A_268] : memref<1000x1xf32, #tpu.memory_space<vmem>>, vector<1000x1xf32>
    tpu.vector_store %arg9[%swap3A, %swap3A_268], %add3A_267 {strides = array<i32>} : memref<1000x1xf32, #tpu.memory_space<vmem>>, vector<1000x1xf32>,
    return
  }
  func.func @transform_0(%arg0: i32) -> (i32, i32) {
    %c0_i32 = arith.constant 0 : i32
    %c0_i32_0 = arith.constant 0 : i32
    return %arg0, %c0_i32 : i32, i32
  }
  func.func @transform_1(%arg0: i32) -> (i32, i32, i32, i32) {
    %c0_i32 = arith.constant 0 : i32
    %c0_i32_0 = arith.constant 0 : i32
    %c0_i32_1 = arith.constant 0 : i32
    %c0_i32_2 = arith.constant 0 : i32
    return %c0_i32, %c0_i32_0, %arg0, %c0_i32_1 : i32, i32, i32, i32
  }
  func.func @transform_2(%arg0: i32) -> (i32, i32, i32) {
    %c0_i32 = arith.constant 0 : i32
    %c0_i32_0 = arith.constant 0 : i32
    %c0_i32_1 = arith.constant 0 : i32
    %c0_i32_2 = arith.constant 0 : i32
    return %c0_i32, %c0_i32_0, %c0_i32_1 : i32, i32, i32
  }
  func.func @transform_3(%arg0: i32) -> (i32, i32) {
    %c0_i32 = arith.constant 0 : i32
    %c0_i32_0 = arith.constant 0 : i32
    %c0_i32_1 = arith.constant 0 : i32
    return %c0_i32, %c0_i32_0 : i32, i32
  }
  func.func @transform_4(%arg0: i32) -> (i32, i32) {
    %c0_i32 = arith.constant 0 : i32
    %c0_i32_0 = arith.constant 0 : i32
    %c0_i32_1 = arith.constant 0 : i32
    return %c0_i32, %c0_i32_0 : i32, i32
  }
  func.func @transform_5(%arg0: i32) -> (i32, i32) {
    %c0_i32 = arith.constant 0 : i32
    %c0_i32_0 = arith.constant 0 : i32
    %c0_i32_1 = arith.constant 0 : i32
    return %c0_i32, %c0_i32_0 : i32, i32
  }
  func.func @transform_6(%arg0: i32) -> (i32, i32) {
    %c0_i32 = arith.constant 0 : i32
    %c0_i32_0 = arith.constant 0 : i32
    %c0_i32_1 = arith.constant 0 : i32
    return %c0_i32, %c0_i32_0 : i32, i32
  }
  func.func @transform_7(%arg0: i32) -> (i32, i32) {
    %c0_i32 = arith.constant 0 : i32
    %c0_i32_0 = arith.constant 0 : i32
    %c0_i32_1 = arith.constant 0 : i32
    return %c0_i32, %c0_i32_0 : i32, i32
  }
  func.func @transform_8(%arg0: i32) -> (i32, i32) {
    %c0_i32 = arith.constant 0 : i32
    %c0_i32_0 = arith.constant 0 : i32
    return %arg0, %c0_i32 : i32, i32
  }
}

</mosaic_0001>

<sc_bundles>
// kernel: kernel.11.cloned.1.call-start
scs
__scs_entry_jumppad:
0x0: {  	(pc) =	sbr.rel $0x88, $3  }
0x1: {  	(tag) =	ssettag $0x0;
	lr =	simm.s32 $0x1  }
0x2: {  	[smem:$0x3F91] =	sst lr;
	_ =	strace $0xD0000000  }
0x3: {  	_ = 	snop  }
0x4: {  	_ = 	snop  }
0x5: {  	_ = 	snop  }
0x6: {  	_ = 	snop  }
0x7: {  	_ = 	snop  }
__scs_overlays_trampoline_lowered:
0x8: {  	[smem:$0x3FA0] =	sst s0  }
0x9: {  	[smem:$0x3FA1] =	sst s1  }
0xa: {  	[smem:$0x3FA2] =	sst s2  }
0xb: {  	[smem:$0x3FA3] =	sst s3  }
0xc: {  	[smem:$0x3FA4] =	sst s4  }
0xd: {  	[smem:$0x3FA5] =	sst s5  }
0xe: {  	[smem:$0x3FA6] =	sst s6  }
0xf: {  	[smem:$0x3FA7] =	sst s7  }
0x10: {  	[smem:$0x3FA8] =	sst s8  }
0x11: {  	[smem:$0x3FA9] =	sst s9;
	s0 =	simm.s32 @!p0 $0x0  }
0x12: {  	s1 =	sld [smem:$0x3F8F];
	s0 =	simm.s32 @p0 $0x1  }
0x13: {  	[smem:$0x3FAA] =	sst s0;
	s0 =	simm.s32 @!p1 $0x0  }
0x14: {  	s2 =	sld [smem:$0x3F8E];
	s0 =	simm.s32 @p1 $0x1  }
0x15: {  	[smem:$0x3FAB] =	sst s0;
	s0 =	simm.s32 @!p2 $0x0  }
0x16: {  	s3 =	sld [smem:$0x3FDB];
	s0 =	simm.s32 @p2 $0x1  }
0x17: {  	s4 =	simm.s32 $0x1BF5;
	[smem:$0x3FAD] =	sst s0  }
0x18: {  	s0 =	sld [smem:$0x3F90];
	_ =	swait.ge [sflag:s4], $0x0  }
0x19: {  	s7 =	sld [smem:$0x3F91]  }
0x1a: {  	s8 =	sadd.s32 $0xFFFFE003, lr  }
0x1b: {  	s9 =	sadd.s32 $0xFFFFFEF7, lr;
	s5 =	simm.s32 $0xFFFFFFFF;
	p2 =	slt.u32 s8, $0xFFFFF086  }
0x1c: {  	p1 =	slt.u32 s9, $0xF7A;
	s5 =	simm.s32 @!p2 $0x0  }
0x1d: {  	s5 =	simm.s32 @p1 $0x1;
	p0 =	seq.s32 s7, s2  }
0x1e: {  	s7 =	smul.u32 @!p0 $0xF7A, s2;
	p2 =	seq.s32 @!p0 s5, $0x0  }
0x1f: {  	s9 =	smul.u32 $0xF7A, s1;
	s8 =	simm.s32 @!p0 $0x1BF5;
	p2 =	por !p2, p0  }
0x20: {  	[sflag:s8] =	ssyncset.s32 @!p0 $0xFFFFF086;
	s6 =	sadd.s32 @!p0 s3, s7;
	s7 =	simm.s32 @!p0 $0x108  }
0x21: {  	s3 =	sadd.s32 s3, s9;
	s6 =	sadd.s32 @!p0 $0x88, s6;
	s7 =	simm.s32 @p2 $0x1082  }
0x22: {  	[simem:s7], [sflag:s8] =	dma.local @!p0 [hbm:s6], $0xF7A  }
0x23: {  	s9 =	sor.u32 $0xD0000000, s2;
	s6 =	simm.s32 $0x108;
	_ =	swait.ge @!p0 [sflag:s8], $0x0  }
0x24: {  	s3 =	sadd.s32 $0x88, s3;
	s6 =	simm.s32 @!p1 $0x1082;
	[sflag:s4] =	ssyncset.s32 $0xFFFFF086  }
0x25: {  	[simem:s6], [sflag:s4] =	dma.local [hbm:s3], $0xF7A  }
0x26: {  	[smem:$0x3F91] =	sst s1;
	(tag) =	ssettag s2;
	_ =	strace s9  }
0x27: {  	s1 =	sld [smem:$0x3FA1]  }
0x28: {  	s2 =	sld [smem:$0x3FA2]  }
0x29: {  	s4 =	sld [smem:$0x3FA4]  }
0x2a: {  	p0 =	seq.s32 s5, $0x0;
	s5 =	sld [smem:$0x3FA5]  }
0x2b: {  	s6 =	sld [smem:$0x3FA6]  }
0x2c: {  	s7 =	sld [smem:$0x3FA7]  }
0x2d: {  	s3 =	simm.s32 $0x108;
	s8 =	sld [smem:$0x3FA8]  }
0x2e: {  	s3 =	simm.s32 @!p0 $0x1082;
	s9 =	sld [smem:$0x3FA9]  }
0x2f: {  	lr =	sadd.s32 s0, s3;
	s0 =	sld [smem:$0x3FA0]  }
0x30: {  	s3 =	sld [smem:$0x3FA3]  }
0x31: {  	[smem:$0x3FAC] =	sst s10  }
0x32: {  	s10 =	sld [smem:$0x3FAA];
	_ =	sdelay $0x3  }
0x33: {  	p0 =	seq.s32 s10, $0x1;
	s10 =	sld [smem:$0x3FAC];
	_ =	sdelay $0x3  }
0x34: {  	[smem:$0x3FAC] =	sst s10  }
0x35: {  	s10 =	sld [smem:$0x3FAB];
	_ =	sdelay $0x3  }
0x36: {  	p1 =	seq.s32 s10, $0x1;
	s10 =	sld [smem:$0x3FAC];
	_ =	sdelay $0x3  }
0x37: {  	[smem:$0x3FAC] =	sst s10  }
0x38: {  	s10 =	sld [smem:$0x3FAD]  }
0x39: {  	_ = 	snop;
	(pc) =	sbr.ind lr, $3  }
0x3a: {  	_ = 	snop  }
0x3b: {  	_ = 	snop  }
0x3c: {  	p2 =	seq.s32 s10, $0x1;
	s10 =	sld [smem:$0x3FAC]  }
0x3d: {  	_ =	shalt  }
0x3e: {  	_ =	shalt  }
0x3f: {  	_ =	shalt  }
0x40: {  	_ =	shalt  }
0x41: {  	_ =	shalt  }
0x42: {  	_ =	shalt  }
0x43: {  	_ =	shalt  }
0x44: {  	_ =	shalt  }
0x45: {  	_ =	shalt  }
0x46: {  	_ =	shalt  }
0x47: {  	_ =	shalt  }
0x48: {  	_ =	shalt  }
0x49: {  	_ =	shalt  }
0x4a: {  	_ =	shalt  }
0x4b: {  	_ =	shalt  }
0x4c: {  	_ =	shalt  }
0x4d: {  	_ =	shalt  }
0x4e: {  	_ =	shalt  }
0x4f: {  	_ =	shalt  }
0x50: {  	_ =	shalt  }
0x51: {  	_ =	shalt  }
0x52: {  	_ =	shalt  }
0x53: {  	_ =	shalt  }
0x54: {  	_ =	shalt  }
0x55: {  	_ =	shalt  }
0x56: {  	_ =	shalt  }
0x57: {  	_ =	shalt  }
0x58: {  	_ =	shalt  }
0x59: {  	_ =	shalt  }
0x5a: {  	_ =	shalt  }
0x5b: {  	_ =	shalt  }
0x5c: {  	_ =	shalt  }
0x5d: {  	_ =	shalt  }
0x5e: {  	_ =	shalt  }
0x5f: {  	_ =	shalt  }
0x60: {  	_ =	shalt  }
0x61: {  	_ =	shalt  }
0x62: {  	_ =	shalt  }
0x63: {  	_ =	shalt  }
0x64: {  	_ =	shalt  }
0x65: {  	_ =	shalt  }
0x66: {  	_ =	shalt  }
0x67: {  	_ =	shalt  }
0x68: {  	_ =	shalt  }
0x69: {  	_ =	shalt  }
0x6a: {  	_ =	shalt  }
0x6b: {  	_ =	shalt  }
0x6c: {  	_ =	shalt  }
0x6d: {  	_ =	shalt  }
0x6e: {  	_ =	shalt  }
0x6f: {  	_ =	shalt  }
0x70: {  	_ =	shalt  }
0x71: {  	_ =	shalt  }
0x72: {  	_ =	shalt  }
0x73: {  	_ =	shalt  }
0x74: {  	_ =	shalt  }
0x75: {  	_ =	shalt  }
0x76: {  	_ =	shalt  }
0x77: {  	_ =	shalt  }
0x78: {  	_ =	shalt  }
0x79: {  	_ =	shalt  }
0x7a: {  	_ =	shalt  }
0x7b: {  	_ =	shalt  }
0x7c: {  	_ =	shalt  }
0x7d: {  	_ =	shalt  }
0x7e: {  	_ =	shalt  }
0x7f: {  	_ =	shalt  }
0x80: {  	_ =	shalt  }
0x81: {  	_ =	shalt  }
0x82: {  	_ =	shalt  }
0x83: {  	_ =	shalt  }
0x84: {  	_ =	shalt  }
0x85: {  	_ =	shalt  }
0x86: {  	_ =	shalt  }
0x87: {  	_ =	shalt  }
.Lfunc_end0:
.L_simem_size_0:
called_computation.1_lowered:
.L_overlay_start_0:
0x88: {  	s2 =	sld [smem:$0x3FD9]  }
0x89: {  	s3 =	sld [smem:$0x3FFE];
	_ =	sdelay $0x1  }
0x8a: {  	s1 =	srdreg.scid  }
0x8b: {  	s0 =	sand.u32 $0x1, s1  }
0x8c: {  	s16 =	sshll.u32 s0, $0xA;
	s2 =	sadd.s32 s3, s2  }
0x8d: {  	s2 =	sadd.s32 s2, s16  }
0x8e: {  	[smem:$0x3FB8] =	sst s2  }
0x8f: {  	_ = 	snop  }
0x90: {  	(tm) =	ssettm $0x1  }
0x91: {  	s17 =	sld [smem:$0x3FFB];
	_ =	sdelay $0x3  }
0x92: {  	_ =	strace s17  }
0x93: {  	s2 =	sld [smem:$0x3FFC];
	_ =	sdelay $0x3  }
0x94: {  	_ =	strace s2  }
0x95: {  	s2 =	sld [smem:$0x3FFD];
	_ =	sdelay $0x3  }
0x96: {  	_ =	strace s2  }
0x97: {  	_ =	strace $0x8FFFFFFF  }
0x98: {  	s18 =	sld [smem:$0x3FDB];
	_ =	sdelay $0x1  }
0x99: {  	s19 =	simm.s32 $_scs_section_size  }
0x9a: {  	s4 =	simm.s32 $_size__tile_overlayer_lowered;
	s5 =	simm.s32 $_tile_overlayer_lowered  }
0x9b: {  	s22 =	simm.s32 $0x1BFF;
	s21 =	sshll.u32 s5, $0x1;
	s2 =	sadd.s32 s19, s18  }
0x9c: {  	s6 =	simm.s32 $0x0;
	s20 =	sshll.u32 s4, $0x1;
	s4 =	sadd.s32 s21, s2  }
0x9d: {  	[timem:s6], [sflag:s22] =	dma.local [hbm:s4], s20  }
0x9e: {  	_ =	swait.ge [sflag:s22], s20  }
0x9f: {  	s3 =	ssub.s32 $0x0, s20;
	[sflag:s22] =	ssyncset.done $0x0  }
0xa0: {  	[sflag:s22] =	ssyncadd.s32 s3;
	_ =	sdelay $0x1  }
0xa1: {  	s23 =	simm.s32 $0x1B8B  }
0xa2: {  	_ =	swait.ge [sflag:s23], $0x1  }
0xa3: {  	[sflag:s23] =	ssyncset.done $0x0  }
0xa4: {  	s25 =	simm.s32 $0x1B8E;
	s24 =	sld [smem:$0x3FFE];
	[sflag:s23] =	ssyncadd.s32 $0xFFFFFFFF  }
0xa5: {  	s26 =	simm.s32 $execute0_lowered;
	[smem:$0x3FD2] =	sst s25  }
0xa6: {  	s4 =	sshll.u32 s26, $0x1;
	_ =	strace $0x80000049;
	[dreg:$0x1] =	wrdreg $0xFFFFFFFF  }
0xa7: {  	s28 =	simm.s32 $_size_execute0_lowered;
	s2 =	sadd.s32 s2, s4;
	[dreg:$0x0] =	wrdreg $0x0  }
0xa8: {  	s4 =	sshll.u32 s28, $0x1;
	[dreg:$0x2] =	wrdreg s2  }
0xa9: {  	[dreg:$0x3] =	wrdreg s4  }
0xaa: {  	[dreg:$0x4] =	wrdreg $0xC0  }
0xab: {  	_ =	task [dreg:s6], $0x5FFFF  }
0xac: {  	[dreg:$0x1] =	wrdreg $0xFFFFFFFF  }
0xad: {  	[dreg:$0x0] =	wrdreg $0x60  }
0xae: {  	[dreg:$0x2] =	wrdreg s24  }
0xaf: {  	[dreg:$0x3] =	wrdreg $0x74000  }
0xb0: {  	[dreg:$0x4] =	wrdreg $0x1B4400  }
0xb1: {  	[dreg:$0x5] =	wrdreg $0x9  }
0xb2: {  	_ =	task.clear_ibuf [dreg:s6], $0x6FFFF;
	_ =	strace $0x90000049  }
0xb3: {  	s29 =	simm.s32 $0x9;
	_ =	strace $0x8000004B  }
0xb4: {  	_ =	swait.ge [sflag:s29], $0x1  }
0xb5: {  	[sflag:s29] =	ssyncadd.s32 $0xFFFFFFFF  }
0xb6: {  	_ =	strace $0x9000004B  }
0xb7: {  	_ =	sfence  }
0xb8: {  	s30 =	sld [smem:$0x0];
	_ =	sdelay $0x2  }
0xb9: {  	s31 =	sshll.u32 s1, $0xD;
	s1 =	sshrl.u32 s1, $0x2  }
0xba: {  	s3 =	sand.u32 $0x4000, s31;
	s1 =	sadd.s32 s1, s30  }
0xbb: {  	s0 =	sor.u32 s3, s0;
	s1 =	sshll.u32 s1, $0x11  }
0xbc: {  	s0 =	sor.u32 s1, s0  }
0xbd: {  	s0 =	sadd.s32 $0x8F2B, s0  }
0xbe: {  	[sflag:s0] =	ssyncadd.remote.s32 $0x1  }
0xbf: {  	_ =	sfence.sel $0xFFFF  }
0xc0: {  	[dreg:$0x0] =	wrdreg $0xFFFFFFFF;
	(pc) =	sbr.abs _section_cstart, $3  }
0xc1: {  	[dreg:$0x1] =	wrdreg $0xFFFFFFFF  }
0xc2: {  	_ =	task.clear_ibuf [dreg:s6], $0x2FFFF;
	_ =	strace $0x9FFFFFFF  }
0xc3: {  	(tm) =	ssettm $0x7FFFFFFF  }
tec
execute0_lowered:
.L_overlay_start_1:
0x0: {  	(tag) =	ssettag $0x1  }
0x1: {  	s0 =	rddreg [dreg:$0x0]  }
0x2: {  	s1 =	rddreg [dreg:$0x1]  }
0x3: {  	s2 =	rddreg [dreg:$0x2]  }
0x4: {  	s3 =	simm.s32 $0x0;
	s24 =	srdreg.scid;
	s18 =	stileid.u32  }
0x5: {  	s17 =	simm.f32 $1.000000000e+00;
	[smem:$0x7FF] =	sst s3;
	s4 =	sadd.s32 $0x159600, s0  }
0x6: {  	s5 =	sadd.s32 $0x16E00, s0;
	s6 =	sadd.s32 $0x8E00, s0;
	s12 =	smul.u32 $0x50000, s18  }
0x7: {  	s8 =	sadd.s32 $0xFE00, s0;
	s9 =	sadd.s32 $0x13600, s0;
	s15 =	smul.u32 $0x280, s18  }
0x8: {  	s10 =	sadd.s32 $0x35DA00, s0;
	s3 =	sand.u32 $0x1, s24;
	s16 =	smul.u32 $0x1400, s18  }
0x9: {  	s11 =	sadd.s32 $0x6B9000, s0;
	s0 =	sadd.s32 $0x1C4E00, s0;
	s28 =	smul.u32 $0x4E20, s18  }
0xa: {  	s23 =	smul.u32 $0x14000, s18;
	s18 =	simm.s32 $0x3;
	_ =	strace $0x8000004A  }
0xb: {  	s7 =	ssub.s32 $0x2, s3;
	[dreg:$0x4] =	wrdreg s0;
	s26 =	smul.u32 $0x28000, s3  }
0xc: {  	p0 =	seq.s32 s3, $0x0;
	s22 =	smul.u32 $0xDC0000, s3;
	s25 =	sshrl.u32 s7, $0x1  }
0xd: {  	s12 =	sshrl.u32 s12, $0x2;
	s17 =	simm.s32 @!p0 $0x3E4CCCCD;
	[dreg:$0x5] =	wrdreg s28  }
0xe: {  	s14 =	sadd.s32 s15, s2;
	s29 =	sshll.u32 s15, $0x7;
	[dreg:$0x11] =	wrdreg s23  }
0xf: {  	s0 =	ssub.s32 s7, s25;
	s7 =	sadd.s32 s26, s16;
	[dreg:$0x10] =	wrdreg s22  }
0x10: {  	s23 =	simm.s32 $0x2980;
	s30 =	sadd.s32 $0x4000, s29;
	[dreg:$0x6] =	wrdreg s7  }
0x11: {  	s13 =	sadd.s32 s12, s1;
	s31 =	sadd.s32 $0x8000, s29;
	[dreg:$0x8] =	wrdreg s30  }
0x12: {  	s15 =	sadd.s32 $0xC000, s29;
	s16 =	simm.s32 $0x5180;
	[dreg:$0x9] =	wrdreg s31  }
0x13: {  	s22 =	simm.s32 $0x2800;
	s0 =	smax.u32 s0, $0x1;
	[dreg:$0xa] =	wrdreg s15  }
0x14: {  	s12 =	sadd.s32 s31, s1;
	s7 =	sadd.s32 $0x10000, s29;
	[dreg:$0x7] =	wrdreg s0  }
0x15: {  	s19 =	sadd.s32 s15, s1;
	s24 =	sadd.s32 $0x2000, s13;
	[dreg:$0xb] =	wrdreg s7  }
0x16: {  	s25 =	sadd.s32 $0x4000, s13;
	s26 =	sadd.s32 $0x6000, s13;
	[dreg:$0x12] =	wrdreg s24  }
0x17: {  	s28 =	sadd.s32 $0x8000, s13;
	s29 =	sadd.s32 $0xA000, s13;
	[dreg:$0x13] =	wrdreg s25  }
0x18: {  	s31 =	sadd.s32 $0xE000, s13;
	s15 =	sadd.s32 $0x12000, s13;
	[dreg:$0x14] =	wrdreg s26  }
0x19: {  	s0 =	sadd.s32 s30, s1;
	s12 =	sshrl.u32 s12, $0x3;
	[dreg:$0x15] =	wrdreg s28  }
0x1a: {  	s20 =	sadd.s32 s7, s1;
	s7 =	sshrl.u32 s19, $0x3;
	[dreg:$0x16] =	wrdreg s29  }
0x1b: {  	s30 =	sadd.s32 $0xC000, s13;
	[dreg:$0x18] =	wrdreg s31;
	s19 =	simm.s32 $0x800  }
0x1c: {  	s24 =	simm.s32 $0x2;
	s25 =	simm.s32 $0x2880;
	[dreg:$0xd] =	wrdreg s12  }
0x1d: {  	s26 =	simm.s32 $0x2900;
	s0 =	sshrl.u32 s0, $0x3;
	[dreg:$0xe] =	wrdreg s7  }
0x1e: {  	s21 =	sshrl.u32 s20, $0x3;
	[dreg:$0xc] =	wrdreg s0;
	s0 =	smul.u32 $0x1ADB0, s3  }
0x1f: {  	v3 =	vimm.f32 $0.0e+00;
	v4 =	vimm.s32 $0x0;
	[dreg:$0x17] =	wrdreg s30;
	s12 =	sadd.s32 $0x10000, s13;
	s20 =	simm.s32 $0x50  }
0x20: {  	v1 =	vmov s3;
	v2 =	vmov s17;
	[dreg:$0xf] =	wrdreg s21;
	s21 =	simm.s32 $0x1;
	s3 =	simm.s32 $0x0;
	v0 =	vmov s0  }
.LBB2_1:
0x21: {  	s31 =	simm.s32 $0x0  }
0x22: {  	s0 =	sand.u32 $0x7E00, s31  }
0x23: {  	[dreg:$0x19] =	wrdreg s3;
	s3 =	sand.u32 $0x70, s31;
	s17 =	sshrl.u32 s0, $0x2  }
0x24: {  	s0 =	simm.s32 $0x40;
	s17 =	sor.u32 s3, s17;
	s3 =	simm.s32 $0x0  }
.LBB2_2:
0x25: {  	p0 =	sne.s32 s0, $0x7FC0  }
0x26: {  	[tilespmem:s17+$0x5180] =	vst v3;
	s3 =	sadd.s32 $0x10, s3;
	s17 =	smov.u32 s0;
	s0 =	sadd.s32 $0x40, s0  }
.Ltmp0:
0x27: {  	(pc) =	sbr.rel @p0 .LBB2_2-.Ltmp0, $4  }
0x28: {  	_ = 	snop  }
0x29: {  	s17 =	sand.u32 $0x7E00, s17  }
0x2a: {  	s28 =	sand.u32 $0x70, s3;
	s17 =	sshrl.u32 s17, $0x2  }
0x2b: {  	s17 =	sor.u32 s28, s17  }
0x2c: {  	[tilespmem:s17+$0x5180] =	vst v3  }
0x2d: {  	[tilespmem:$0x7180] =	vst v3  }
0x2e: {  	[tilespmem:$0x7190] =	vst v3  }
0x2f: {  	[tilespmem:$0x71A0] =	vst v3  }
0x30: {  	[tilespmem:$0x71B0] =	vst v3  }
0x31: {  	[tilespmem:$0x71C0] =	vst v3  }
0x32: {  	[tilespmem:$0x71D0] =	vst v3  }
0x33: {  	[tilespmem:$0x71E0] =	vst v3  }
0x34: {  	[tilespmem:$0x71F0] =	vst v3  }
0x35: {  	[tilespmem:$0x7200] =	vst v3  }
0x36: {  	[tilespmem:$0x7210] =	vst v3  }
0x37: {  	[tilespmem:$0x7220] =	vst v3  }
0x38: {  	[tilespmem:$0x7230] =	vst v3  }
0x39: {  	[tilespmem:$0x7240] =	vst v3  }
0x3a: {  	[tilespmem:$0x7250] =	vst v3  }
0x3b: {  	[tilespmem:$0x7260] =	vst v3  }
0x3c: {  	[tilespmem:$0x7270] =	vst v3  }
0x3d: {  	[tilespmem:$0x7280] =	vst v3  }
0x3e: {  	[tilespmem:$0x7290] =	vst v3  }
0x3f: {  	[tilespmem:$0x72A0] =	vst v3  }
0x40: {  	[tilespmem:$0x72B0] =	vst v3  }
0x41: {  	[tilespmem:$0x72C0] =	vst v3  }
0x42: {  	[tilespmem:$0x72D0] =	vst v3  }
0x43: {  	[tilespmem:$0x72E0] =	vst v3  }
0x44: {  	[tilespmem:$0x72F0] =	vst v3  }
0x45: {  	[tilespmem:$0x7300] =	vst v3  }
0x46: {  	[tilespmem:$0x7310] =	vst v3  }
0x47: {  	[tilespmem:$0x7320] =	vst v3  }
0x48: {  	[tilespmem:$0x7330] =	vst v3  }
0x49: {  	[tilespmem:$0x7340] =	vst v3  }
0x4a: {  	[tilespmem:$0x7350] =	vst v3  }
0x4b: {  	[tilespmem:$0x7360] =	vst v3  }
0x4c: {  	[tilespmem:$0x7370] =	vst v3  }
0x4d: {  	[tilespmem:$0x7380] =	vst v3  }
0x4e: {  	[tilespmem:$0x7390] =	vst v3  }
0x4f: {  	[tilespmem:$0x73A0] =	vst v3  }
0x50: {  	[tilespmem:$0x73B0] =	vst v3  }
0x51: {  	[tilespmem:$0x73C0] =	vst v3  }
0x52: {  	[tilespmem:$0x73D0] =	vst v3  }
0x53: {  	[tilespmem:$0x73E0] =	vst v3  }
0x54: {  	s28 =	simm.s32 $0x0;
	[tilespmem:$0x73F0] =	vst v3  }
.LBB2_4:
0x55: {  	[spmem:s13] =	stream.linear.scatter [tilespmem:s16], [sflag:$0x3], $0x2000, $0x38;
	[tilespmem:$0x1B6C8] =	vst v63  }
0x56: {  	_ =	swait.ge [sflag:s18], $0x2000  }
0x57: {  	[sflag:s18] =	ssyncset.done $0x0  }
0x58: {  	s0 =	rddreg [dreg:$0x12];
	[sflag:s18] =	ssyncadd.s32 $0xFFFFE000  }
0x59: {  	[spmem:s0] =	stream.linear.scatter [tilespmem:s16], [sflag:$0x3], $0x2000, $0x38;
	[tilespmem:$0x1B6C8] =	vst v63  }
0x5a: {  	_ =	swait.ge [sflag:s18], $0x2000  }
0x5b: {  	[sflag:s18] =	ssyncset.done $0x0  }
0x5c: {  	s3 =	rddreg [dreg:$0x13];
	[sflag:s18] =	ssyncadd.s32 $0xFFFFE000  }
0x5d: {  	[spmem:s3] =	stream.linear.scatter [tilespmem:s16], [sflag:$0x3], $0x2000, $0x38;
	[tilespmem:$0x1B6C8] =	vst v63  }
0x5e: {  	_ =	swait.ge [sflag:s18], $0x2000  }
0x5f: {  	[sflag:s18] =	ssyncset.done $0x0  }
0x60: {  	s7 =	rddreg [dreg:$0x14];
	[sflag:s18] =	ssyncadd.s32 $0xFFFFE000  }
0x61: {  	[spmem:s7] =	stream.linear.scatter [tilespmem:s16], [sflag:$0x3], $0x2000, $0x38;
	[tilespmem:$0x1B6C8] =	vst v63  }
0x62: {  	_ =	swait.ge [sflag:s18], $0x2000  }
0x63: {  	[sflag:s18] =	ssyncset.done $0x0  }
0x64: {  	s17 =	rddreg [dreg:$0x15];
	[sflag:s18] =	ssyncadd.s32 $0xFFFFE000  }
0x65: {  	[spmem:s17] =	stream.linear.scatter [tilespmem:s16], [sflag:$0x3], $0x2000, $0x38;
	[tilespmem:$0x1B6C8] =	vst v63  }
0x66: {  	_ =	swait.ge [sflag:s18], $0x2000  }
0x67: {  	[sflag:s18] =	ssyncset.done $0x0  }
0x68: {  	s31 =	rddreg [dreg:$0x16];
	[sflag:s18] =	ssyncadd.s32 $0xFFFFE000  }
0x69: {  	[spmem:s31] =	stream.linear.scatter [tilespmem:s16], [sflag:$0x3], $0x2000, $0x38;
	[tilespmem:$0x1B6C8] =	vst v63  }
0x6a: {  	_ =	swait.ge [sflag:s18], $0x2000  }
0x6b: {  	[sflag:s18] =	ssyncset.done $0x0  }
0x6c: {  	s3 =	rddreg [dreg:$0x17];
	[sflag:s18] =	ssyncadd.s32 $0xFFFFE000  }
0x6d: {  	[spmem:s3] =	stream.linear.scatter [tilespmem:s16], [sflag:$0x3], $0x2000, $0x38;
	[tilespmem:$0x1B6C8] =	vst v63  }
0x6e: {  	_ =	swait.ge [sflag:s18], $0x2000  }
0x6f: {  	[sflag:s18] =	ssyncset.done $0x0  }
0x70: {  	s7 =	rddreg [dreg:$0x18];
	[sflag:s18] =	ssyncadd.s32 $0xFFFFE000  }
0x71: {  	[spmem:s7] =	stream.linear.scatter [tilespmem:s16], [sflag:$0x3], $0x2000, $0x38;
	[tilespmem:$0x1B6C8] =	vst v63  }
0x72: {  	_ =	swait.ge [sflag:s18], $0x2000  }
0x73: {  	[sflag:s18] =	ssyncset.done $0x0  }
0x74: {  	[sflag:s18] =	ssyncadd.s32 $0xFFFFE000  }
0x75: {  	[spmem:s12] =	stream.linear.scatter [tilespmem:s16], [sflag:$0x3], $0x2000, $0x38;
	[tilespmem:$0x1B6C8] =	vst v63  }
0x76: {  	_ =	swait.ge [sflag:s18], $0x2000  }
0x77: {  	[sflag:s18] =	ssyncset.done $0x0  }
0x78: {  	[sflag:s18] =	ssyncadd.s32 $0xFFFFE000  }
0x79: {  	[spmem:s15] =	stream.linear.scatter [tilespmem:s16], [sflag:$0x3], $0x2000, $0x38;
	[tilespmem:$0x1B6C8] =	vst v63  }
0x7a: {  	_ =	swait.ge [sflag:s18], $0x2000  }
0x7b: {  	[sflag:s18] =	ssyncset.done $0x0  }
0x7c: {  	s17 =	simm.s32 $0x7180;
	[sflag:s18] =	ssyncadd.s32 $0xFFFFE000  }
0x7d: {  	[spmem:s14] =	stream.linear.scatter [tilespmem:s17], [sflag:$0x3], $0x280, $0x38;
	[tilespmem:$0x1B6C8] =	vst v63  }
0x7e: {  	_ =	swait.ge [sflag:s18], $0x280  }
0x7f: {  	[sflag:s18] =	ssyncset.done $0x0  }
0x80: {  	s31 =	smul.u32 $0x4E200, s28;
	[sflag:s18] =	ssyncadd.s32 $0xFFFFFD80  }
0x81: {  	s3 =	smul.u32 $0x2710, s28;
	[bflag:$0x0] =	sbarrier.arrive $0xFFFF  }
0x82: {  	s7 =	rddreg [dreg:$0x5]  }
0x83: {  	s30 =	simm.s32 $0x0;
	v5 =	vmov s3;
	s29 =	sadd.s32 s7, s31  }
.LBB2_5:
0x84: {  	s0 =	smul.u32 $0x7D0, s30;
	_ =	sdelay $0x1  }
0x85: {  	s0 =	sadd.s32 s0, s29  }
0x86: {  	s0 =	sshrl.u32 s0, $0x3  }
0x87: {  	s17 =	simm.s32 $0x0;
	s3 =	sadd.s32 s4, s0  }
0x88: {  	[tilespmem:s17], [sflag:$0x3] =	stream.linear.gather [hbm4b:s3+s17], $0x7D0, $0x38;
	[tilespmem:$0x1B6C8] =	vst v63  }
0x89: {  	_ =	swait.ge [sflag:s18], $0x7D0  }
0x8a: {  	[sflag:s18] =	ssyncset.done $0x0  }
0x8b: {  	s0 =	sadd.s32 s5, s0;
	[sflag:s18] =	ssyncadd.s32 $0xFFFFF830  }
0x8c: {  	[tilespmem:s19], [sflag:$0x3] =	stream.linear.gather [hbm4b:s0+s17], $0x7D0, $0x38;
	[tilespmem:$0x1B6C8] =	vst v63  }
0x8d: {  	_ =	swait.ge [sflag:s18], $0x7D0  }
0x8e: {  	[sflag:s18] =	ssyncset.done $0x0  }
0x8f: {  	s31 =	simm.s32 $0x1000;
	s17 =	simm.s32 $0x0;
	[sflag:s18] =	ssyncadd.s32 $0xFFFFF830  }
0x90: {  	[tilespmem:s31], [sflag:$0x1] =	stream.indirect.gather [hbm4b:s6+s20], $0x1, s17, s20, $0xb8;
	[tilespmem:$0x1B6C8] =	vst v63  }
0x91: {  	s7 =	simm.s32 $0x1800  }
0x92: {  	[tilespmem:s7], [sflag:$0x1] =	stream.indirect.gather [hbm4b:s8+s20], $0x1, s17, s20, $0xb8;
	[tilespmem:$0x1B6C8] =	vst v63  }
0x93: {  	s31 =	simm.s32 $0x800;
	s17 =	simm.s32 $0x2000  }
0x94: {  	[tilespmem:s17], [sflag:$0x1] =	stream.indirect.gather [hbm4b:s9+s20], $0x1, s31, s20, $0xb8;
	[tilespmem:$0x1B6C8] =	vst v63  }
0x95: {  	s7 =	simm.s32 $0x1050;
	s17 =	simm.s32 $0x50  }
0x96: {  	[tilespmem:s7], [sflag:$0x1] =	stream.indirect.gather [hbm4b:s6+s20], $0x1, s17, s20, $0xb8;
	[tilespmem:$0x1B6C8] =	vst v63  }
0x97: {  	s31 =	simm.s32 $0x1850  }
0x98: {  	[tilespmem:s31], [sflag:$0x1] =	stream.indirect.gather [hbm4b:s8+s20], $0x1, s17, s20, $0xb8;
	[tilespmem:$0x1B6C8] =	vst v63  }
0x99: {  	s3 =	simm.s32 $0x2050;
	s7 =	simm.s32 $0x850  }
0x9a: {  	[tilespmem:s3], [sflag:$0x1] =	stream.indirect.gather [hbm4b:s9+s20], $0x1, s7, s20, $0xb8;
	[tilespmem:$0x1B6C8] =	vst v63  }
0x9b: {  	s17 =	simm.s32 $0x10A0;
	s31 =	simm.s32 $0xA0  }
0x9c: {  	[tilespmem:s17], [sflag:$0x1] =	stream.indirect.gather [hbm4b:s6+s20], $0x1, s31, s20, $0xb8;
	[tilespmem:$0x1B6C8] =	vst v63  }
0x9d: {  	s7 =	simm.s32 $0x18A0  }
0x9e: {  	[tilespmem:s7], [sflag:$0x1] =	stream.indirect.gather [hbm4b:s8+s20], $0x1, s31, s20, $0xb8;
	[tilespmem:$0x1B6C8] =	vst v63  }
0x9f: {  	s17 =	simm.s32 $0x20A0;
	s31 =	simm.s32 $0x8A0  }
0xa0: {  	[tilespmem:s17], [sflag:$0x1] =	stream.indirect.gather [hbm4b:s9+s20], $0x1, s31, s20, $0xb8;
	[tilespmem:$0x1B6C8] =	vst v63  }
0xa1: {  	s7 =	simm.s32 $0x10F0;
	s17 =	simm.s32 $0xF0  }
0xa2: {  	[tilespmem:s7], [sflag:$0x1] =	stream.indirect.gather [hbm4b:s6+s20], $0x1, s17, s20, $0xb8;
	[tilespmem:$0x1B6C8] =	vst v63  }
0xa3: {  	s31 =	simm.s32 $0x18F0  }
0xa4: {  	[tilespmem:s31], [sflag:$0x1] =	stream.indirect.gather [hbm4b:s8+s20], $0x1, s17, s20, $0xb8;
	[tilespmem:$0x1B6C8] =	vst v63  }
0xa5: {  	s3 =	simm.s32 $0x20F0;
	s7 =	simm.s32 $0x8F0  }
0xa6: {  	[tilespmem:s3], [sflag:$0x1] =	stream.indirect.gather [hbm4b:s9+s20], $0x1, s7, s20, $0xb8;
	[tilespmem:$0x1B6C8] =	vst v63  }
0xa7: {  	s17 =	simm.s32 $0x1140;
	s31 =	simm.s32 $0x140  }
0xa8: {  	[tilespmem:s17], [sflag:$0x1] =	stream.indirect.gather [hbm4b:s6+s20], $0x1, s31, s20, $0xb8;
	[tilespmem:$0x1B6C8] =	vst v63  }
0xa9: {  	s7 =	simm.s32 $0x1940  }
0xaa: {  	[tilespmem:s7], [sflag:$0x1] =	stream.indirect.gather [hbm4b:s8+s20], $0x1, s31, s20, $0xb8;
	[tilespmem:$0x1B6C8] =	vst v63  }
0xab: {  	s17 =	simm.s32 $0x2140;
	s31 =	simm.s32 $0x940  }
0xac: {  	[tilespmem:s17], [sflag:$0x1] =	stream.indirect.gather [hbm4b:s9+s20], $0x1, s31, s20, $0xb8;
	[tilespmem:$0x1B6C8] =	vst v63  }
0xad: {  	_ =	swait.ge [sflag:s21], $0x50  }
0xae: {  	[sflag:s21] =	ssyncset.done $0x0  }
0xaf: {  	[sflag:s21] =	ssyncadd.s32 $0xFFFFFFB0  }
0xb0: {  	_ =	swait.ge [sflag:s21], $0x50  }
0xb1: {  	[sflag:s21] =	ssyncset.done $0x0  }
0xb2: {  	[sflag:s21] =	ssyncadd.s32 $0xFFFFFFB0  }
0xb3: {  	_ =	swait.ge [sflag:s21], $0x50  }
0xb4: {  	[sflag:s21] =	ssyncset.done $0x0  }
0xb5: {  	[sflag:s21] =	ssyncadd.s32 $0xFFFFFFB0  }
0xb6: {  	_ =	swait.ge [sflag:s21], $0x50  }
0xb7: {  	[sflag:s21] =	ssyncset.done $0x0  }
0xb8: {  	[sflag:s21] =	ssyncadd.s32 $0xFFFFFFB0  }
0xb9: {  	_ =	swait.ge [sflag:s21], $0x50  }
0xba: {  	[sflag:s21] =	ssyncset.done $0x0  }
0xbb: {  	[sflag:s21] =	ssyncadd.s32 $0xFFFFFFB0  }
0xbc: {  	_ =	swait.ge [sflag:s21], $0x50  }
0xbd: {  	[sflag:s21] =	ssyncset.done $0x0  }
0xbe: {  	[sflag:s21] =	ssyncadd.s32 $0xFFFFFFB0  }
0xbf: {  	_ =	swait.ge [sflag:s21], $0x50  }
0xc0: {  	[sflag:s21] =	ssyncset.done $0x0  }
0xc1: {  	[sflag:s21] =	ssyncadd.s32 $0xFFFFFFB0  }
0xc2: {  	_ =	swait.ge [sflag:s21], $0x50  }
0xc3: {  	[sflag:s21] =	ssyncset.done $0x0  }
0xc4: {  	[sflag:s21] =	ssyncadd.s32 $0xFFFFFFB0  }
0xc5: {  	_ =	swait.ge [sflag:s21], $0x50  }
0xc6: {  	[sflag:s21] =	ssyncset.done $0x0  }
0xc7: {  	[sflag:s21] =	ssyncadd.s32 $0xFFFFFFB0  }
0xc8: {  	_ =	swait.ge [sflag:s21], $0x50  }
0xc9: {  	[sflag:s21] =	ssyncset.done $0x0  }
0xca: {  	[sflag:s21] =	ssyncadd.s32 $0xFFFFFFB0  }
0xcb: {  	_ =	swait.ge [sflag:s21], $0x50  }
0xcc: {  	[sflag:s21] =	ssyncset.done $0x0  }
0xcd: {  	[sflag:s21] =	ssyncadd.s32 $0xFFFFFFB0  }
0xce: {  	_ =	swait.ge [sflag:s21], $0x50  }
0xcf: {  	[sflag:s21] =	ssyncset.done $0x0  }
0xd0: {  	[sflag:s21] =	ssyncadd.s32 $0xFFFFFFB0  }
0xd1: {  	_ =	swait.ge [sflag:s21], $0x50  }
0xd2: {  	[sflag:s21] =	ssyncset.done $0x0  }
0xd3: {  	[sflag:s21] =	ssyncadd.s32 $0xFFFFFFB0  }
0xd4: {  	_ =	swait.ge [sflag:s21], $0x50  }
0xd5: {  	[sflag:s21] =	ssyncset.done $0x0  }
0xd6: {  	[sflag:s21] =	ssyncadd.s32 $0xFFFFFFB0  }
0xd7: {  	_ =	swait.ge [sflag:s21], $0x50  }
0xd8: {  	s0 =	simm.s32 $0xC80;
	s3 =	simm.s32 $0x190;
	[sflag:s21] =	ssyncset.done $0x0  }
.LBB2_6:
0xd9: {  	s7 =	sadd.s32 $0x1000, s3  }
0xda: {  	[sflag:s21] =	ssyncadd.s32 $0xFFFFFFB0;
	s31 =	smov.u32 s0;
	s17 =	sadd.s32 $0x640, s0  }
0xdb: {  	[tilespmem:s7], [sflag:$0x1] =	stream.indirect.gather [hbm4b:s6+s20], $0x1, s3, s20, $0xb8;
	[tilespmem:$0x1B6C8] =	vst v63  }
0xdc: {  	p0 =	sne.s32 s0, $0x1900;
	s0 =	sadd.s32 $0x1800, s3  }
0xdd: {  	[tilespmem:s0], [sflag:$0x1] =	stream.indirect.gather [hbm4b:s8+s20], $0x1, s3, s20, $0xb8;
	[tilespmem:$0x1B6C8] =	vst v63  }
0xde: {  	s7 =	sadd.s32 $0x800, s3;
	s0 =	sadd.s32 $0x2000, s3  }
0xdf: {  	[tilespmem:s0], [sflag:$0x1] =	stream.indirect.gather [hbm4b:s9+s20], $0x1, s7, s20, $0xb8;
	[tilespmem:$0x1B6C8] =	vst v63  }
0xe0: {  	s0 =	sadd.s32 $0x1050, s3;
	s7 =	sadd.s32 $0x50, s3  }
0xe1: {  	[tilespmem:s0], [sflag:$0x1] =	stream.indirect.gather [hbm4b:s6+s20], $0x1, s7, s20, $0xb8;
	[tilespmem:$0x1B6C8] =	vst v63  }
0xe2: {  	s0 =	sadd.s32 $0x1850, s3  }
0xe3: {  	[tilespmem:s0], [sflag:$0x1] =	stream.indirect.gather [hbm4b:s8+s20], $0x1, s7, s20, $0xb8;
	[tilespmem:$0x1B6C8] =	vst v63  }
0xe4: {  	s0 =	sadd.s32 $0x2050, s3;
	s7 =	sadd.s32 $0x850, s3  }
0xe5: {  	[tilespmem:s0], [sflag:$0x1] =	stream.indirect.gather [hbm4b:s9+s20], $0x1, s7, s20, $0xb8;
	[tilespmem:$0x1B6C8] =	vst v63  }
0xe6: {  	s0 =	sadd.s32 $0x10A0, s3;
	s7 =	sadd.s32 $0xA0, s3  }
0xe7: {  	[tilespmem:s0], [sflag:$0x1] =	stream.indirect.gather [hbm4b:s6+s20], $0x1, s7, s20, $0xb8;
	[tilespmem:$0x1B6C8] =	vst v63  }
0xe8: {  	s0 =	sadd.s32 $0x18A0, s3  }
0xe9: {  	[tilespmem:s0], [sflag:$0x1] =	stream.indirect.gather [hbm4b:s8+s20], $0x1, s7, s20, $0xb8;
	[tilespmem:$0x1B6C8] =	vst v63  }
0xea: {  	s0 =	sadd.s32 $0x20A0, s3;
	s7 =	sadd.s32 $0x8A0, s3  }
0xeb: {  	[tilespmem:s0], [sflag:$0x1] =	stream.indirect.gather [hbm4b:s9+s20], $0x1, s7, s20, $0xb8;
	[tilespmem:$0x1B6C8] =	vst v63  }
0xec: {  	s0 =	sadd.s32 $0x10F0, s3;
	s7 =	sadd.s32 $0xF0, s3  }
0xed: {  	[tilespmem:s0], [sflag:$0x1] =	stream.indirect.gather [hbm4b:s6+s20], $0x1, s7, s20, $0xb8;
	[tilespmem:$0x1B6C8] =	vst v63  }
0xee: {  	s0 =	sadd.s32 $0x18F0, s3  }
0xef: {  	[tilespmem:s0], [sflag:$0x1] =	stream.indirect.gather [hbm4b:s8+s20], $0x1, s7, s20, $0xb8;
	[tilespmem:$0x1B6C8] =	vst v63  }
0xf0: {  	s0 =	sadd.s32 $0x20F0, s3;
	s7 =	sadd.s32 $0x8F0, s3  }
0xf1: {  	[tilespmem:s0], [sflag:$0x1] =	stream.indirect.gather [hbm4b:s9+s20], $0x1, s7, s20, $0xb8;
	[tilespmem:$0x1B6C8] =	vst v63  }
0xf2: {  	s0 =	sadd.s32 $0x1140, s3;
	s7 =	sadd.s32 $0x140, s3  }
0xf3: {  	[tilespmem:s0], [sflag:$0x1] =	stream.indirect.gather [hbm4b:s6+s20], $0x1, s7, s20, $0xb8;
	[tilespmem:$0x1B6C8] =	vst v63  }
0xf4: {  	s0 =	sadd.s32 $0x1940, s3  }
0xf5: {  	[tilespmem:s0], [sflag:$0x1] =	stream.indirect.gather [hbm4b:s8+s20], $0x1, s7, s20, $0xb8;
	[tilespmem:$0x1B6C8] =	vst v63  }
0xf6: {  	s0 =	sadd.s32 $0x2140, s3;
	s3 =	sadd.s32 $0x940, s3  }
0xf7: {  	[tilespmem:s0], [sflag:$0x1] =	stream.indirect.gather [hbm4b:s9+s20], $0x1, s3, s20, $0xb8;
	[tilespmem:$0x1B6C8] =	vst v63  }
0xf8: {  	_ =	swait.ge [sflag:s21], $0x50  }
0xf9: {  	[sflag:s21] =	ssyncset.done $0x0  }
0xfa: {  	[sflag:s21] =	ssyncadd.s32 $0xFFFFFFB0  }
0xfb: {  	_ =	swait.ge [sflag:s21], $0x50  }
0xfc: {  	[sflag:s21] =	ssyncset.done $0x0  }
0xfd: {  	[sflag:s21] =	ssyncadd.s32 $0xFFFFFFB0  }
0xfe: {  	_ =	swait.ge [sflag:s21], $0x50  }
0xff: {  	[sflag:s21] =	ssyncset.done $0x0  }
0x100: {  	[sflag:s21] =	ssyncadd.s32 $0xFFFFFFB0  }
0x101: {  	_ =	swait.ge [sflag:s21], $0x50  }
0x102: {  	[sflag:s21] =	ssyncset.done $0x0  }
0x103: {  	[sflag:s21] =	ssyncadd.s32 $0xFFFFFFB0  }
0x104: {  	_ =	swait.ge [sflag:s21], $0x50  }
0x105: {  	[sflag:s21] =	ssyncset.done $0x0  }
0x106: {  	[sflag:s21] =	ssyncadd.s32 $0xFFFFFFB0  }
0x107: {  	_ =	swait.ge [sflag:s21], $0x50  }
0x108: {  	[sflag:s21] =	ssyncset.done $0x0  }
0x109: {  	[sflag:s21] =	ssyncadd.s32 $0xFFFFFFB0  }
0x10a: {  	_ =	swait.ge [sflag:s21], $0x50  }
0x10b: {  	[sflag:s21] =	ssyncset.done $0x0  }
0x10c: {  	[sflag:s21] =	ssyncadd.s32 $0xFFFFFFB0  }
0x10d: {  	_ =	swait.ge [sflag:s21], $0x50  }
0x10e: {  	[sflag:s21] =	ssyncset.done $0x0  }
0x10f: {  	[sflag:s21] =	ssyncadd.s32 $0xFFFFFFB0  }
0x110: {  	_ =	swait.ge [sflag:s21], $0x50  }
0x111: {  	[sflag:s21] =	ssyncset.done $0x0  }
0x112: {  	[sflag:s21] =	ssyncadd.s32 $0xFFFFFFB0  }
0x113: {  	_ =	swait.ge [sflag:s21], $0x50  }
0x114: {  	[sflag:s21] =	ssyncset.done $0x0  }
0x115: {  	[sflag:s21] =	ssyncadd.s32 $0xFFFFFFB0  }
0x116: {  	_ =	swait.ge [sflag:s21], $0x50  }
0x117: {  	[sflag:s21] =	ssyncset.done $0x0  }
0x118: {  	[sflag:s21] =	ssyncadd.s32 $0xFFFFFFB0  }
0x119: {  	_ =	swait.ge [sflag:s21], $0x50  }
0x11a: {  	[sflag:s21] =	ssyncset.done $0x0  }
0x11b: {  	[sflag:s21] =	ssyncadd.s32 $0xFFFFFFB0  }
0x11c: {  	_ =	swait.ge [sflag:s21], $0x50  }
0x11d: {  	[sflag:s21] =	ssyncset.done $0x0  }
0x11e: {  	[sflag:s21] =	ssyncadd.s32 $0xFFFFFFB0  }
.Ltmp1:
0x11f: {  	_ =	swait.ge [sflag:s21], $0x50;
	(pc) =	sbr.rel @p0 .LBB2_6-.Ltmp1, $4  }
0x120: {  	[sflag:s21] =	ssyncset.done $0x0  }
0x121: {  	[sflag:s21] =	ssyncadd.s32 $0xFFFFFFB0  }
0x122: {  	_ =	swait.ge [sflag:s21], $0x50  }
0x123: {  	s3 =	sshra.s32 s31, $0x2;
	s0 =	smov.u32 s17;
	[sflag:s21] =	ssyncset.done $0x0  }
0x124: {  	s0 =	sadd.s32 $0x1000, s3;
	[sflag:s21] =	ssyncadd.s32 $0xFFFFFFB0  }
0x125: {  	[tilespmem:s0], [sflag:$0x1] =	stream.indirect.gather [hbm4b:s6+s20], $0x1, s3, s20, $0xb8;
	[tilespmem:$0x1B6C8] =	vst v63  }
0x126: {  	s7 =	sadd.s32 $0x1800, s3  }
0x127: {  	[tilespmem:s7], [sflag:$0x1] =	stream.indirect.gather [hbm4b:s8+s20], $0x1, s3, s20, $0xb8;
	[tilespmem:$0x1B6C8] =	vst v63  }
0x128: {  	s17 =	sadd.s32 $0x2000, s3;
	s7 =	sadd.s32 $0x800, s3  }
0x129: {  	[tilespmem:s17], [sflag:$0x1] =	stream.indirect.gather [hbm4b:s9+s20], $0x1, s7, s20, $0xb8;
	[tilespmem:$0x1B6C8] =	vst v63  }
0x12a: {  	s17 =	sadd.s32 $0x1050, s3;
	s7 =	sadd.s32 $0x50, s3  }
0x12b: {  	[tilespmem:s17], [sflag:$0x1] =	stream.indirect.gather [hbm4b:s6+s20], $0x1, s7, s20, $0xb8;
	[tilespmem:$0x1B6C8] =	vst v63  }
0x12c: {  	s17 =	sadd.s32 $0x1850, s3  }
0x12d: {  	[tilespmem:s17], [sflag:$0x1] =	stream.indirect.gather [hbm4b:s8+s20], $0x1, s7, s20, $0xb8;
	[tilespmem:$0x1B6C8] =	vst v63  }
0x12e: {  	s7 =	sadd.s32 $0x2050, s3;
	s17 =	sadd.s32 $0x850, s3  }
0x12f: {  	[tilespmem:s7], [sflag:$0x1] =	stream.indirect.gather [hbm4b:s9+s20], $0x1, s17, s20, $0xb8;
	[tilespmem:$0x1B6C8] =	vst v63  }
0x130: {  	s17 =	sadd.s32 $0x10A0, s3;
	s7 =	sadd.s32 $0xA0, s3  }
0x131: {  	[tilespmem:s17], [sflag:$0x1] =	stream.indirect.gather [hbm4b:s6+s20], $0x1, s7, s20, $0xb8;
	[tilespmem:$0x1B6C8] =	vst v63  }
0x132: {  	s17 =	sadd.s32 $0x18A0, s3  }
0x133: {  	[tilespmem:s17], [sflag:$0x1] =	stream.indirect.gather [hbm4b:s8+s20], $0x1, s7, s20, $0xb8;
	[tilespmem:$0x1B6C8] =	vst v63  }
0x134: {  	s7 =	sadd.s32 $0x20A0, s3;
	s17 =	sadd.s32 $0x8A0, s3  }
0x135: {  	[tilespmem:s7], [sflag:$0x1] =	stream.indirect.gather [hbm4b:s9+s20], $0x1, s17, s20, $0xb8;
	[tilespmem:$0x1B6C8] =	vst v63  }
0x136: {  	s17 =	sadd.s32 $0x10F0, s3;
	s7 =	sadd.s32 $0xF0, s3  }
0x137: {  	[tilespmem:s17], [sflag:$0x1] =	stream.indirect.gather [hbm4b:s6+s20], $0x1, s7, s20, $0xb8;
	[tilespmem:$0x1B6C8] =	vst v63  }
0x138: {  	s17 =	sadd.s32 $0x18F0, s3  }
0x139: {  	[tilespmem:s17], [sflag:$0x1] =	stream.indirect.gather [hbm4b:s8+s20], $0x1, s7, s20, $0xb8;
	[tilespmem:$0x1B6C8] =	vst v63  }
0x13a: {  	s7 =	sadd.s32 $0x20F0, s3;
	s17 =	sadd.s32 $0x8F0, s3  }
0x13b: {  	[tilespmem:s7], [sflag:$0x1] =	stream.indirect.gather [hbm4b:s9+s20], $0x1, s17, s20, $0xb8;
	[tilespmem:$0x1B6C8] =	vst v63  }
0x13c: {  	s17 =	sadd.s32 $0x1140, s3;
	s7 =	sadd.s32 $0x140, s3  }
0x13d: {  	[tilespmem:s17], [sflag:$0x1] =	stream.indirect.gather [hbm4b:s6+s20], $0x1, s7, s20, $0xb8;
	[tilespmem:$0x1B6C8] =	vst v63  }
0x13e: {  	s17 =	sadd.s32 $0x1940, s3  }
0x13f: {  	[tilespmem:s17], [sflag:$0x1] =	stream.indirect.gather [hbm4b:s8+s20], $0x1, s7, s20, $0xb8;
	[tilespmem:$0x1B6C8] =	vst v63  }
0x140: {  	s17 =	sadd.s32 $0x2140, s3;
	s7 =	sadd.s32 $0x940, s3  }
0x141: {  	[tilespmem:s17], [sflag:$0x1] =	stream.indirect.gather [hbm4b:s9+s20], $0x1, s7, s20, $0xb8;
	[tilespmem:$0x1B6C8] =	vst v63  }
0x142: {  	_ =	swait.ge [sflag:s21], $0x50  }
0x143: {  	[sflag:s21] =	ssyncset.done $0x0  }
0x144: {  	[sflag:s21] =	ssyncadd.s32 $0xFFFFFFB0  }
0x145: {  	_ =	swait.ge [sflag:s21], $0x50  }
0x146: {  	[sflag:s21] =	ssyncset.done $0x0  }
0x147: {  	[sflag:s21] =	ssyncadd.s32 $0xFFFFFFB0  }
0x148: {  	_ =	swait.ge [sflag:s21], $0x50  }
0x149: {  	[sflag:s21] =	ssyncset.done $0x0  }
0x14a: {  	[sflag:s21] =	ssyncadd.s32 $0xFFFFFFB0  }
0x14b: {  	_ =	swait.ge [sflag:s21], $0x50  }
0x14c: {  	[sflag:s21] =	ssyncset.done $0x0  }
0x14d: {  	[sflag:s21] =	ssyncadd.s32 $0xFFFFFFB0  }
0x14e: {  	_ =	swait.ge [sflag:s21], $0x50  }
0x14f: {  	[sflag:s21] =	ssyncset.done $0x0  }
0x150: {  	[sflag:s21] =	ssyncadd.s32 $0xFFFFFFB0  }
0x151: {  	_ =	swait.ge [sflag:s21], $0x50  }
0x152: {  	[sflag:s21] =	ssyncset.done $0x0  }
0x153: {  	[sflag:s21] =	ssyncadd.s32 $0xFFFFFFB0  }
0x154: {  	_ =	swait.ge [sflag:s21], $0x50  }
0x155: {  	[sflag:s21] =	ssyncset.done $0x0  }
0x156: {  	[sflag:s21] =	ssyncadd.s32 $0xFFFFFFB0  }
0x157: {  	_ =	swait.ge [sflag:s21], $0x50  }
0x158: {  	[sflag:s21] =	ssyncset.done $0x0  }
0x159: {  	[sflag:s21] =	ssyncadd.s32 $0xFFFFFFB0  }
0x15a: {  	_ =	swait.ge [sflag:s21], $0x50  }
0x15b: {  	[sflag:s21] =	ssyncset.done $0x0  }
0x15c: {  	[sflag:s21] =	ssyncadd.s32 $0xFFFFFFB0  }
0x15d: {  	_ =	swait.ge [sflag:s21], $0x50  }
0x15e: {  	[sflag:s21] =	ssyncset.done $0x0  }
0x15f: {  	[sflag:s21] =	ssyncadd.s32 $0xFFFFFFB0  }
0x160: {  	_ =	swait.ge [sflag:s21], $0x50  }
0x161: {  	[sflag:s21] =	ssyncset.done $0x0  }
0x162: {  	[sflag:s21] =	ssyncadd.s32 $0xFFFFFFB0  }
0x163: {  	_ =	swait.ge [sflag:s21], $0x50  }
0x164: {  	[sflag:s21] =	ssyncset.done $0x0  }
0x165: {  	[sflag:s21] =	ssyncadd.s32 $0xFFFFFFB0  }
0x166: {  	_ =	swait.ge [sflag:s21], $0x50  }
0x167: {  	[sflag:s21] =	ssyncset.done $0x0  }
0x168: {  	[sflag:s21] =	ssyncadd.s32 $0xFFFFFFB0  }
0x169: {  	_ =	swait.ge [sflag:s21], $0x50  }
0x16a: {  	[sflag:s21] =	ssyncset.done $0x0  }
0x16b: {  	[sflag:s21] =	ssyncadd.s32 $0xFFFFFFB0  }
0x16c: {  	_ =	swait.ge [sflag:s21], $0x50  }
0x16d: {  	[sflag:s21] =	ssyncset.done $0x0  }
0x16e: {  	s17 =	simm.s32 $0x0;
	[sflag:s21] =	ssyncadd.s32 $0xFFFFFFB0  }
0x16f: {  	v6 =	vld [tilespmem:s17+$0x1800];
	_ =	sdelay $0x1  }
0x170: {  	v7 =	vld [tilespmem:s17+$0x1000];
	_ =	sdelay $0x1  }
0x171: {  	v9 =	vld [tilespmem:s17+$0x2000]  }
0x172: {  	v8 =	vmul.f32 v6, v2;
	_ =	sdelay $0x1  }
0x173: {  	v7 =	vadd.s32 v0, v7;
	v8 =	vmul.f32 $1.442695020e+00, v8  }
0x174: {  	[tilespmem:$0x2800] =	vst v7  }
0x175: {  	v6 =	vadd.f32 v9, v6;
	v7 =	vld [tilespmem:s17+$0x800];
	(erf) = vpow2.f32 v8;
	_ =	sdelay $0x1  }
0x176: {  	vm0 =	vgt.f32 v6, $0.0e+00  }
0x177: {  	vm0 =	vmneg vm0  }
0x178: {  	v6 =	vsel vm0, $0x1, v4  }
0x179: {  	vm0 =	veq.s32 v1, v6;
	v7 =	vsub.s32 v7, v5  }
0x17a: {  	v6 =	vnsel vm0, $0x2800, v7;
	_ =	sdelay $0x2  }
0x17b: {  	[tilespmem:$0x2880] =	vst v6;
	v6 =	vpop (erf)  }
0x17c: {  	[tilespmem:$0x2900] =	vst v6  }
0x17d: {  	v6 =	vld [tilespmem:s17+$0x1810];
	_ =	sdelay $0x1  }
0x17e: {  	v7 =	vld [tilespmem:s17+$0x1010];
	_ =	sdelay $0x1  }
0x17f: {  	v57 =	vld [tilespmem:s17+$0x2010]  }
0x180: {  	v56 =	vmul.f32 v6, v2;
	_ =	sdelay $0x1  }
0x181: {  	v7 =	vadd.s32 v0, v7;
	v8 =	vmul.f32 $1.442695020e+00, v56  }
0x182: {  	[tilespmem:$0x2810] =	vst v7  }
0x183: {  	v6 =	vadd.f32 v57, v6;
	v7 =	vld [tilespmem:s17+$0x810];
	(erf) = vpow2.f32 v8;
	_ =	sdelay $0x1  }
0x184: {  	vm12 =	vgt.f32 v6, $0.0e+00  }
0x185: {  	vm0 =	vmneg vm12  }
0x186: {  	v6 =	vsel vm0, $0x1, v4  }
0x187: {  	vm0 =	veq.s32 v1, v6;
	v7 =	vsub.s32 v7, v5  }
0x188: {  	v6 =	vnsel vm0, $0x2800, v7;
	_ =	sdelay $0x2  }
0x189: {  	[tilespmem:$0x2890] =	vst v6;
	v6 =	vpop (erf)  }
0x18a: {  	[tilespmem:$0x2910] =	vst v6  }
0x18b: {  	v6 =	vld [tilespmem:s17+$0x1820];
	_ =	sdelay $0x1  }
0x18c: {  	v7 =	vld [tilespmem:s17+$0x1020];
	_ =	sdelay $0x1  }
0x18d: {  	v59 =	vld [tilespmem:s17+$0x2020]  }
0x18e: {  	v58 =	vmul.f32 v6, v2;
	_ =	sdelay $0x1  }
0x18f: {  	v7 =	vadd.s32 v0, v7;
	v8 =	vmul.f32 $1.442695020e+00, v58  }
0x190: {  	[tilespmem:$0x2820] =	vst v7  }
0x191: {  	v6 =	vadd.f32 v59, v6;
	v7 =	vld [tilespmem:s17+$0x820];
	(erf) = vpow2.f32 v8;
	_ =	sdelay $0x1  }
0x192: {  	vm13 =	vgt.f32 v6, $0.0e+00  }
0x193: {  	vm0 =	vmneg vm13  }
0x194: {  	v6 =	vsel vm0, $0x1, v4  }
0x195: {  	vm0 =	veq.s32 v1, v6;
	v7 =	vsub.s32 v7, v5  }
0x196: {  	v6 =	vnsel vm0, $0x2800, v7;
	_ =	sdelay $0x2  }
0x197: {  	[tilespmem:$0x28A0] =	vst v6;
	v6 =	vpop (erf)  }
0x198: {  	[tilespmem:$0x2920] =	vst v6  }
0x199: {  	v6 =	vld [tilespmem:s17+$0x1830];
	_ =	sdelay $0x1  }
0x19a: {  	v7 =	vld [tilespmem:s17+$0x1030];
	_ =	sdelay $0x1  }
0x19b: {  	v61 =	vld [tilespmem:s17+$0x2030]  }
0x19c: {  	v60 =	vmul.f32 v6, v2;
	_ =	sdelay $0x1  }
0x19d: {  	v7 =	vadd.s32 v0, v7;
	v8 =	vmul.f32 $1.442695020e+00, v60  }
0x19e: {  	[tilespmem:$0x2830] =	vst v7  }
0x19f: {  	v6 =	vadd.f32 v61, v6;
	v7 =	vld [tilespmem:s17+$0x830];
	(erf) = vpow2.f32 v8;
	_ =	sdelay $0x1  }
0x1a0: {  	vm14 =	vgt.f32 v6, $0.0e+00  }
0x1a1: {  	vm0 =	vmneg vm14  }
0x1a2: {  	v6 =	vsel vm0, $0x1, v4  }
0x1a3: {  	vm0 =	veq.s32 v1, v6;
	v7 =	vsub.s32 v7, v5  }
0x1a4: {  	v6 =	vnsel vm0, $0x2800, v7;
	_ =	sdelay $0x2  }
0x1a5: {  	[tilespmem:$0x28B0] =	vst v6;
	v6 =	vpop (erf)  }
0x1a6: {  	[tilespmem:$0x2930] =	vst v6  }
0x1a7: {  	v6 =	vld [tilespmem:s17+$0x1840];
	_ =	sdelay $0x1  }
0x1a8: {  	v7 =	vld [tilespmem:s17+$0x1040];
	_ =	sdelay $0x1  }
0x1a9: {  	v63 =	vld [tilespmem:s17+$0x2040]  }
0x1aa: {  	v62 =	vmul.f32 v6, v2;
	_ =	sdelay $0x1  }
0x1ab: {  	v7 =	vadd.s32 v0, v7;
	v8 =	vmul.f32 $1.442695020e+00, v62  }
0x1ac: {  	[tilespmem:$0x2840] =	vst v7  }
0x1ad: {  	v6 =	vadd.f32 v63, v6;
	v7 =	vld [tilespmem:s17+$0x840];
	(erf) = vpow2.f32 v8;
	_ =	sdelay $0x1  }
0x1ae: {  	vm15 =	vgt.f32 v6, $0.0e+00  }
0x1af: {  	vm0 =	vmneg vm15  }
0x1b0: {  	v6 =	vsel vm0, $0x1, v4  }
0x1b1: {  	vm0 =	veq.s32 v1, v6;
	v7 =	vsub.s32 v7, v5  }
0x1b2: {  	v6 =	vnsel vm0, $0x2800, v7;
	_ =	sdelay $0x2  }
0x1b3: {  	[tilespmem:$0x28C0] =	vst v6;
	v6 =	vpop (erf)  }
0x1b4: {  	[tilespmem:$0x2940] =	vst v6  }
0x1b5: {  	[tilespmem:s23], [sflag:$0x2] =	stream.indirect.gather [hbm4b:s10+s20], $0x80, s22, s20, $0xb8;
	[tilespmem:$0x1B6C8] =	vst v63  }
0x1b6: {  	_ =	swait.ge [sflag:s24], $0x2800  }
0x1b7: {  	[sflag:s24] =	ssyncset.done $0x0  }
0x1b8: {  	[sflag:s24] =	ssyncadd.s32 $0xFFFFD800  }
0x1b9: {  	[spmem:s1] =	stream.indirect.scatter.add.f32 [tilespmem:s23], [sflag:$0x3], $0x80, s25, s20, $0xb8;
	[tilespmem:$0x1B6C8] =	vst v63  }
0x1ba: {  	_ =	swait.ge [sflag:s18], $0x2800  }
0x1bb: {  	[sflag:s18] =	ssyncset.done $0x0  }
0x1bc: {  	s31 =	simm.s32 $0x140;
	[sflag:s18] =	ssyncadd.s32 $0xFFFFD800  }
.LBB2_8:
0x1bd: {  	[spmem:s2] =	stream.indirect.scatter.add.f32 [tilespmem:s26], [sflag:$0x3], $0x1, s25, s20, $0xb8;
	[tilespmem:$0x1B6C8] =	vst v63  }
0x1be: {  	s0 =	sshra.s32 s31, $0x2;
	p0 =	sne.s32 s31, $0x1E00;
	_ =	swait.ge [sflag:s18], $0x50  }
0x1bf: {  	s31 =	sadd.s32 $0x140, s31;
	[sflag:s18] =	ssyncset.done $0x0  }
0x1c0: {  	[sflag:s18] =	ssyncadd.s32 $0xFFFFFFB0  }
0x1c1: {  	v6 =	vld [tilespmem:s0+$0x1800];
	_ =	sdelay $0x2  }
0x1c2: {  	v7 =	vld [tilespmem:s0+$0x1000];
	_ =	sdelay $0x1  }
0x1c3: {  	v8 =	vld [tilespmem:s0+$0x2000];
	v9 =	vmul.f32 v6, v2;
	_ =	sdelay $0x1  }
0x1c4: {  	v9 =	vmul.f32 $1.442695020e+00, v9  }
0x1c5: {  	v7 =	vadd.s32 v0, v7  }
0x1c6: {  	[tilespmem:$0x2800] =	vst v7;
	(erf) = vpow2.f32 v9  }
0x1c7: {  	v6 =	vadd.f32 v8, v6;
	v7 =	vld [tilespmem:s0+$0x800];
	_ =	sdelay $0x1  }
0x1c8: {  	vm0 =	vgt.f32 v6, $0.0e+00  }
0x1c9: {  	vm0 =	vmneg vm0  }
0x1ca: {  	v6 =	vsel vm0, $0x1, v4  }
0x1cb: {  	v7 =	vsub.s32 v7, v5;
	vm0 =	veq.s32 v1, v6  }
0x1cc: {  	v7 =	vnsel vm0, $0x2800, v7  }
0x1cd: {  	[tilespmem:$0x2880] =	vst v7  }
0x1ce: {  	v6 =	vpop (erf)  }
0x1cf: {  	[tilespmem:$0x2900] =	vst v6  }
0x1d0: {  	v6 =	vld [tilespmem:s0+$0x1810];
	_ =	sdelay $0x2  }
0x1d1: {  	v7 =	vld [tilespmem:s0+$0x1010];
	_ =	sdelay $0x1  }
0x1d2: {  	v8 =	vld [tilespmem:s0+$0x2010];
	v9 =	vmul.f32 v6, v2;
	_ =	sdelay $0x1  }
0x1d3: {  	v9 =	vmul.f32 $1.442695020e+00, v9  }
0x1d4: {  	v7 =	vadd.s32 v0, v7  }
0x1d5: {  	[tilespmem:$0x2810] =	vst v7;
	(erf) = vpow2.f32 v9  }
0x1d6: {  	v6 =	vadd.f32 v8, v6;
	v7 =	vld [tilespmem:s0+$0x810];
	_ =	sdelay $0x1  }
0x1d7: {  	vm0 =	vgt.f32 v6, $0.0e+00  }
0x1d8: {  	vm0 =	vmneg vm0  }
0x1d9: {  	v6 =	vsel vm0, $0x1, v4  }
0x1da: {  	v7 =	vsub.s32 v7, v5;
	vm0 =	veq.s32 v1, v6  }
0x1db: {  	v7 =	vnsel vm0, $0x2800, v7  }
0x1dc: {  	[tilespmem:$0x2890] =	vst v7  }
0x1dd: {  	v6 =	vpop (erf)  }
0x1de: {  	[tilespmem:$0x2910] =	vst v6  }
0x1df: {  	v6 =	vld [tilespmem:s0+$0x1820];
	_ =	sdelay $0x2  }
0x1e0: {  	v7 =	vld [tilespmem:s0+$0x1020]  }
0x1e1: {  	v8 =	vld [tilespmem:s0+$0x2020]  }
0x1e2: {  	v9 =	vmul.f32 v6, v2;
	_ =	sdelay $0x1  }
0x1e3: {  	v9 =	vmul.f32 $1.442695020e+00, v9  }
0x1e4: {  	v7 =	vadd.s32 v0, v7  }
0x1e5: {  	v6 =	vadd.f32 v8, v6;
	[tilespmem:$0x2820] =	vst v7;
	(erf) = vpow2.f32 v9;
	_ =	sdelay $0x1  }
0x1e6: {  	vm0 =	vgt.f32 v6, $0.0e+00;
	v6 =	vld [tilespmem:s0+$0x820]  }
0x1e7: {  	vm0 =	vmneg vm0  }
0x1e8: {  	v7 =	vsel vm0, $0x1, v4;
	_ =	sdelay $0x2  }
0x1e9: {  	vm0 =	veq.s32 v1, v7;
	v8 =	vsub.s32 v6, v5  }
0x1ea: {  	v7 =	vnsel vm0, $0x2800, v8  }
0x1eb: {  	[tilespmem:$0x28A0] =	vst v7;
	v6 =	vpop (erf)  }
0x1ec: {  	[tilespmem:$0x2920] =	vst v6  }
0x1ed: {  	v6 =	vld [tilespmem:s0+$0x1830]  }
0x1ee: {  	v7 =	vld [tilespmem:s0+$0x1030]  }
0x1ef: {  	v8 =	vld [tilespmem:s0+$0x2030];
	_ =	sdelay $0x2  }
0x1f0: {  	v9 =	vmul.f32 v6, v2  }
0x1f1: {  	v7 =	vadd.s32 v0, v7  }
0x1f2: {  	v6 =	vadd.f32 v8, v6;
	[tilespmem:$0x2830] =	vst v7;
	v7 =	vmul.f32 $1.442695020e+00, v9  }
0x1f3: {  	v8 =	vld [tilespmem:s0+$0x830]  }
0x1f4: {  	vm0 =	vgt.f32 v6, $0.0e+00;
	(erf) = vpow2.f32 v7  }
0x1f5: {  	vm0 =	vmneg vm0  }
0x1f6: {  	v6 =	vsel vm0, $0x1, v4;
	_ =	sdelay $0x1  }
0x1f7: {  	vm0 =	veq.s32 v1, v6;
	v7 =	vsub.s32 v8, v5  }
0x1f8: {  	v6 =	vnsel vm0, $0x2800, v7  }
0x1f9: {  	[tilespmem:$0x28B0] =	vst v6;
	_ =	sdelay $0x2  }
0x1fa: {  	v6 =	vpop (erf)  }
0x1fb: {  	[tilespmem:$0x2930] =	vst v6  }
0x1fc: {  	v6 =	vld [tilespmem:s0+$0x1040]  }
0x1fd: {  	v7 =	vld [tilespmem:s0+$0x1840]  }
0x1fe: {  	v8 =	vld [tilespmem:s0+$0x2040];
	_ =	sdelay $0x2  }
0x1ff: {  	v6 =	vadd.s32 v0, v6  }
0x200: {  	[tilespmem:$0x2840] =	vst v6;
	v6 =	vmul.f32 v7, v2  }
0x201: {  	v7 =	vadd.f32 v8, v7;
	v8 =	vld [tilespmem:s0+$0x840]  }
0x202: {  	v6 =	vmul.f32 $1.442695020e+00, v6  }
0x203: {  	vm0 =	vgt.f32 v7, $0.0e+00  }
0x204: {  	vm0 =	vmneg vm0;
	(erf) = vpow2.f32 v6  }
0x205: {  	v6 =	vsel vm0, $0x1, v4  }
0x206: {  	v7 =	vsub.s32 v8, v5;
	vm0 =	veq.s32 v1, v6  }
0x207: {  	v6 =	vnsel vm0, $0x2800, v7  }
0x208: {  	[tilespmem:$0x28C0] =	vst v6;
	_ =	sdelay $0x4  }
0x209: {  	v6 =	vpop (erf)  }
0x20a: {  	[tilespmem:$0x2940] =	vst v6  }
0x20b: {  	[tilespmem:s23], [sflag:$0x2] =	stream.indirect.gather [hbm4b:s10+s20], $0x80, s22, s20, $0xb8;
	[tilespmem:$0x1B6C8] =	vst v63  }
0x20c: {  	_ =	swait.ge [sflag:s24], $0x2800  }
0x20d: {  	[sflag:s24] =	ssyncset.done $0x0  }
.Ltmp2:
0x20e: {  	[sflag:s24] =	ssyncadd.s32 $0xFFFFD800;
	(pc) =	sbr.rel @p0 .LBB2_8-.Ltmp2, $4  }
0x20f: {  	[spmem:s1] =	stream.indirect.scatter.add.f32 [tilespmem:s23], [sflag:$0x3], $0x80, s25, s20, $0xb8;
	[tilespmem:$0x1B6C8] =	vst v63  }
0x210: {  	_ =	swait.ge [sflag:s18], $0x2800  }
0x211: {  	[sflag:s18] =	ssyncset.done $0x0  }
0x212: {  	[sflag:s18] =	ssyncadd.s32 $0xFFFFD800  }
0x213: {  	s30 =	sadd.s32 $0x1, s30  }
0x214: {  	p0 =	sne.s32 s30, $0xA  }
.Ltmp3:
0x215: {  	_ = 	snop;
	(pc) =	sbr.rel @p0 .LBB2_5-.Ltmp3, $4  }
0x216: {  	[spmem:s2] =	stream.indirect.scatter.add.f32 [tilespmem:s26], [sflag:$0x3], $0x1, s25, s20, $0xb8;
	[tilespmem:$0x1B6C8] =	vst v63  }
0x217: {  	_ =	swait.ge [sflag:s18], $0x50  }
0x218: {  	[sflag:s18] =	ssyncset.done $0x0  }
0x219: {  	[sflag:s18] =	ssyncadd.s32 $0xFFFFFFB0  }
0x21a: {  	s0 =	smul.u32 $0x140000, s28  }
0x21b: {  	s3 =	rddreg [dreg:$0x10]  }
0x21c: {  	s7 =	rddreg [dreg:$0x11];
	s0 =	sadd.s32 s3, s0  }
0x21d: {  	s3 =	sadd.s32 s7, s0;
	s7 =	stileid.u32  }
0x21e: {  	[bflag:$0x0] =	sbarrier.arrive $0xFFFF;
	s3 =	sshrl.u32 s3, $0x3;
	s7 =	sshll.u32 s7, $0x6  }
0x21f: {  	s17 =	sshrl.u32 s13, $0x3;
	s3 =	sadd.s32 s11, s3;
	s7 =	sor.u32 $0x1C03, s7  }
0x220: {  	[hbm:s3], [sflag:s7] =	dma.local [spmem:s17], $0x800  }
0x221: {  	_ =	swait.ge [sflag:s18], $0x800  }
0x222: {  	s17 =	rddreg [dreg:$0x8]  }
0x223: {  	s3 =	sadd.s32 s17, s0  }
0x224: {  	[sflag:s18] =	ssyncset.done $0x0;
	s3 =	sshrl.u32 s3, $0x3  }
0x225: {  	s29 =	rddreg [dreg:$0xc];
	[sflag:s18] =	ssyncadd.s32 $0xFFFFF800;
	s3 =	sadd.s32 s11, s3  }
0x226: {  	[hbm:s3], [sflag:s7] =	dma.local [spmem:s29], $0x800  }
0x227: {  	_ =	swait.ge [sflag:s18], $0x800  }
0x228: {  	s30 =	rddreg [dreg:$0x9]  }
0x229: {  	s3 =	sadd.s32 s30, s0  }
0x22a: {  	[sflag:s18] =	ssyncset.done $0x0;
	s3 =	sshrl.u32 s3, $0x3  }
0x22b: {  	s31 =	rddreg [dreg:$0xd];
	[sflag:s18] =	ssyncadd.s32 $0xFFFFF800;
	s3 =	sadd.s32 s11, s3  }
0x22c: {  	[hbm:s3], [sflag:s7] =	dma.local [spmem:s31], $0x800  }
0x22d: {  	_ =	swait.ge [sflag:s18], $0x800  }
0x22e: {  	s29 =	rddreg [dreg:$0xa]  }
0x22f: {  	s3 =	sadd.s32 s29, s0  }
0x230: {  	[sflag:s18] =	ssyncset.done $0x0;
	s3 =	sshrl.u32 s3, $0x3  }
0x231: {  	s30 =	rddreg [dreg:$0xe];
	[sflag:s18] =	ssyncadd.s32 $0xFFFFF800;
	s3 =	sadd.s32 s11, s3  }
0x232: {  	[hbm:s3], [sflag:s7] =	dma.local [spmem:s30], $0x800  }
0x233: {  	_ =	swait.ge [sflag:s18], $0x800  }
0x234: {  	s31 =	rddreg [dreg:$0xb]  }
0x235: {  	s0 =	sadd.s32 s31, s0  }
0x236: {  	s29 =	sshrl.u32 s28, $0x3;
	[sflag:s18] =	ssyncset.done $0x0;
	s0 =	sshrl.u32 s0, $0x3  }
0x237: {  	s17 =	rddreg [dreg:$0xf];
	[sflag:s18] =	ssyncadd.s32 $0xFFFFF800;
	s0 =	sadd.s32 s11, s0  }
0x238: {  	[hbm:s0], [sflag:s7] =	dma.local [spmem:s17], $0x800  }
0x239: {  	s30 =	sshll.u32 s28, $0x7;
	s28 =	sadd.s32 $0x1, s28;
	s0 =	smul.u32 $0x14000, s29  }
0x23a: {  	s3 =	sand.u32 $0x380, s30;
	s30 =	sshrl.u32 s14, $0x3;
	s31 =	rddreg [dreg:$0x6]  }
0x23b: {  	p0 =	sne.s32 s28, $0xB;
	_ =	swait.ge [sflag:s18], $0x800;
	s0 =	sadd.s32 s0, s31  }
0x23c: {  	[sflag:s18] =	ssyncset.done $0x0;
	s29 =	rddreg [dreg:$0x4];
	s0 =	sor.u32 s3, s0  }
0x23d: {  	s31 =	simm.s32 $0x80;
	[sflag:s18] =	ssyncadd.s32 $0xFFFFF800;
	s0 =	sshrl.u32 s0, $0x3  }
.Ltmp4:
0x23e: {  	s0 =	sadd.s32 s29, s0;
	s29 =	simm.s32 $0x10;
	(pc) =	sbr.rel @p0 .LBB2_4-.Ltmp4, $4  }
0x23f: {  	[hbm:s0@s31], [sflag:s7] =	dma.strided [spmem:s30@s29], $0x50, s21, $0x10   }
0x240: {  	_ =	swait.ge [sflag:s18], $0x50  }
0x241: {  	[sflag:s18] =	ssyncset.done $0x0  }
0x242: {  	[sflag:s18] =	ssyncadd.s32 $0xFFFFFFB0  }
0x243: {  	s3 =	rddreg [dreg:$0x19]  }
0x244: {  	s0 =	rddreg [dreg:$0x7];
	s3 =	sadd.s32 $0x1, s3  }
0x245: {  	p0 =	sne.s32 s3, s0  }
.Ltmp5:
0x246: {  	_ = 	snop;
	(pc) =	sbr.rel @p0 .LBB2_1-.Ltmp5, $1  }
0x247: {  	_ =	sdelay $0x3  }
0x248: {  	_ =	sfence.sel $0x180000  }
0x249: {  	[bflag:$0x0] =	sbarrier.arrive $0xFFFF  }
0x24a: {  	_ =	strace $0x9000004A  }
0x24b: {  	s0 =	stileid.u32;
	[bflag:$0x2] =	sbarrier.arrive $0xFFFF  }
0x24c: {  	p0 =	sne.s32 s0, $0x0;
	s0 =	rddreg [dreg:$0x3]  }
0x24d: {  	s0 =	sadd.s32 @!p0 $0x100000, s0  }
0x24e: {  	[sflag:s0] =	ssyncadd.tile.s32 @!p0 $0x1;
	_ =	shalt  }
.Lfunc_end2:
_tile_overlayer_lowered:
.L_overlay_start_2:
0x24f: {  	(tag) =	ssettag $0x2  }
0x250: {  	s0 =	rddreg [dreg:$0x0];
	s2 =	stileid.u32  }
0x251: {  	s1 =	rddreg [dreg:$0x1];
	p0 =	sne.s32 s2, $0x0  }
0x252: {  	s3 =	rddreg [dreg:$0x2];
	[bflag:$0x3] =	sbarrier.arrive $0xFFFF;
	s2 =	simm.s32 @!p0 $0x1C03  }
0x253: {  	[timem:s3], [sflag:s2] =	dma.local @!p0 [hbm:s0], s1  }
0x254: {  	s0 =	simm.s32 @!p0 $0x3  }
0x255: {  	_ =	swait.ge @!p0 [sflag:s0], s1  }
0x256: {  	s1 =	ssub.s32 @!p0 $0x0, s1;
	[sflag:s0] =	ssyncset.done @!p0 $0x0  }
0x257: {  	[sflag:s0] =	ssyncadd.s32 @!p0 s1  }
0x258: {  	[bflag:$0x3] =	sbarrier.arrive $0xFFFF  }
0x259: {  	_ =	shalt  }

// kernel: kernel.14.cloned.1.call-start
scs
__scs_entry_jumppad:
0x0: {  	(pc) =	sbr.rel $0x88, $3  }
0x1: {  	(tag) =	ssettag $0x0;
	lr =	simm.s32 $0x1  }
0x2: {  	[smem:$0x3F91] =	sst lr;
	_ =	strace $0xD0000000  }
0x3: {  	_ = 	snop  }
0x4: {  	_ = 	snop  }
0x5: {  	_ = 	snop  }
0x6: {  	_ = 	snop  }
0x7: {  	_ = 	snop  }
__scs_overlays_trampoline_lowered:
0x8: {  	[smem:$0x3FA0] =	sst s0  }
0x9: {  	[smem:$0x3FA1] =	sst s1  }
0xa: {  	[smem:$0x3FA2] =	sst s2  }
0xb: {  	[smem:$0x3FA3] =	sst s3  }
0xc: {  	[smem:$0x3FA4] =	sst s4  }
0xd: {  	[smem:$0x3FA5] =	sst s5  }
0xe: {  	[smem:$0x3FA6] =	sst s6  }
0xf: {  	[smem:$0x3FA7] =	sst s7  }
0x10: {  	[smem:$0x3FA8] =	sst s8  }
0x11: {  	[smem:$0x3FA9] =	sst s9;
	s0 =	simm.s32 @!p0 $0x0  }
0x12: {  	s1 =	sld [smem:$0x3F8F];
	s0 =	simm.s32 @p0 $0x1  }
0x13: {  	[smem:$0x3FAA] =	sst s0;
	s0 =	simm.s32 @!p1 $0x0  }
0x14: {  	s2 =	sld [smem:$0x3F8E];
	s0 =	simm.s32 @p1 $0x1  }
0x15: {  	[smem:$0x3FAB] =	sst s0;
	s0 =	simm.s32 @!p2 $0x0  }
0x16: {  	s3 =	sld [smem:$0x3FDB];
	s0 =	simm.s32 @p2 $0x1  }
0x17: {  	s4 =	simm.s32 $0x1BF5;
	[smem:$0x3FAD] =	sst s0  }
0x18: {  	s0 =	sld [smem:$0x3F90];
	_ =	swait.ge [sflag:s4], $0x0  }
0x19: {  	s7 =	sld [smem:$0x3F91]  }
0x1a: {  	s8 =	sadd.s32 $0xFFFFE003, lr  }
0x1b: {  	s9 =	sadd.s32 $0xFFFFFEF7, lr;
	s5 =	simm.s32 $0xFFFFFFFF;
	p2 =	slt.u32 s8, $0xFFFFF086  }
0x1c: {  	p1 =	slt.u32 s9, $0xF7A;
	s5 =	simm.s32 @!p2 $0x0  }
0x1d: {  	s5 =	simm.s32 @p1 $0x1;
	p0 =	seq.s32 s7, s2  }
0x1e: {  	s7 =	smul.u32 @!p0 $0xF7A, s2;
	p2 =	seq.s32 @!p0 s5, $0x0  }
0x1f: {  	s9 =	smul.u32 $0xF7A, s1;
	s8 =	simm.s32 @!p0 $0x1BF5;
	p2 =	por !p2, p0  }
0x20: {  	[sflag:s8] =	ssyncset.s32 @!p0 $0xFFFFF086;
	s6 =	sadd.s32 @!p0 s3, s7;
	s7 =	simm.s32 @!p0 $0x108  }
0x21: {  	s3 =	sadd.s32 s3, s9;
	s6 =	sadd.s32 @!p0 $0x88, s6;
	s7 =	simm.s32 @p2 $0x1082  }
0x22: {  	[simem:s7], [sflag:s8] =	dma.local @!p0 [hbm:s6], $0xF7A  }
0x23: {  	s9 =	sor.u32 $0xD0000000, s2;
	s6 =	simm.s32 $0x108;
	_ =	swait.ge @!p0 [sflag:s8], $0x0  }
0x24: {  	s3 =	sadd.s32 $0x88, s3;
	s6 =	simm.s32 @!p1 $0x1082;
	[sflag:s4] =	ssyncset.s32 $0xFFFFF086  }
0x25: {  	[simem:s6], [sflag:s4] =	dma.local [hbm:s3], $0xF7A  }
0x26: {  	[smem:$0x3F91] =	sst s1;
	(tag) =	ssettag s2;
	_ =	strace s9  }
0x27: {  	s1 =	sld [smem:$0x3FA1]  }
0x28: {  	s2 =	sld [smem:$0x3FA2]  }
0x29: {  	s4 =	sld [smem:$0x3FA4]  }
0x2a: {  	p0 =	seq.s32 s5, $0x0;
	s5 =	sld [smem:$0x3FA5]  }
0x2b: {  	s6 =	sld [smem:$0x3FA6]  }
0x2c: {  	s7 =	sld [smem:$0x3FA7]  }
0x2d: {  	s3 =	simm.s32 $0x108;
	s8 =	sld [smem:$0x3FA8]  }
0x2e: {  	s3 =	simm.s32 @!p0 $0x1082;
	s9 =	sld [smem:$0x3FA9]  }
0x2f: {  	lr =	sadd.s32 s0, s3;
	s0 =	sld [smem:$0x3FA0]  }
0x30: {  	s3 =	sld [smem:$0x3FA3]  }
0x31: {  	[smem:$0x3FAC] =	sst s10  }
0x32: {  	s10 =	sld [smem:$0x3FAA];
	_ =	sdelay $0x3  }
0x33: {  	p0 =	seq.s32 s10, $0x1;
	s10 =	sld [smem:$0x3FAC];
	_ =	sdelay $0x3  }
0x34: {  	[smem:$0x3FAC] =	sst s10  }
0x35: {  	s10 =	sld [smem:$0x3FAB];
	_ =	sdelay $0x3  }
0x36: {  	p1 =	seq.s32 s10, $0x1;
	s10 =	sld [smem:$0x3FAC];
	_ =	sdelay $0x3  }
0x37: {  	[smem:$0x3FAC] =	sst s10  }
0x38: {  	s10 =	sld [smem:$0x3FAD]  }
0x39: {  	_ = 	snop;
	(pc) =	sbr.ind lr, $3  }
0x3a: {  	_ = 	snop  }
0x3b: {  	_ = 	snop  }
0x3c: {  	p2 =	seq.s32 s10, $0x1;
	s10 =	sld [smem:$0x3FAC]  }
0x3d: {  	_ =	shalt  }
0x3e: {  	_ =	shalt  }
0x3f: {  	_ =	shalt  }
0x40: {  	_ =	shalt  }
0x41: {  	_ =	shalt  }
0x42: {  	_ =	shalt  }
0x43: {  	_ =	shalt  }
0x44: {  	_ =	shalt  }
0x45: {  	_ =	shalt  }
0x46: {  	_ =	shalt  }
0x47: {  	_ =	shalt  }
0x48: {  	_ =	shalt  }
0x49: {  	_ =	shalt  }
0x4a: {  	_ =	shalt  }
0x4b: {  	_ =	shalt  }
0x4c: {  	_ =	shalt  }
0x4d: {  	_ =	shalt  }
0x4e: {  	_ =	shalt  }
0x4f: {  	_ =	shalt  }
0x50: {  	_ =	shalt  }
0x51: {  	_ =	shalt  }
0x52: {  	_ =	shalt  }
0x53: {  	_ =	shalt  }
0x54: {  	_ =	shalt  }
0x55: {  	_ =	shalt  }
0x56: {  	_ =	shalt  }
0x57: {  	_ =	shalt  }
0x58: {  	_ =	shalt  }
0x59: {  	_ =	shalt  }
0x5a: {  	_ =	shalt  }
0x5b: {  	_ =	shalt  }
0x5c: {  	_ =	shalt  }
0x5d: {  	_ =	shalt  }
0x5e: {  	_ =	shalt  }
0x5f: {  	_ =	shalt  }
0x60: {  	_ =	shalt  }
0x61: {  	_ =	shalt  }
0x62: {  	_ =	shalt  }
0x63: {  	_ =	shalt  }
0x64: {  	_ =	shalt  }
0x65: {  	_ =	shalt  }
0x66: {  	_ =	shalt  }
0x67: {  	_ =	shalt  }
0x68: {  	_ =	shalt  }
0x69: {  	_ =	shalt  }
0x6a: {  	_ =	shalt  }
0x6b: {  	_ =	shalt  }
0x6c: {  	_ =	shalt  }
0x6d: {  	_ =	shalt  }
0x6e: {  	_ =	shalt  }
0x6f: {  	_ =	shalt  }
0x70: {  	_ =	shalt  }
0x71: {  	_ =	shalt  }
0x72: {  	_ =	shalt  }
0x73: {  	_ =	shalt  }
0x74: {  	_ =	shalt  }
0x75: {  	_ =	shalt  }
0x76: {  	_ =	shalt  }
0x77: {  	_ =	shalt  }
0x78: {  	_ =	shalt  }
0x79: {  	_ =	shalt  }
0x7a: {  	_ =	shalt  }
0x7b: {  	_ =	shalt  }
0x7c: {  	_ =	shalt  }
0x7d: {  	_ =	shalt  }
0x7e: {  	_ =	shalt  }
0x7f: {  	_ =	shalt  }
0x80: {  	_ =	shalt  }
0x81: {  	_ =	shalt  }
0x82: {  	_ =	shalt  }
0x83: {  	_ =	shalt  }
0x84: {  	_ =	shalt  }
0x85: {  	_ =	shalt  }
0x86: {  	_ =	shalt  }
0x87: {  	_ =	shalt  }
.Lfunc_end0:
.L_simem_size_0:
called_computation.2_lowered:
.L_overlay_start_0:
0x88: {  	s2 =	sld [smem:$0x3FD9]  }
0x89: {  	s3 =	sld [smem:$0x3FFE];
	_ =	sdelay $0x1  }
0x8a: {  	s1 =	srdreg.scid  }
0x8b: {  	s0 =	sand.u32 $0x1, s1  }
0x8c: {  	s16 =	sshll.u32 s0, $0xA;
	s2 =	sadd.s32 s3, s2  }
0x8d: {  	s2 =	sadd.s32 s2, s16  }
0x8e: {  	[smem:$0x3FB8] =	sst s2  }
0x8f: {  	_ = 	snop  }
0x90: {  	(tm) =	ssettm $0x1  }
0x91: {  	s17 =	sld [smem:$0x3FFB];
	_ =	sdelay $0x3  }
0x92: {  	_ =	strace s17  }
0x93: {  	s2 =	sld [smem:$0x3FFC];
	_ =	sdelay $0x3  }
0x94: {  	_ =	strace s2  }
0x95: {  	s2 =	sld [smem:$0x3FFD];
	_ =	sdelay $0x3  }
0x96: {  	_ =	strace s2  }
0x97: {  	_ =	strace $0x8FFFFFFF  }
0x98: {  	s18 =	sld [smem:$0x3FDB];
	_ =	sdelay $0x1  }
0x99: {  	s19 =	simm.s32 $_scs_section_size  }
0x9a: {  	s4 =	simm.s32 $_size__tile_overlayer_lowered;
	s5 =	simm.s32 $_tile_overlayer_lowered  }
0x9b: {  	s22 =	simm.s32 $0x1BFF;
	s21 =	sshll.u32 s5, $0x1;
	s2 =	sadd.s32 s19, s18  }
0x9c: {  	s6 =	simm.s32 $0x0;
	s20 =	sshll.u32 s4, $0x1;
	s4 =	sadd.s32 s21, s2  }
0x9d: {  	[timem:s6], [sflag:s22] =	dma.local [hbm:s4], s20  }
0x9e: {  	_ =	swait.ge [sflag:s22], s20  }
0x9f: {  	s3 =	ssub.s32 $0x0, s20;
	[sflag:s22] =	ssyncset.done $0x0  }
0xa0: {  	[sflag:s22] =	ssyncadd.s32 s3;
	_ =	sdelay $0x1  }
0xa1: {  	s23 =	simm.s32 $0x1B8B  }
0xa2: {  	_ =	swait.ge [sflag:s23], $0x1  }
0xa3: {  	[sflag:s23] =	ssyncset.done $0x0  }
0xa4: {  	s25 =	simm.s32 $0x1B8E;
	s24 =	sld [smem:$0x3FFE];
	[sflag:s23] =	ssyncadd.s32 $0xFFFFFFFF  }
0xa5: {  	s26 =	simm.s32 $execute0_lowered;
	[smem:$0x3FD2] =	sst s25  }
0xa6: {  	s4 =	sshll.u32 s26, $0x1;
	_ =	strace $0x8000004C;
	[dreg:$0x1] =	wrdreg $0xFFFFFFFF  }
0xa7: {  	s28 =	simm.s32 $_size_execute0_lowered;
	s2 =	sadd.s32 s2, s4;
	[dreg:$0x0] =	wrdreg $0x0  }
0xa8: {  	s4 =	sshll.u32 s28, $0x1;
	[dreg:$0x2] =	wrdreg s2  }
0xa9: {  	[dreg:$0x3] =	wrdreg s4  }
0xaa: {  	[dreg:$0x4] =	wrdreg $0xC0  }
0xab: {  	_ =	task [dreg:s6], $0x5FFFF  }
0xac: {  	[dreg:$0x1] =	wrdreg $0xFFFFFFFF  }
0xad: {  	[dreg:$0x0] =	wrdreg $0x60  }
0xae: {  	[dreg:$0x2] =	wrdreg s24  }
0xaf: {  	[dreg:$0x3] =	wrdreg $0xB8000  }
0xb0: {  	[dreg:$0x4] =	wrdreg $0x9  }
0xb1: {  	_ =	task.clear_ibuf [dreg:s6], $0x5FFFF;
	_ =	strace $0x9000004C  }
0xb2: {  	s29 =	simm.s32 $0x9;
	_ =	strace $0x8000004E  }
0xb3: {  	_ =	swait.ge [sflag:s29], $0x1  }
0xb4: {  	[sflag:s29] =	ssyncadd.s32 $0xFFFFFFFF  }
0xb5: {  	_ =	strace $0x9000004E  }
0xb6: {  	_ =	sfence  }
0xb7: {  	s30 =	sld [smem:$0x0];
	_ =	sdelay $0x2  }
0xb8: {  	s31 =	sshll.u32 s1, $0xD;
	s1 =	sshrl.u32 s1, $0x2  }
0xb9: {  	s3 =	sand.u32 $0x4000, s31;
	s1 =	sadd.s32 s1, s30  }
0xba: {  	s0 =	sor.u32 s3, s0;
	s1 =	sshll.u32 s1, $0x11  }
0xbb: {  	s0 =	sor.u32 s1, s0  }
0xbc: {  	s0 =	sadd.s32 $0x8F2B, s0  }
0xbd: {  	[sflag:s0] =	ssyncadd.remote.s32 $0x1  }
0xbe: {  	_ =	sfence.sel $0xFFFF  }
0xbf: {  	[dreg:$0x0] =	wrdreg $0xFFFFFFFF;
	(pc) =	sbr.abs _section_cstart, $3  }
0xc0: {  	[dreg:$0x1] =	wrdreg $0xFFFFFFFF  }
0xc1: {  	_ =	task.clear_ibuf [dreg:s6], $0x2FFFF;
	_ =	strace $0x9FFFFFFF  }
0xc2: {  	(tm) =	ssettm $0x7FFFFFFF  }
0xc3: {  	_ =	shalt  }
tec
execute0_lowered:
.L_overlay_start_1:
0x0: {  	(tag) =	ssettag $0x1  }
0x1: {  	s0 =	rddreg [dreg:$0x0]  }
0x2: {  	s1 =	rddreg [dreg:$0x1];
	s2 =	simm.s32 $0x0;
	s18 =	srdreg.scid  }
0x3: {  	s5 =	stileid.u32;
	s28 =	simm.s32 $0x7800;
	s29 =	simm.s32 $0x50  }
0x4: {  	s30 =	simm.s32 $0x4F00;
	s31 =	simm.s32 $0x5000;
	[smem:$0x7FF] =	sst s2  }
0x5: {  	s2 =	sand.u32 $0x1, s18;
	s3 =	sadd.s32 $0x82600, s0;
	s8 =	smul.u32 $0x50000, s5  }
0x6: {  	s4 =	sadd.s32 $0xEDE00, s0;
	s6 =	sadd.s32 $0xBE1000, s0;
	s10 =	smul.u32 $0x2710, s5  }
0x7: {  	s7 =	sadd.s32 $0x159600, s0;
	_ =	strace $0x8000004D;
	[dreg:$0x3] =	wrdreg s3  }
0x8: {  	s19 =	smul.u32 $0x27100, s2;
	[dreg:$0x4] =	wrdreg s4;
	s20 =	ssub.s32 $0x2, s2  }
0x9: {  	s11 =	smul.u32 $0xDC0000, s2;
	s2 =	simm.s32 $0x4F80;
	s9 =	sshrl.u32 s20, $0x1  }
0xa: {  	s4 =	simm.s32 $0x0;
	s22 =	sshrl.u32 s8, $0x2;
	s21 =	ssub.s32 s20, s9  }
0xb: {  	s3 =	sadd.s32 s19, s10;
	s9 =	sadd.s32 s22, s1;
	s10 =	smul.u32 $0x14000, s5  }
0xc: {  	[dreg:$0x5] =	wrdreg s3;
	s0 =	smax.u32 s21, $0x1;
	s13 =	sadd.s32 $0x4000, s9  }
0xd: {  	s14 =	sadd.s32 $0x8000, s9;
	s15 =	sadd.s32 $0xC000, s9;
	s17 =	sadd.s32 $0x10000, s9  }
0xe: {  	s21 =	simm.s32 $0x2;
	[dreg:$0x6] =	wrdreg s0;
	s16 =	sadd.s32 $0x4000, s10  }
0xf: {  	s18 =	sadd.s32 $0x8000, s10;
	s19 =	sadd.s32 $0xC000, s10;
	s20 =	sadd.s32 $0x10000, s10  }
0x10: {  	s0 =	simm.s32 $0x1;
	s23 =	sadd.s32 s16, s1;
	s24 =	sadd.s32 s18, s1  }
0x11: {  	s25 =	sadd.s32 s19, s1;
	s26 =	sadd.s32 s20, s1;
	s22 =	sshrl.u32 s23, $0x3  }
0x12: {  	v0 =	vimm.f32 $0.0e+00;
	s23 =	sshrl.u32 s24, $0x3;
	s24 =	sshrl.u32 s25, $0x3;
	s25 =	sshrl.u32 s26, $0x3  }
.LBB2_1:
0x13: {  	s26 =	simm.s32 $0x0  }
0x14: {  	s3 =	sand.u32 $0xFE00, s26  }
0x15: {  	[dreg:$0x7] =	wrdreg s4;
	s4 =	sand.u32 $0x70, s26;
	s12 =	sshrl.u32 s3, $0x2  }
0x16: {  	s26 =	simm.s32 $0x0;
	s3 =	simm.s32 $0x40;
	s4 =	sor.u32 s4, s12  }
.LBB2_2:
0x17: {  	p0 =	sne.s32 s3, $0xFFC0  }
0x18: {  	[tilespmem:s4+$0x7800] =	vst v0;
	s26 =	sadd.s32 $0x10, s26;
	s4 =	smov.u32 s3;
	s3 =	sadd.s32 $0x40, s3  }
.Ltmp0:
0x19: {  	(pc) =	sbr.rel @p0 .LBB2_2-.Ltmp0, $4  }
0x1a: {  	_ = 	snop  }
0x1b: {  	s4 =	sand.u32 $0xFE00, s4  }
0x1c: {  	s12 =	sand.u32 $0x70, s26;
	s4 =	sshrl.u32 s4, $0x2  }
0x1d: {  	s4 =	sor.u32 s12, s4;
	s12 =	simm.s32 $0x0  }
0x1e: {  	[tilespmem:s4+$0x7800] =	vst v0;
	s3 =	simm.s32 $0x0  }
.LBB2_4:
0x1f: {  	s4 =	smul.u32 $0x4E200, s3  }
0x20: {  	s5 =	rddreg [dreg:$0x5]  }
0x21: {  	s4 =	sadd.s32 s4, s5  }
0x22: {  	s26 =	rddreg [dreg:$0x3];
	s4 =	sshrl.u32 s4, $0x3  }
0x23: {  	s26 =	sadd.s32 s26, s4  }
0x24: {  	[tilespmem:s12], [sflag:$0x2] =	stream.linear.gather [hbm4b:s26+s12], $0x2710, $0x38;
	[tilespmem:$0x1F800] =	vst v63  }
0x25: {  	_ =	swait.ge [sflag:s21], $0x2710  }
0x26: {  	[sflag:s21] =	ssyncset.done $0x0;
	s8 =	rddreg [dreg:$0x4]  }
0x27: {  	s26 =	simm.s32 $0x2780;
	[sflag:s21] =	ssyncadd.s32 $0xFFFFD8F0;
	s4 =	sadd.s32 s8, s4  }
0x28: {  	[tilespmem:s26], [sflag:$0x2] =	stream.linear.gather [hbm4b:s4+s12], $0x2710, $0x38;
	[tilespmem:$0x1F800] =	vst v63  }
0x29: {  	_ =	swait.ge [sflag:s21], $0x2710  }
0x2a: {  	[sflag:s21] =	ssyncset.done $0x0  }
0x2b: {  	[sflag:s21] =	ssyncadd.s32 $0xFFFFD8F0  }
0x2c: {  	[spmem:s9] =	stream.linear.scatter [tilespmem:s28], [sflag:$0x2], $0x4000, $0x38;
	[tilespmem:$0x1F800] =	vst v63  }
0x2d: {  	_ =	swait.ge [sflag:s21], $0x4000  }
0x2e: {  	[sflag:s21] =	ssyncset.done $0x0  }
0x2f: {  	[sflag:s21] =	ssyncadd.s32 $0xFFFFC000  }
0x30: {  	[spmem:s13] =	stream.linear.scatter [tilespmem:s28], [sflag:$0x2], $0x4000, $0x38;
	[tilespmem:$0x1F800] =	vst v63  }
0x31: {  	_ =	swait.ge [sflag:s21], $0x4000  }
0x32: {  	[sflag:s21] =	ssyncset.done $0x0  }
0x33: {  	[sflag:s21] =	ssyncadd.s32 $0xFFFFC000  }
0x34: {  	[spmem:s14] =	stream.linear.scatter [tilespmem:s28], [sflag:$0x2], $0x4000, $0x38;
	[tilespmem:$0x1F800] =	vst v63  }
0x35: {  	_ =	swait.ge [sflag:s21], $0x4000  }
0x36: {  	[sflag:s21] =	ssyncset.done $0x0  }
0x37: {  	[sflag:s21] =	ssyncadd.s32 $0xFFFFC000  }
0x38: {  	[spmem:s15] =	stream.linear.scatter [tilespmem:s28], [sflag:$0x2], $0x4000, $0x38;
	[tilespmem:$0x1F800] =	vst v63  }
0x39: {  	_ =	swait.ge [sflag:s21], $0x4000  }
0x3a: {  	[sflag:s21] =	ssyncset.done $0x0  }
0x3b: {  	[sflag:s21] =	ssyncadd.s32 $0xFFFFC000  }
0x3c: {  	[spmem:s17] =	stream.linear.scatter [tilespmem:s28], [sflag:$0x2], $0x4000, $0x38;
	[tilespmem:$0x1F800] =	vst v63  }
0x3d: {  	_ =	swait.ge [sflag:s21], $0x4000  }
0x3e: {  	[sflag:s21] =	ssyncset.done $0x0  }
0x3f: {  	[sflag:s21] =	ssyncadd.s32 $0xFFFFC000  }
0x40: {  	s5 =	simm.s32 $0x0;
	[bflag:$0x0] =	sbarrier.arrive $0xFFFF  }
0x41: {  	v2 =	vld [tilespmem:s5+$0x0]  }
0x42: {  	v3 =	vld [tilespmem:s5+$0x2780];
	_ =	sdelay $0x1  }
0x43: {  	s8 =	smul.u32 $0x2800, s3;
	_ =	sdelay $0x1  }
0x44: {  	v1 =	vmov s8  }
0x45: {  	v2 =	vadd.s32 v1, v2;
	[tilespmem:$0x4F80] =	vst v3  }
0x46: {  	[tilespmem:$0x4F00] =	vst v2  }
0x47: {  	v2 =	vld [tilespmem:s5+$0x10]  }
0x48: {  	v3 =	vld [tilespmem:s5+$0x2790];
	_ =	sdelay $0x4  }
0x49: {  	v2 =	vadd.s32 v1, v2;
	[tilespmem:$0x4F90] =	vst v3  }
0x4a: {  	[tilespmem:$0x4F10] =	vst v2  }
0x4b: {  	v2 =	vld [tilespmem:s5+$0x20]  }
0x4c: {  	v3 =	vld [tilespmem:s5+$0x27A0];
	_ =	sdelay $0x4  }
0x4d: {  	v2 =	vadd.s32 v1, v2;
	[tilespmem:$0x4FA0] =	vst v3  }
0x4e: {  	[tilespmem:$0x4F20] =	vst v2  }
0x4f: {  	v2 =	vld [tilespmem:s5+$0x30]  }
0x50: {  	v3 =	vld [tilespmem:s5+$0x27B0];
	_ =	sdelay $0x4  }
0x51: {  	v2 =	vadd.s32 v1, v2;
	[tilespmem:$0x4FB0] =	vst v3  }
0x52: {  	[tilespmem:$0x4F30] =	vst v2  }
0x53: {  	v2 =	vld [tilespmem:s5+$0x40]  }
0x54: {  	v3 =	vld [tilespmem:s5+$0x27C0];
	_ =	sdelay $0x4  }
0x55: {  	v2 =	vadd.s32 v1, v2;
	[tilespmem:$0x4FC0] =	vst v3  }
0x56: {  	[tilespmem:$0x4F40] =	vst v2  }
0x57: {  	[tilespmem:s31], [sflag:$0x1] =	stream.indirect.gather [hbm4b:s6+s29], $0x80, s30, s29, $0xb8;
	[tilespmem:$0x1F800] =	vst v63  }
0x58: {  	s26 =	simm.s32 $0x140;
	_ =	swait.ge [sflag:s0], $0x2800  }
.LBB2_5:
0x59: {  	p0 =	sne.s32 s26, $0x9B00  }
0x5a: {  	[sflag:s0] =	ssyncset.done $0x0;
	s4 =	smov.u32 s26;
	s26 =	sadd.s32 $0x140, s26  }
0x5b: {  	[sflag:s0] =	ssyncadd.s32 $0xFFFFD800  }
0x5c: {  	[spmem:s1] =	stream.indirect.scatter.add.f32 [tilespmem:s31], [sflag:$0x2], $0x80, s2, s29, $0xb8;
	[tilespmem:$0x1F800] =	vst v63  }
0x5d: {  	_ =	swait.ge [sflag:s21], $0x2800  }
0x5e: {  	[sflag:s21] =	ssyncset.done $0x0  }
0x5f: {  	s4 =	sshra.s32 s4, $0x2;
	[sflag:s21] =	ssyncadd.s32 $0xFFFFD800  }
0x60: {  	v2 =	vld [tilespmem:s4+$0x0]  }
0x61: {  	v3 =	vld [tilespmem:s4+$0x2780];
	_ =	sdelay $0x3  }
0x62: {  	v2 =	vadd.s32 v1, v2  }
0x63: {  	[tilespmem:$0x4F00] =	vst v2  }
0x64: {  	[tilespmem:$0x4F80] =	vst v3  }
0x65: {  	v2 =	vld [tilespmem:s4+$0x10]  }
0x66: {  	v3 =	vld [tilespmem:s4+$0x2790];
	_ =	sdelay $0x3  }
0x67: {  	v2 =	vadd.s32 v1, v2  }
0x68: {  	[tilespmem:$0x4F10] =	vst v2  }
0x69: {  	[tilespmem:$0x4F90] =	vst v3  }
0x6a: {  	v2 =	vld [tilespmem:s4+$0x20]  }
0x6b: {  	v3 =	vld [tilespmem:s4+$0x27A0];
	_ =	sdelay $0x3  }
0x6c: {  	v2 =	vadd.s32 v1, v2  }
0x6d: {  	[tilespmem:$0x4F20] =	vst v2  }
0x6e: {  	[tilespmem:$0x4FA0] =	vst v3  }
0x6f: {  	v2 =	vld [tilespmem:s4+$0x30]  }
0x70: {  	v3 =	vld [tilespmem:s4+$0x27B0];
	_ =	sdelay $0x3  }
0x71: {  	v2 =	vadd.s32 v1, v2  }
0x72: {  	[tilespmem:$0x4F30] =	vst v2  }
0x73: {  	[tilespmem:$0x4FB0] =	vst v3  }
0x74: {  	v2 =	vld [tilespmem:s4+$0x40]  }
0x75: {  	v3 =	vld [tilespmem:s4+$0x27C0];
	_ =	sdelay $0x3  }
.Ltmp1:
0x76: {  	v2 =	vadd.s32 v1, v2;
	(pc) =	sbr.rel @p0 .LBB2_5-.Ltmp1, $4  }
0x77: {  	[tilespmem:$0x4F40] =	vst v2  }
0x78: {  	[tilespmem:$0x4FC0] =	vst v3  }
0x79: {  	[tilespmem:s31], [sflag:$0x1] =	stream.indirect.gather [hbm4b:s6+s29], $0x80, s30, s29, $0xb8;
	[tilespmem:$0x1F800] =	vst v63  }
0x7a: {  	_ =	swait.ge [sflag:s0], $0x2800  }
0x7b: {  	[sflag:s0] =	ssyncset.done $0x0  }
0x7c: {  	s4 =	smul.u32 $0x140000, s3;
	[sflag:s0] =	ssyncadd.s32 $0xFFFFD800  }
0x7d: {  	[spmem:s1] =	stream.indirect.scatter.add.f32 [tilespmem:s31], [sflag:$0x2], $0x80, s2, s29, $0xb8;
	[tilespmem:$0x1F800] =	vst v63  }
0x7e: {  	s5 =	stileid.u32;
	s4 =	sadd.s32 s11, s4;
	_ =	swait.ge [sflag:s21], $0x2800  }
0x7f: {  	s8 =	sshrl.u32 s9, $0x3;
	s26 =	sadd.s32 s10, s4;
	[sflag:s21] =	ssyncset.done $0x0  }
0x80: {  	s5 =	sshll.u32 s5, $0x6;
	s26 =	sshrl.u32 s26, $0x3;
	[sflag:s21] =	ssyncadd.s32 $0xFFFFD800  }
0x81: {  	s5 =	sor.u32 $0x1C02, s5;
	s26 =	sadd.s32 s7, s26;
	[bflag:$0x0] =	sbarrier.arrive $0xFFFF  }
0x82: {  	[hbm:s26], [sflag:s5] =	dma.local [spmem:s8], $0x800  }
0x83: {  	s26 =	sadd.s32 s16, s4;
	_ =	swait.ge [sflag:s21], $0x800  }
0x84: {  	s8 =	sshrl.u32 s26, $0x3;
	[sflag:s21] =	ssyncset.done $0x0  }
0x85: {  	s8 =	sadd.s32 s7, s8;
	[sflag:s21] =	ssyncadd.s32 $0xFFFFF800  }
0x86: {  	[hbm:s8], [sflag:s5] =	dma.local [spmem:s22], $0x800  }
0x87: {  	s26 =	sadd.s32 s18, s4;
	_ =	swait.ge [sflag:s21], $0x800  }
0x88: {  	s8 =	sshrl.u32 s26, $0x3;
	[sflag:s21] =	ssyncset.done $0x0  }
0x89: {  	s8 =	sadd.s32 s7, s8;
	[sflag:s21] =	ssyncadd.s32 $0xFFFFF800  }
0x8a: {  	[hbm:s8], [sflag:s5] =	dma.local [spmem:s23], $0x800  }
0x8b: {  	s26 =	sadd.s32 s19, s4;
	_ =	swait.ge [sflag:s21], $0x800  }
0x8c: {  	s8 =	sshrl.u32 s26, $0x3;
	[sflag:s21] =	ssyncset.done $0x0  }
0x8d: {  	s8 =	sadd.s32 s7, s8;
	[sflag:s21] =	ssyncadd.s32 $0xFFFFF800  }
0x8e: {  	[hbm:s8], [sflag:s5] =	dma.local [spmem:s24], $0x800  }
0x8f: {  	s3 =	sadd.s32 $0x1, s3;
	s4 =	sadd.s32 s20, s4;
	_ =	swait.ge [sflag:s21], $0x800  }
0x90: {  	p0 =	sne.s32 s3, $0xB;
	s4 =	sshrl.u32 s4, $0x3;
	[sflag:s21] =	ssyncset.done $0x0  }
.Ltmp2:
0x91: {  	s4 =	sadd.s32 s7, s4;
	[sflag:s21] =	ssyncadd.s32 $0xFFFFF800;
	(pc) =	sbr.rel @p0 .LBB2_4-.Ltmp2, $4  }
0x92: {  	[hbm:s4], [sflag:s5] =	dma.local [spmem:s25], $0x800  }
0x93: {  	_ =	swait.ge [sflag:s21], $0x800  }
0x94: {  	[sflag:s21] =	ssyncset.done $0x0  }
0x95: {  	[sflag:s21] =	ssyncadd.s32 $0xFFFFF800  }
0x96: {  	s4 =	rddreg [dreg:$0x7]  }
0x97: {  	s3 =	rddreg [dreg:$0x6];
	s4 =	sadd.s32 $0x1, s4  }
0x98: {  	p0 =	sne.s32 s4, s3  }
.Ltmp3:
0x99: {  	_ = 	snop;
	(pc) =	sbr.rel @p0 .LBB2_1-.Ltmp3, $1  }
0x9a: {  	_ =	sdelay $0x3  }
0x9b: {  	_ =	sfence.sel $0x180000  }
0x9c: {  	[bflag:$0x0] =	sbarrier.arrive $0xFFFF  }
0x9d: {  	_ =	strace $0x9000004D  }
0x9e: {  	s0 =	stileid.u32;
	[bflag:$0x2] =	sbarrier.arrive $0xFFFF  }
0x9f: {  	p0 =	sne.s32 s0, $0x0;
	s0 =	rddreg [dreg:$0x2]  }
0xa0: {  	s0 =	sadd.s32 @!p0 $0x100000, s0  }
0xa1: {  	[sflag:s0] =	ssyncadd.tile.s32 @!p0 $0x1;
	_ =	shalt  }
.Lfunc_end2:
_tile_overlayer_lowered:
.L_overlay_start_2:
0xa2: {  	(tag) =	ssettag $0x2  }
0xa3: {  	s0 =	rddreg [dreg:$0x0];
	s2 =	stileid.u32  }
0xa4: {  	s1 =	rddreg [dreg:$0x1];
	p0 =	sne.s32 s2, $0x0  }
0xa5: {  	s3 =	rddreg [dreg:$0x2];
	[bflag:$0x3] =	sbarrier.arrive $0xFFFF;
	s2 =	simm.s32 @!p0 $0x1C02  }
0xa6: {  	[timem:s3], [sflag:s2] =	dma.local @!p0 [hbm:s0], s1  }
0xa7: {  	s0 =	simm.s32 @!p0 $0x2  }
0xa8: {  	_ =	swait.ge @!p0 [sflag:s0], s1  }
0xa9: {  	s1 =	ssub.s32 @!p0 $0x0, s1;
	[sflag:s0] =	ssyncset.done @!p0 $0x0  }
0xaa: {  	[sflag:s0] =	ssyncadd.s32 @!p0 s1  }
0xab: {  	[bflag:$0x3] =	sbarrier.arrive $0xFFFF  }
0xac: {  	_ =	shalt  }

// kernel: kernel.8.cloned.1.call-start
scs
__scs_entry_jumppad:
0x0: {  	(pc) =	sbr.rel $0x88, $3  }
0x1: {  	(tag) =	ssettag $0x0;
	lr =	simm.s32 $0x1  }
0x2: {  	[smem:$0x3F91] =	sst lr;
	_ =	strace $0xD0000000  }
0x3: {  	_ = 	snop  }
0x4: {  	_ = 	snop  }
0x5: {  	_ = 	snop  }
0x6: {  	_ = 	snop  }
0x7: {  	_ = 	snop  }
__scs_overlays_trampoline_lowered:
0x8: {  	[smem:$0x3FA0] =	sst s0  }
0x9: {  	[smem:$0x3FA1] =	sst s1  }
0xa: {  	[smem:$0x3FA2] =	sst s2  }
0xb: {  	[smem:$0x3FA3] =	sst s3  }
0xc: {  	[smem:$0x3FA4] =	sst s4  }
0xd: {  	[smem:$0x3FA5] =	sst s5  }
0xe: {  	[smem:$0x3FA6] =	sst s6  }
0xf: {  	[smem:$0x3FA7] =	sst s7  }
0x10: {  	[smem:$0x3FA8] =	sst s8  }
0x11: {  	[smem:$0x3FA9] =	sst s9;
	s0 =	simm.s32 @!p0 $0x0  }
0x12: {  	s1 =	sld [smem:$0x3F8F];
	s0 =	simm.s32 @p0 $0x1  }
0x13: {  	[smem:$0x3FAA] =	sst s0;
	s0 =	simm.s32 @!p1 $0x0  }
0x14: {  	s2 =	sld [smem:$0x3F8E];
	s0 =	simm.s32 @p1 $0x1  }
0x15: {  	[smem:$0x3FAB] =	sst s0;
	s0 =	simm.s32 @!p2 $0x0  }
0x16: {  	s3 =	sld [smem:$0x3FDB];
	s0 =	simm.s32 @p2 $0x1  }
0x17: {  	s4 =	simm.s32 $0x1BF5;
	[smem:$0x3FAD] =	sst s0  }
0x18: {  	s0 =	sld [smem:$0x3F90];
	_ =	swait.ge [sflag:s4], $0x0  }
0x19: {  	s7 =	sld [smem:$0x3F91]  }
0x1a: {  	s8 =	sadd.s32 $0xFFFFE003, lr  }
0x1b: {  	s9 =	sadd.s32 $0xFFFFFEF7, lr;
	s5 =	simm.s32 $0xFFFFFFFF;
	p2 =	slt.u32 s8, $0xFFFFF086  }
0x1c: {  	p1 =	slt.u32 s9, $0xF7A;
	s5 =	simm.s32 @!p2 $0x0  }
0x1d: {  	s5 =	simm.s32 @p1 $0x1;
	p0 =	seq.s32 s7, s2  }
0x1e: {  	s7 =	smul.u32 @!p0 $0xF7A, s2;
	p2 =	seq.s32 @!p0 s5, $0x0  }
0x1f: {  	s9 =	smul.u32 $0xF7A, s1;
	s8 =	simm.s32 @!p0 $0x1BF5;
	p2 =	por !p2, p0  }
0x20: {  	[sflag:s8] =	ssyncset.s32 @!p0 $0xFFFFF086;
	s6 =	sadd.s32 @!p0 s3, s7;
	s7 =	simm.s32 @!p0 $0x108  }
0x21: {  	s3 =	sadd.s32 s3, s9;
	s6 =	sadd.s32 @!p0 $0x88, s6;
	s7 =	simm.s32 @p2 $0x1082  }
0x22: {  	[simem:s7], [sflag:s8] =	dma.local @!p0 [hbm:s6], $0xF7A  }
0x23: {  	s9 =	sor.u32 $0xD0000000, s2;
	s6 =	simm.s32 $0x108;
	_ =	swait.ge @!p0 [sflag:s8], $0x0  }
0x24: {  	s3 =	sadd.s32 $0x88, s3;
	s6 =	simm.s32 @!p1 $0x1082;
	[sflag:s4] =	ssyncset.s32 $0xFFFFF086  }
0x25: {  	[simem:s6], [sflag:s4] =	dma.local [hbm:s3], $0xF7A  }
0x26: {  	[smem:$0x3F91] =	sst s1;
	(tag) =	ssettag s2;
	_ =	strace s9  }
0x27: {  	s1 =	sld [smem:$0x3FA1]  }
0x28: {  	s2 =	sld [smem:$0x3FA2]  }
0x29: {  	s4 =	sld [smem:$0x3FA4]  }
0x2a: {  	p0 =	seq.s32 s5, $0x0;
	s5 =	sld [smem:$0x3FA5]  }
0x2b: {  	s6 =	sld [smem:$0x3FA6]  }
0x2c: {  	s7 =	sld [smem:$0x3FA7]  }
0x2d: {  	s3 =	simm.s32 $0x108;
	s8 =	sld [smem:$0x3FA8]  }
0x2e: {  	s3 =	simm.s32 @!p0 $0x1082;
	s9 =	sld [smem:$0x3FA9]  }
0x2f: {  	lr =	sadd.s32 s0, s3;
	s0 =	sld [smem:$0x3FA0]  }
0x30: {  	s3 =	sld [smem:$0x3FA3]  }
0x31: {  	[smem:$0x3FAC] =	sst s10  }
0x32: {  	s10 =	sld [smem:$0x3FAA];
	_ =	sdelay $0x3  }
0x33: {  	p0 =	seq.s32 s10, $0x1;
	s10 =	sld [smem:$0x3FAC];
	_ =	sdelay $0x3  }
0x34: {  	[smem:$0x3FAC] =	sst s10  }
0x35: {  	s10 =	sld [smem:$0x3FAB];
	_ =	sdelay $0x3  }
0x36: {  	p1 =	seq.s32 s10, $0x1;
	s10 =	sld [smem:$0x3FAC];
	_ =	sdelay $0x3  }
0x37: {  	[smem:$0x3FAC] =	sst s10  }
0x38: {  	s10 =	sld [smem:$0x3FAD]  }
0x39: {  	_ = 	snop;
	(pc) =	sbr.ind lr, $3  }
0x3a: {  	_ = 	snop  }
0x3b: {  	_ = 	snop  }
0x3c: {  	p2 =	seq.s32 s10, $0x1;
	s10 =	sld [smem:$0x3FAC]  }
0x3d: {  	_ =	shalt  }
0x3e: {  	_ =	shalt  }
0x3f: {  	_ =	shalt  }
0x40: {  	_ =	shalt  }
0x41: {  	_ =	shalt  }
0x42: {  	_ =	shalt  }
0x43: {  	_ =	shalt  }
0x44: {  	_ =	shalt  }
0x45: {  	_ =	shalt  }
0x46: {  	_ =	shalt  }
0x47: {  	_ =	shalt  }
0x48: {  	_ =	shalt  }
0x49: {  	_ =	shalt  }
0x4a: {  	_ =	shalt  }
0x4b: {  	_ =	shalt  }
0x4c: {  	_ =	shalt  }
0x4d: {  	_ =	shalt  }
0x4e: {  	_ =	shalt  }
0x4f: {  	_ =	shalt  }
0x50: {  	_ =	shalt  }
0x51: {  	_ =	shalt  }
0x52: {  	_ =	shalt  }
0x53: {  	_ =	shalt  }
0x54: {  	_ =	shalt  }
0x55: {  	_ =	shalt  }
0x56: {  	_ =	shalt  }
0x57: {  	_ =	shalt  }
0x58: {  	_ =	shalt  }
0x59: {  	_ =	shalt  }
0x5a: {  	_ =	shalt  }
0x5b: {  	_ =	shalt  }
0x5c: {  	_ =	shalt  }
0x5d: {  	_ =	shalt  }
0x5e: {  	_ =	shalt  }
0x5f: {  	_ =	shalt  }
0x60: {  	_ =	shalt  }
0x61: {  	_ =	shalt  }
0x62: {  	_ =	shalt  }
0x63: {  	_ =	shalt  }
0x64: {  	_ =	shalt  }
0x65: {  	_ =	shalt  }
0x66: {  	_ =	shalt  }
0x67: {  	_ =	shalt  }
0x68: {  	_ =	shalt  }
0x69: {  	_ =	shalt  }
0x6a: {  	_ =	shalt  }
0x6b: {  	_ =	shalt  }
0x6c: {  	_ =	shalt  }
0x6d: {  	_ =	shalt  }
0x6e: {  	_ =	shalt  }
0x6f: {  	_ =	shalt  }
0x70: {  	_ =	shalt  }
0x71: {  	_ =	shalt  }
0x72: {  	_ =	shalt  }
0x73: {  	_ =	shalt  }
0x74: {  	_ =	shalt  }
0x75: {  	_ =	shalt  }
0x76: {  	_ =	shalt  }
0x77: {  	_ =	shalt  }
0x78: {  	_ =	shalt  }
0x79: {  	_ =	shalt  }
0x7a: {  	_ =	shalt  }
0x7b: {  	_ =	shalt  }
0x7c: {  	_ =	shalt  }
0x7d: {  	_ =	shalt  }
0x7e: {  	_ =	shalt  }
0x7f: {  	_ =	shalt  }
0x80: {  	_ =	shalt  }
0x81: {  	_ =	shalt  }
0x82: {  	_ =	shalt  }
0x83: {  	_ =	shalt  }
0x84: {  	_ =	shalt  }
0x85: {  	_ =	shalt  }
0x86: {  	_ =	shalt  }
0x87: {  	_ =	shalt  }
.Lfunc_end0:
.L_simem_size_0:
called_computation_lowered:
.L_overlay_start_0:
0x88: {  	s2 =	sld [smem:$0x3FD9]  }
0x89: {  	s3 =	sld [smem:$0x3FFE];
	_ =	sdelay $0x1  }
0x8a: {  	s1 =	srdreg.scid  }
0x8b: {  	s0 =	sand.u32 $0x1, s1  }
0x8c: {  	s16 =	sshll.u32 s0, $0xA;
	s2 =	sadd.s32 s3, s2  }
0x8d: {  	s2 =	sadd.s32 s2, s16  }
0x8e: {  	[smem:$0x3FB8] =	sst s2  }
0x8f: {  	_ = 	snop  }
0x90: {  	(tm) =	ssettm $0x1  }
0x91: {  	s17 =	sld [smem:$0x3FFB];
	_ =	sdelay $0x3  }
0x92: {  	_ =	strace s17  }
0x93: {  	s2 =	sld [smem:$0x3FFC];
	_ =	sdelay $0x3  }
0x94: {  	_ =	strace s2  }
0x95: {  	s2 =	sld [smem:$0x3FFD];
	_ =	sdelay $0x3  }
0x96: {  	_ =	strace s2  }
0x97: {  	_ =	strace $0x8FFFFFFF  }
0x98: {  	s18 =	sld [smem:$0x3FDB];
	_ =	sdelay $0x1  }
0x99: {  	s19 =	simm.s32 $_scs_section_size  }
0x9a: {  	s4 =	simm.s32 $_size__tile_overlayer_lowered;
	s5 =	simm.s32 $_tile_overlayer_lowered  }
0x9b: {  	s22 =	simm.s32 $0x1BFF;
	s21 =	sshll.u32 s5, $0x1;
	s2 =	sadd.s32 s19, s18  }
0x9c: {  	s6 =	simm.s32 $0x0;
	s20 =	sshll.u32 s4, $0x1;
	s4 =	sadd.s32 s21, s2  }
0x9d: {  	[timem:s6], [sflag:s22] =	dma.local [hbm:s4], s20  }
0x9e: {  	_ =	swait.ge [sflag:s22], s20  }
0x9f: {  	s3 =	ssub.s32 $0x0, s20;
	[sflag:s22] =	ssyncset.done $0x0  }
0xa0: {  	[sflag:s22] =	ssyncadd.s32 s3;
	_ =	sdelay $0x1  }
0xa1: {  	s23 =	simm.s32 $0x1B8B  }
0xa2: {  	_ =	swait.ge [sflag:s23], $0x1  }
0xa3: {  	[sflag:s23] =	ssyncset.done $0x0  }
0xa4: {  	s25 =	simm.s32 $0x1B8E;
	s24 =	sld [smem:$0x3FFE];
	[sflag:s23] =	ssyncadd.s32 $0xFFFFFFFF  }
0xa5: {  	s26 =	simm.s32 $execute0_lowered;
	[smem:$0x3FD2] =	sst s25  }
0xa6: {  	s4 =	sshll.u32 s26, $0x1;
	_ =	strace $0x80000046;
	[dreg:$0x1] =	wrdreg $0xFFFFFFFF  }
0xa7: {  	s28 =	simm.s32 $_size_execute0_lowered;
	s2 =	sadd.s32 s2, s4;
	[dreg:$0x0] =	wrdreg $0x0  }
0xa8: {  	s4 =	sshll.u32 s28, $0x1;
	[dreg:$0x2] =	wrdreg s2  }
0xa9: {  	[dreg:$0x3] =	wrdreg s4  }
0xaa: {  	[dreg:$0x4] =	wrdreg $0xC0  }
0xab: {  	_ =	task [dreg:s6], $0x5FFFF  }
0xac: {  	[dreg:$0x1] =	wrdreg $0xFFFFFFFF  }
0xad: {  	[dreg:$0x0] =	wrdreg $0x60  }
0xae: {  	[dreg:$0x2] =	wrdreg s24  }
0xaf: {  	[dreg:$0x3] =	wrdreg $0x9  }
0xb0: {  	_ =	task.clear_ibuf [dreg:s6], $0x4FFFF;
	_ =	strace $0x90000046  }
0xb1: {  	s29 =	simm.s32 $0x9;
	_ =	strace $0x80000048  }
0xb2: {  	_ =	swait.ge [sflag:s29], $0x1  }
0xb3: {  	[sflag:s29] =	ssyncadd.s32 $0xFFFFFFFF  }
0xb4: {  	_ =	strace $0x90000048  }
0xb5: {  	_ =	sfence  }
0xb6: {  	s30 =	sld [smem:$0x0];
	_ =	sdelay $0x2  }
0xb7: {  	s31 =	sshll.u32 s1, $0xD;
	s1 =	sshrl.u32 s1, $0x2  }
0xb8: {  	s3 =	sand.u32 $0x4000, s31;
	s1 =	sadd.s32 s1, s30  }
0xb9: {  	s0 =	sor.u32 s3, s0;
	s1 =	sshll.u32 s1, $0x11  }
0xba: {  	s0 =	sor.u32 s1, s0  }
0xbb: {  	s0 =	sadd.s32 $0x8F2B, s0  }
0xbc: {  	[sflag:s0] =	ssyncadd.remote.s32 $0x1  }
0xbd: {  	_ =	sfence.sel $0xFFFF  }
0xbe: {  	[dreg:$0x0] =	wrdreg $0xFFFFFFFF;
	(pc) =	sbr.abs _section_cstart, $3  }
0xbf: {  	[dreg:$0x1] =	wrdreg $0xFFFFFFFF  }
0xc0: {  	_ =	task.clear_ibuf [dreg:s6], $0x2FFFF;
	_ =	strace $0x9FFFFFFF  }
0xc1: {  	(tm) =	ssettm $0x7FFFFFFF  }
tec
execute0_lowered:
.L_overlay_start_1:
0x0: {  	(tag) =	ssettag $0x1  }
0x1: {  	s0 =	rddreg [dreg:$0x0];
	s2 =	simm.s32 $0x0;
	s4 =	stileid.u32  }
0x2: {  	s1 =	srdreg.scid;
	s11 =	simm.s32 $0x2;
	s12 =	simm.s32 $0x50  }
0x3: {  	s13 =	simm.s32 $0x1;
	s15 =	simm.s32 $0x3700;
	s16 =	simm.s32 $0x3980  }
0x4: {  	s17 =	simm.s32 $0x3750;
	s18 =	simm.s32 $0x39D0;
	s19 =	simm.s32 $0x37A0  }
0x5: {  	s20 =	simm.s32 $0x3A20;
	s21 =	simm.s32 $0x37F0;
	s22 =	simm.s32 $0x3A70  }
0x6: {  	s23 =	simm.s32 $0x3840;
	s24 =	simm.s32 $0x3AC0;
	s28 =	simm.s32 $0x38E0  }
0x7: {  	s29 =	simm.s32 $0x3B60;
	s30 =	simm.s32 $0x3930;
	s31 =	simm.s32 $0x3BB0  }
0x8: {  	[smem:$0x7FF] =	sst s2;
	s6 =	sadd.s32 $0x8E00, s0;
	s5 =	smul.u32 $0x370, s4  }
0x9: {  	s1 =	sand.u32 $0x1, s1;
	s3 =	sadd.s32 $0x2200, s0;
	s7 =	smul.u32 $0x50, s4  }
0xa: {  	s4 =	sadd.s32 $0x5800, s0;
	_ =	strace $0x80000047;
	s8 =	ssub.s32 $0x2, s1  }
0xb: {  	p0 =	seq.s32 s1, $0x1;
	s9 =	sadd.s32 s5, s0;
	s10 =	sshrl.u32 s8, $0x1  }
.Ltmp0:
0xc: {  	s0 =	sadd.s32 s7, s0;
	s5 =	sadd.s32 s6, s5;
	(pc) =	sbr.rel .LBB2_1-.Ltmp0, $4  }
0xd: {  	s8 =	ssub.s32 s8, s10;
	[dreg:$0x2] =	wrdreg s5;
	s25 =	sadd.s32 $0xFE00, s9  }
0xe: {  	s26 =	sadd.s32 $0x13600, s9;
	s9 =	sadd.s32 $0xC600, s0;
	[dreg:$0x3] =	wrdreg s25  }
0xf: {  	s10 =	sadd.s32 s7, s6;
	s0 =	simm.s32 $0x0;
	[dreg:$0x4] =	wrdreg s26  }
0x10: {  	s8 =	smax.u32 s8, $0x1;
	s25 =	simm.s32 $0x3890;
	s26 =	simm.s32 $0x3B10  }
.LBB2_9:
0x11: {  	s1 =	sadd.s32 $0x1B80, s14;
	[sflag:s13] =	ssyncadd.s32 $0xFFFFFFB0  }
0x12: {  	[tilespmem:s1], [sflag:$0x1] =	stream.indirect.gather [hbm4b:s4+s12], $0x1, s14, s12, $0xb8;
	[tilespmem:$0x3C00] =	vst v63  }
0x13: {  	s7 =	sadd.s32 $0x1BD0, s14;
	s5 =	sadd.s32 $0x50, s14  }
0x14: {  	[tilespmem:s7], [sflag:$0x1] =	stream.indirect.gather [hbm4b:s4+s12], $0x1, s5, s12, $0xb8;
	[tilespmem:$0x3C00] =	vst v63  }
0x15: {  	s6 =	sadd.s32 $0x1C20, s14;
	s7 =	sadd.s32 $0xA0, s14  }
0x16: {  	[tilespmem:s6], [sflag:$0x1] =	stream.indirect.gather [hbm4b:s4+s12], $0x1, s7, s12, $0xb8;
	[tilespmem:$0x3C00] =	vst v63  }
0x17: {  	s6 =	sadd.s32 $0x1C70, s14;
	s7 =	sadd.s32 $0xF0, s14  }
0x18: {  	[tilespmem:s6], [sflag:$0x1] =	stream.indirect.gather [hbm4b:s4+s12], $0x1, s7, s12, $0xb8;
	[tilespmem:$0x3C00] =	vst v63  }
0x19: {  	s6 =	sadd.s32 $0x1CC0, s14;
	s7 =	sadd.s32 $0x140, s14  }
0x1a: {  	[tilespmem:s6], [sflag:$0x1] =	stream.indirect.gather [hbm4b:s4+s12], $0x1, s7, s12, $0xb8;
	[tilespmem:$0x3C00] =	vst v63  }
0x1b: {  	s6 =	sadd.s32 $0x1D10, s14;
	s7 =	sadd.s32 $0x190, s14  }
0x1c: {  	[tilespmem:s6], [sflag:$0x1] =	stream.indirect.gather [hbm4b:s4+s12], $0x1, s7, s12, $0xb8;
	[tilespmem:$0x3C00] =	vst v63  }
0x1d: {  	s6 =	sadd.s32 $0x1D60, s14;
	s7 =	sadd.s32 $0x1E0, s14  }
0x1e: {  	[tilespmem:s6], [sflag:$0x1] =	stream.indirect.gather [hbm4b:s4+s12], $0x1, s7, s12, $0xb8;
	[tilespmem:$0x3C00] =	vst v63  }
0x1f: {  	s5 =	sadd.s32 $0x1DB0, s14;
	s6 =	sadd.s32 $0x230, s14  }
0x20: {  	[tilespmem:s5], [sflag:$0x1] =	stream.indirect.gather [hbm4b:s4+s12], $0x1, s6, s12, $0xb8;
	[tilespmem:$0x3C00] =	vst v63  }
0x21: {  	_ =	swait.ge [sflag:s13], $0x50  }
0x22: {  	[sflag:s13] =	ssyncset.done $0x0  }
0x23: {  	[sflag:s13] =	ssyncadd.s32 $0xFFFFFFB0  }
0x24: {  	_ =	swait.ge [sflag:s13], $0x50  }
0x25: {  	[sflag:s13] =	ssyncset.done $0x0  }
0x26: {  	[sflag:s13] =	ssyncadd.s32 $0xFFFFFFB0  }
0x27: {  	_ =	swait.ge [sflag:s13], $0x50  }
0x28: {  	[sflag:s13] =	ssyncset.done $0x0  }
0x29: {  	[sflag:s13] =	ssyncadd.s32 $0xFFFFFFB0  }
0x2a: {  	_ =	swait.ge [sflag:s13], $0x50  }
0x2b: {  	[sflag:s13] =	ssyncset.done $0x0  }
0x2c: {  	[sflag:s13] =	ssyncadd.s32 $0xFFFFFFB0  }
0x2d: {  	_ =	swait.ge [sflag:s13], $0x50  }
0x2e: {  	[sflag:s13] =	ssyncset.done $0x0  }
0x2f: {  	[sflag:s13] =	ssyncadd.s32 $0xFFFFFFB0  }
0x30: {  	_ =	swait.ge [sflag:s13], $0x50  }
0x31: {  	[sflag:s13] =	ssyncset.done $0x0  }
0x32: {  	[sflag:s13] =	ssyncadd.s32 $0xFFFFFFB0  }
0x33: {  	_ =	swait.ge [sflag:s13], $0x50  }
0x34: {  	[sflag:s13] =	ssyncset.done $0x0  }
0x35: {  	[sflag:s13] =	ssyncadd.s32 $0xFFFFFFB0  }
0x36: {  	_ =	swait.ge [sflag:s13], $0x50  }
0x37: {  	[sflag:s13] =	ssyncset.done $0x0  }
0x38: {  	s14 =	simm.s32 $0x1B80;
	s7 =	rddreg [dreg:$0x4];
	[sflag:s13] =	ssyncadd.s32 $0xFFFFFFB0  }
0x39: {  	[hbm4b:s7+s2] =	stream.linear.scatter [tilespmem:s14], [sflag:$0x2], $0x1B80, $0x38;
	[tilespmem:$0x3C00] =	vst v63  }
0x3a: {  	_ =	swait.ge [sflag:s11], $0x1B80  }
0x3b: {  	[sflag:s11] =	ssyncset.done $0x0  }
0x3c: {  	[sflag:s11] =	ssyncadd.s32 $0xFFFFE480  }
.LBB2_10:
0x3d: {  	s0 =	sadd.s32 $0x1, s0  }
0x3e: {  	p1 =	sne.s32 s0, s8  }
.Ltmp1:
0x3f: {  	_ = 	snop;
	(pc) =	sbr.rel @!p1 .LBB2_11-.Ltmp1, $1  }
0x40: {  	_ =	sdelay $0x3  }
.LBB2_1:
.Ltmp2:
0x41: {  	s1 =	rddreg [dreg:$0x2];
	(pc) =	sbr.rel @!p0 .LBB2_2-.Ltmp2, $4  }
0x42: {  	[tilespmem:s2], [sflag:$0x2] =	stream.linear.gather [hbm4b:s1+s2], $0x1B80, $0x38;
	[tilespmem:$0x3C00] =	vst v63  }
0x43: {  	_ =	swait.ge [sflag:s11], $0x1B80  }
0x44: {  	[sflag:s11] =	ssyncset.done $0x0  }
0x45: {  	s1 =	simm.s32 $0x0;
	[sflag:s11] =	ssyncadd.s32 $0xFFFFE480  }
0x46: {  	s5 =	simm.s32 $0x1B80  }
0x47: {  	[tilespmem:s5], [sflag:$0x1] =	stream.indirect.gather [hbm4b:s4+s12], $0x1, s1, s12, $0xb8;
	[tilespmem:$0x3C00] =	vst v63  }
0x48: {  	s7 =	simm.s32 $0x1BD0;
	s14 =	simm.s32 $0x50  }
0x49: {  	[tilespmem:s7], [sflag:$0x1] =	stream.indirect.gather [hbm4b:s4+s12], $0x1, s14, s12, $0xb8;
	[tilespmem:$0x3C00] =	vst v63  }
0x4a: {  	s6 =	simm.s32 $0xA0;
	s5 =	simm.s32 $0x1C20  }
0x4b: {  	[tilespmem:s5], [sflag:$0x1] =	stream.indirect.gather [hbm4b:s4+s12], $0x1, s6, s12, $0xb8;
	[tilespmem:$0x3C00] =	vst v63  }
0x4c: {  	s7 =	simm.s32 $0x1C70;
	s14 =	simm.s32 $0xF0  }
0x4d: {  	[tilespmem:s7], [sflag:$0x1] =	stream.indirect.gather [hbm4b:s4+s12], $0x1, s14, s12, $0xb8;
	[tilespmem:$0x3C00] =	vst v63  }
0x4e: {  	s5 =	simm.s32 $0x1CC0;
	s6 =	simm.s32 $0x140  }
0x4f: {  	[tilespmem:s5], [sflag:$0x1] =	stream.indirect.gather [hbm4b:s4+s12], $0x1, s6, s12, $0xb8;
	[tilespmem:$0x3C00] =	vst v63  }
0x50: {  	s7 =	simm.s32 $0x1D10;
	s14 =	simm.s32 $0x190  }
0x51: {  	[tilespmem:s7], [sflag:$0x1] =	stream.indirect.gather [hbm4b:s4+s12], $0x1, s14, s12, $0xb8;
	[tilespmem:$0x3C00] =	vst v63  }
0x52: {  	s5 =	simm.s32 $0x1D60;
	s6 =	simm.s32 $0x1E0  }
0x53: {  	[tilespmem:s5], [sflag:$0x1] =	stream.indirect.gather [hbm4b:s4+s12], $0x1, s6, s12, $0xb8;
	[tilespmem:$0x3C00] =	vst v63  }
0x54: {  	s7 =	simm.s32 $0x1DB0;
	s14 =	simm.s32 $0x230  }
0x55: {  	[tilespmem:s7], [sflag:$0x1] =	stream.indirect.gather [hbm4b:s4+s12], $0x1, s14, s12, $0xb8;
	[tilespmem:$0x3C00] =	vst v63  }
0x56: {  	_ =	swait.ge [sflag:s13], $0x50  }
0x57: {  	[sflag:s13] =	ssyncset.done $0x0  }
0x58: {  	[sflag:s13] =	ssyncadd.s32 $0xFFFFFFB0  }
0x59: {  	_ =	swait.ge [sflag:s13], $0x50  }
0x5a: {  	[sflag:s13] =	ssyncset.done $0x0  }
0x5b: {  	[sflag:s13] =	ssyncadd.s32 $0xFFFFFFB0  }
0x5c: {  	_ =	swait.ge [sflag:s13], $0x50  }
0x5d: {  	[sflag:s13] =	ssyncset.done $0x0  }
0x5e: {  	[sflag:s13] =	ssyncadd.s32 $0xFFFFFFB0  }
0x5f: {  	_ =	swait.ge [sflag:s13], $0x50  }
0x60: {  	[sflag:s13] =	ssyncset.done $0x0  }
0x61: {  	[sflag:s13] =	ssyncadd.s32 $0xFFFFFFB0  }
0x62: {  	_ =	swait.ge [sflag:s13], $0x50  }
0x63: {  	[sflag:s13] =	ssyncset.done $0x0  }
0x64: {  	[sflag:s13] =	ssyncadd.s32 $0xFFFFFFB0  }
0x65: {  	_ =	swait.ge [sflag:s13], $0x50  }
0x66: {  	[sflag:s13] =	ssyncset.done $0x0  }
0x67: {  	[sflag:s13] =	ssyncadd.s32 $0xFFFFFFB0  }
0x68: {  	_ =	swait.ge [sflag:s13], $0x50  }
0x69: {  	[sflag:s13] =	ssyncset.done $0x0  }
0x6a: {  	[sflag:s13] =	ssyncadd.s32 $0xFFFFFFB0  }
0x6b: {  	_ =	swait.ge [sflag:s13], $0x50  }
0x6c: {  	s7 =	simm.s32 $0x1400;
	s14 =	simm.s32 $0x280;
	[sflag:s13] =	ssyncset.done $0x0  }
.LBB2_8:
0x6d: {  	s5 =	sadd.s32 $0x1B80, s14  }
0x6e: {  	[sflag:s13] =	ssyncadd.s32 $0xFFFFFFB0;
	s6 =	smov.u32 s7;
	s1 =	sadd.s32 $0xA00, s7  }
0x6f: {  	[tilespmem:s5], [sflag:$0x1] =	stream.indirect.gather [hbm4b:s4+s12], $0x1, s14, s12, $0xb8;
	[tilespmem:$0x3C00] =	vst v63  }
0x70: {  	p1 =	sne.s32 s7, $0x6400;
	s7 =	sadd.s32 $0x50, s14;
	s5 =	sadd.s32 $0x1BD0, s14  }
0x71: {  	[tilespmem:s5], [sflag:$0x1] =	stream.indirect.gather [hbm4b:s4+s12], $0x1, s7, s12, $0xb8;
	[tilespmem:$0x3C00] =	vst v63  }
0x72: {  	s5 =	sadd.s32 $0x1C20, s14;
	s7 =	sadd.s32 $0xA0, s14  }
0x73: {  	[tilespmem:s5], [sflag:$0x1] =	stream.indirect.gather [hbm4b:s4+s12], $0x1, s7, s12, $0xb8;
	[tilespmem:$0x3C00] =	vst v63  }
0x74: {  	s5 =	sadd.s32 $0x1C70, s14;
	s7 =	sadd.s32 $0xF0, s14  }
0x75: {  	[tilespmem:s5], [sflag:$0x1] =	stream.indirect.gather [hbm4b:s4+s12], $0x1, s7, s12, $0xb8;
	[tilespmem:$0x3C00] =	vst v63  }
0x76: {  	s5 =	sadd.s32 $0x1CC0, s14;
	s7 =	sadd.s32 $0x140, s14  }
0x77: {  	[tilespmem:s5], [sflag:$0x1] =	stream.indirect.gather [hbm4b:s4+s12], $0x1, s7, s12, $0xb8;
	[tilespmem:$0x3C00] =	vst v63  }
0x78: {  	s5 =	sadd.s32 $0x1D10, s14;
	s7 =	sadd.s32 $0x190, s14  }
0x79: {  	[tilespmem:s5], [sflag:$0x1] =	stream.indirect.gather [hbm4b:s4+s12], $0x1, s7, s12, $0xb8;
	[tilespmem:$0x3C00] =	vst v63  }
0x7a: {  	s5 =	sadd.s32 $0x1D60, s14;
	s7 =	sadd.s32 $0x1E0, s14  }
0x7b: {  	[tilespmem:s5], [sflag:$0x1] =	stream.indirect.gather [hbm4b:s4+s12], $0x1, s7, s12, $0xb8;
	[tilespmem:$0x3C00] =	vst v63  }
0x7c: {  	s5 =	sadd.s32 $0x1DB0, s14;
	s7 =	sadd.s32 $0x230, s14  }
0x7d: {  	[tilespmem:s5], [sflag:$0x1] =	stream.indirect.gather [hbm4b:s4+s12], $0x1, s7, s12, $0xb8;
	[tilespmem:$0x3C00] =	vst v63  }
0x7e: {  	_ =	swait.ge [sflag:s13], $0x50  }
0x7f: {  	[sflag:s13] =	ssyncset.done $0x0  }
0x80: {  	[sflag:s13] =	ssyncadd.s32 $0xFFFFFFB0  }
0x81: {  	_ =	swait.ge [sflag:s13], $0x50  }
0x82: {  	[sflag:s13] =	ssyncset.done $0x0  }
0x83: {  	[sflag:s13] =	ssyncadd.s32 $0xFFFFFFB0  }
0x84: {  	_ =	swait.ge [sflag:s13], $0x50  }
0x85: {  	[sflag:s13] =	ssyncset.done $0x0  }
0x86: {  	[sflag:s13] =	ssyncadd.s32 $0xFFFFFFB0  }
0x87: {  	_ =	swait.ge [sflag:s13], $0x50  }
0x88: {  	[sflag:s13] =	ssyncset.done $0x0  }
0x89: {  	[sflag:s13] =	ssyncadd.s32 $0xFFFFFFB0  }
0x8a: {  	_ =	swait.ge [sflag:s13], $0x50  }
0x8b: {  	[sflag:s13] =	ssyncset.done $0x0  }
0x8c: {  	[sflag:s13] =	ssyncadd.s32 $0xFFFFFFB0  }
0x8d: {  	_ =	swait.ge [sflag:s13], $0x50  }
0x8e: {  	[sflag:s13] =	ssyncset.done $0x0  }
0x8f: {  	[sflag:s13] =	ssyncadd.s32 $0xFFFFFFB0  }
.Ltmp3:
0x90: {  	_ =	swait.ge [sflag:s13], $0x50;
	(pc) =	sbr.rel @p1 .LBB2_8-.Ltmp3, $4  }
0x91: {  	[sflag:s13] =	ssyncset.done $0x0  }
0x92: {  	[sflag:s13] =	ssyncadd.s32 $0xFFFFFFB0  }
0x93: {  	_ =	swait.ge [sflag:s13], $0x50  }
0x94: {  	s14 =	sshra.s32 s6, $0x2;
	s7 =	smov.u32 s1;
	[sflag:s13] =	ssyncset.done $0x0  }
.Ltmp4:
0x95: {  	_ = 	snop;
	(pc) =	sbr.rel .LBB2_9-.Ltmp4, $1  }
0x96: {  	_ =	sdelay $0x3  }
.LBB2_2:
0x97: {  	s6 =	simm.s32 $0x1B80  }
0x98: {  	[tilespmem:s6], [sflag:$0x1] =	stream.indirect.gather [hbm4b:s3+s12], $0x1, s1, s12, $0xb8;
	[tilespmem:$0x3C00] =	vst v63  }
0x99: {  	s7 =	simm.s32 $0x50;
	s6 =	simm.s32 $0x1BD0  }
0x9a: {  	[tilespmem:s6], [sflag:$0x1] =	stream.indirect.gather [hbm4b:s3+s12], $0x1, s7, s12, $0xb8;
	[tilespmem:$0x3C00] =	vst v63  }
0x9b: {  	s14 =	simm.s32 $0x1C20;
	s5 =	simm.s32 $0xA0  }
0x9c: {  	[tilespmem:s14], [sflag:$0x1] =	stream.indirect.gather [hbm4b:s3+s12], $0x1, s5, s12, $0xb8;
	[tilespmem:$0x3C00] =	vst v63  }
0x9d: {  	s6 =	simm.s32 $0x1C70;
	s7 =	simm.s32 $0xF0  }
0x9e: {  	[tilespmem:s6], [sflag:$0x1] =	stream.indirect.gather [hbm4b:s3+s12], $0x1, s7, s12, $0xb8;
	[tilespmem:$0x3C00] =	vst v63  }
0x9f: {  	s14 =	simm.s32 $0x1CC0;
	s5 =	simm.s32 $0x140  }
0xa0: {  	[tilespmem:s14], [sflag:$0x1] =	stream.indirect.gather [hbm4b:s3+s12], $0x1, s5, s12, $0xb8;
	[tilespmem:$0x3C00] =	vst v63  }
0xa1: {  	s6 =	simm.s32 $0x1D10;
	s7 =	simm.s32 $0x190  }
0xa2: {  	[tilespmem:s6], [sflag:$0x1] =	stream.indirect.gather [hbm4b:s3+s12], $0x1, s7, s12, $0xb8;
	[tilespmem:$0x3C00] =	vst v63  }
0xa3: {  	s14 =	simm.s32 $0x1D60;
	s5 =	simm.s32 $0x1E0  }
0xa4: {  	[tilespmem:s14], [sflag:$0x1] =	stream.indirect.gather [hbm4b:s3+s12], $0x1, s5, s12, $0xb8;
	[tilespmem:$0x3C00] =	vst v63  }
0xa5: {  	s7 =	simm.s32 $0x1DB0;
	s14 =	simm.s32 $0x230  }
0xa6: {  	[tilespmem:s7], [sflag:$0x1] =	stream.indirect.gather [hbm4b:s3+s12], $0x1, s14, s12, $0xb8;
	[tilespmem:$0x3C00] =	vst v63  }
0xa7: {  	_ =	swait.ge [sflag:s13], $0x50  }
0xa8: {  	[sflag:s13] =	ssyncset.done $0x0  }
0xa9: {  	[sflag:s13] =	ssyncadd.s32 $0xFFFFFFB0  }
0xaa: {  	_ =	swait.ge [sflag:s13], $0x50  }
0xab: {  	[sflag:s13] =	ssyncset.done $0x0  }
0xac: {  	[sflag:s13] =	ssyncadd.s32 $0xFFFFFFB0  }
0xad: {  	_ =	swait.ge [sflag:s13], $0x50  }
0xae: {  	[sflag:s13] =	ssyncset.done $0x0  }
0xaf: {  	[sflag:s13] =	ssyncadd.s32 $0xFFFFFFB0  }
0xb0: {  	_ =	swait.ge [sflag:s13], $0x50  }
0xb1: {  	[sflag:s13] =	ssyncset.done $0x0  }
0xb2: {  	[sflag:s13] =	ssyncadd.s32 $0xFFFFFFB0  }
0xb3: {  	_ =	swait.ge [sflag:s13], $0x50  }
0xb4: {  	[sflag:s13] =	ssyncset.done $0x0  }
0xb5: {  	[sflag:s13] =	ssyncadd.s32 $0xFFFFFFB0  }
0xb6: {  	_ =	swait.ge [sflag:s13], $0x50  }
0xb7: {  	[sflag:s13] =	ssyncset.done $0x0  }
0xb8: {  	[sflag:s13] =	ssyncadd.s32 $0xFFFFFFB0  }
0xb9: {  	_ =	swait.ge [sflag:s13], $0x50  }
0xba: {  	[sflag:s13] =	ssyncset.done $0x0  }
0xbb: {  	[sflag:s13] =	ssyncadd.s32 $0xFFFFFFB0  }
0xbc: {  	_ =	swait.ge [sflag:s13], $0x50  }
0xbd: {  	s1 =	simm.s32 $0x1400;
	s14 =	simm.s32 $0x280;
	[sflag:s13] =	ssyncset.done $0x0  }
.LBB2_3:
0xbe: {  	s5 =	sadd.s32 $0x1B80, s14  }
0xbf: {  	[sflag:s13] =	ssyncadd.s32 $0xFFFFFFB0;
	s6 =	smov.u32 s1;
	s7 =	sadd.s32 $0xA00, s1  }
0xc0: {  	[tilespmem:s5], [sflag:$0x1] =	stream.indirect.gather [hbm4b:s3+s12], $0x1, s14, s12, $0xb8;
	[tilespmem:$0x3C00] =	vst v63  }
0xc1: {  	p1 =	sne.s32 s1, $0x6400;
	s1 =	sadd.s32 $0x1BD0, s14;
	s5 =	sadd.s32 $0x50, s14  }
0xc2: {  	[tilespmem:s1], [sflag:$0x1] =	stream.indirect.gather [hbm4b:s3+s12], $0x1, s5, s12, $0xb8;
	[tilespmem:$0x3C00] =	vst v63  }
0xc3: {  	s1 =	sadd.s32 $0x1C20, s14;
	s5 =	sadd.s32 $0xA0, s14  }
0xc4: {  	[tilespmem:s1], [sflag:$0x1] =	stream.indirect.gather [hbm4b:s3+s12], $0x1, s5, s12, $0xb8;
	[tilespmem:$0x3C00] =	vst v63  }
0xc5: {  	s1 =	sadd.s32 $0x1C70, s14;
	s5 =	sadd.s32 $0xF0, s14  }
0xc6: {  	[tilespmem:s1], [sflag:$0x1] =	stream.indirect.gather [hbm4b:s3+s12], $0x1, s5, s12, $0xb8;
	[tilespmem:$0x3C00] =	vst v63  }
0xc7: {  	s1 =	sadd.s32 $0x1CC0, s14;
	s5 =	sadd.s32 $0x140, s14  }
0xc8: {  	[tilespmem:s1], [sflag:$0x1] =	stream.indirect.gather [hbm4b:s3+s12], $0x1, s5, s12, $0xb8;
	[tilespmem:$0x3C00] =	vst v63  }
0xc9: {  	s1 =	sadd.s32 $0x1D10, s14;
	s5 =	sadd.s32 $0x190, s14  }
0xca: {  	[tilespmem:s1], [sflag:$0x1] =	stream.indirect.gather [hbm4b:s3+s12], $0x1, s5, s12, $0xb8;
	[tilespmem:$0x3C00] =	vst v63  }
0xcb: {  	s1 =	sadd.s32 $0x1D60, s14;
	s5 =	sadd.s32 $0x1E0, s14  }
0xcc: {  	[tilespmem:s1], [sflag:$0x1] =	stream.indirect.gather [hbm4b:s3+s12], $0x1, s5, s12, $0xb8;
	[tilespmem:$0x3C00] =	vst v63  }
0xcd: {  	s1 =	sadd.s32 $0x1DB0, s14;
	s5 =	sadd.s32 $0x230, s14  }
0xce: {  	[tilespmem:s1], [sflag:$0x1] =	stream.indirect.gather [hbm4b:s3+s12], $0x1, s5, s12, $0xb8;
	[tilespmem:$0x3C00] =	vst v63  }
0xcf: {  	_ =	swait.ge [sflag:s13], $0x50  }
0xd0: {  	[sflag:s13] =	ssyncset.done $0x0  }
0xd1: {  	[sflag:s13] =	ssyncadd.s32 $0xFFFFFFB0  }
0xd2: {  	_ =	swait.ge [sflag:s13], $0x50  }
0xd3: {  	[sflag:s13] =	ssyncset.done $0x0  }
0xd4: {  	[sflag:s13] =	ssyncadd.s32 $0xFFFFFFB0  }
0xd5: {  	_ =	swait.ge [sflag:s13], $0x50  }
0xd6: {  	[sflag:s13] =	ssyncset.done $0x0  }
0xd7: {  	[sflag:s13] =	ssyncadd.s32 $0xFFFFFFB0  }
0xd8: {  	_ =	swait.ge [sflag:s13], $0x50  }
0xd9: {  	[sflag:s13] =	ssyncset.done $0x0  }
0xda: {  	[sflag:s13] =	ssyncadd.s32 $0xFFFFFFB0  }
0xdb: {  	_ =	swait.ge [sflag:s13], $0x50  }
0xdc: {  	[sflag:s13] =	ssyncset.done $0x0  }
0xdd: {  	[sflag:s13] =	ssyncadd.s32 $0xFFFFFFB0  }
0xde: {  	_ =	swait.ge [sflag:s13], $0x50  }
0xdf: {  	[sflag:s13] =	ssyncset.done $0x0  }
0xe0: {  	[sflag:s13] =	ssyncadd.s32 $0xFFFFFFB0  }
.Ltmp5:
0xe1: {  	_ =	swait.ge [sflag:s13], $0x50;
	(pc) =	sbr.rel @p1 .LBB2_3-.Ltmp5, $4  }
0xe2: {  	[sflag:s13] =	ssyncset.done $0x0  }
0xe3: {  	[sflag:s13] =	ssyncadd.s32 $0xFFFFFFB0  }
0xe4: {  	_ =	swait.ge [sflag:s13], $0x50  }
0xe5: {  	s14 =	sshra.s32 s6, $0x2;
	s1 =	smov.u32 s7;
	[sflag:s13] =	ssyncset.done $0x0  }
0xe6: {  	s1 =	sadd.s32 $0x1B80, s14;
	[sflag:s13] =	ssyncadd.s32 $0xFFFFFFB0  }
0xe7: {  	[tilespmem:s1], [sflag:$0x1] =	stream.indirect.gather [hbm4b:s3+s12], $0x1, s14, s12, $0xb8;
	[tilespmem:$0x3C00] =	vst v63  }
0xe8: {  	s7 =	sadd.s32 $0x1BD0, s14;
	s5 =	sadd.s32 $0x50, s14  }
0xe9: {  	[tilespmem:s7], [sflag:$0x1] =	stream.indirect.gather [hbm4b:s3+s12], $0x1, s5, s12, $0xb8;
	[tilespmem:$0x3C00] =	vst v63  }
0xea: {  	s6 =	sadd.s32 $0x1C20, s14;
	s7 =	sadd.s32 $0xA0, s14  }
0xeb: {  	[tilespmem:s6], [sflag:$0x1] =	stream.indirect.gather [hbm4b:s3+s12], $0x1, s7, s12, $0xb8;
	[tilespmem:$0x3C00] =	vst v63  }
0xec: {  	s6 =	sadd.s32 $0x1C70, s14;
	s7 =	sadd.s32 $0xF0, s14  }
0xed: {  	[tilespmem:s6], [sflag:$0x1] =	stream.indirect.gather [hbm4b:s3+s12], $0x1, s7, s12, $0xb8;
	[tilespmem:$0x3C00] =	vst v63  }
0xee: {  	s6 =	sadd.s32 $0x1CC0, s14;
	s7 =	sadd.s32 $0x140, s14  }
0xef: {  	[tilespmem:s6], [sflag:$0x1] =	stream.indirect.gather [hbm4b:s3+s12], $0x1, s7, s12, $0xb8;
	[tilespmem:$0x3C00] =	vst v63  }
0xf0: {  	s6 =	sadd.s32 $0x1D10, s14;
	s7 =	sadd.s32 $0x190, s14  }
0xf1: {  	[tilespmem:s6], [sflag:$0x1] =	stream.indirect.gather [hbm4b:s3+s12], $0x1, s7, s12, $0xb8;
	[tilespmem:$0x3C00] =	vst v63  }
0xf2: {  	s5 =	sadd.s32 $0x1D60, s14;
	s6 =	sadd.s32 $0x1E0, s14  }
0xf3: {  	[tilespmem:s5], [sflag:$0x1] =	stream.indirect.gather [hbm4b:s3+s12], $0x1, s6, s12, $0xb8;
	[tilespmem:$0x3C00] =	vst v63  }
0xf4: {  	s7 =	sadd.s32 $0x1DB0, s14;
	s14 =	sadd.s32 $0x230, s14  }
0xf5: {  	[tilespmem:s7], [sflag:$0x1] =	stream.indirect.gather [hbm4b:s3+s12], $0x1, s14, s12, $0xb8;
	[tilespmem:$0x3C00] =	vst v63  }
0xf6: {  	_ =	swait.ge [sflag:s13], $0x50  }
0xf7: {  	[sflag:s13] =	ssyncset.done $0x0  }
0xf8: {  	[sflag:s13] =	ssyncadd.s32 $0xFFFFFFB0  }
0xf9: {  	_ =	swait.ge [sflag:s13], $0x50  }
0xfa: {  	[sflag:s13] =	ssyncset.done $0x0  }
0xfb: {  	[sflag:s13] =	ssyncadd.s32 $0xFFFFFFB0  }
0xfc: {  	_ =	swait.ge [sflag:s13], $0x50  }
0xfd: {  	[sflag:s13] =	ssyncset.done $0x0  }
0xfe: {  	[sflag:s13] =	ssyncadd.s32 $0xFFFFFFB0  }
0xff: {  	_ =	swait.ge [sflag:s13], $0x50  }
0x100: {  	[sflag:s13] =	ssyncset.done $0x0  }
0x101: {  	[sflag:s13] =	ssyncadd.s32 $0xFFFFFFB0  }
0x102: {  	_ =	swait.ge [sflag:s13], $0x50  }
0x103: {  	[sflag:s13] =	ssyncset.done $0x0  }
0x104: {  	[sflag:s13] =	ssyncadd.s32 $0xFFFFFFB0  }
0x105: {  	_ =	swait.ge [sflag:s13], $0x50  }
0x106: {  	[sflag:s13] =	ssyncset.done $0x0  }
0x107: {  	[sflag:s13] =	ssyncadd.s32 $0xFFFFFFB0  }
0x108: {  	_ =	swait.ge [sflag:s13], $0x50  }
0x109: {  	[sflag:s13] =	ssyncset.done $0x0  }
0x10a: {  	[sflag:s13] =	ssyncadd.s32 $0xFFFFFFB0  }
0x10b: {  	_ =	swait.ge [sflag:s13], $0x50  }
0x10c: {  	s5 =	simm.s32 $0x0;
	[sflag:s13] =	ssyncset.done $0x0  }
0x10d: {  	s6 =	simm.s32 $0x1B80;
	s7 =	rddreg [dreg:$0x3];
	[sflag:s13] =	ssyncadd.s32 $0xFFFFFFB0  }
0x10e: {  	[hbm4b:s7+s5] =	stream.linear.scatter [tilespmem:s6], [sflag:$0x2], $0x1B80, $0x38;
	[tilespmem:$0x3C00] =	vst v63  }
0x10f: {  	_ =	swait.ge [sflag:s11], $0x1B80  }
0x110: {  	[sflag:s11] =	ssyncset.done $0x0  }
0x111: {  	s14 =	sadd.s32 $0x0, s10;
	[sflag:s11] =	ssyncadd.s32 $0xFFFFE480  }
0x112: {  	[tilespmem:s15], [sflag:$0x2] =	stream.linear.gather [hbm4b:s14+s2], $0x280, $0x38;
	[tilespmem:$0x3C00] =	vst v63  }
0x113: {  	_ =	swait.ge [sflag:s11], $0x280  }
0x114: {  	[sflag:s11] =	ssyncset.done $0x0  }
0x115: {  	[sflag:s11] =	ssyncadd.s32 $0xFFFFFD80  }
0x116: {  	[tilespmem:s16], [sflag:$0x1] =	stream.indirect.gather [hbm4b:s4+s12], $0x1, s15, s12, $0xb8;
	[tilespmem:$0x3C00] =	vst v63  }
0x117: {  	_ = 	snop  }
0x118: {  	[tilespmem:s18], [sflag:$0x1] =	stream.indirect.gather [hbm4b:s4+s12], $0x1, s17, s12, $0xb8;
	[tilespmem:$0x3C00] =	vst v63  }
0x119: {  	_ = 	snop  }
0x11a: {  	[tilespmem:s20], [sflag:$0x1] =	stream.indirect.gather [hbm4b:s4+s12], $0x1, s19, s12, $0xb8;
	[tilespmem:$0x3C00] =	vst v63  }
0x11b: {  	_ = 	snop  }
0x11c: {  	[tilespmem:s22], [sflag:$0x1] =	stream.indirect.gather [hbm4b:s4+s12], $0x1, s21, s12, $0xb8;
	[tilespmem:$0x3C00] =	vst v63  }
0x11d: {  	_ = 	snop  }
0x11e: {  	[tilespmem:s24], [sflag:$0x1] =	stream.indirect.gather [hbm4b:s4+s12], $0x1, s23, s12, $0xb8;
	[tilespmem:$0x3C00] =	vst v63  }
0x11f: {  	_ = 	snop  }
0x120: {  	[tilespmem:s26], [sflag:$0x1] =	stream.indirect.gather [hbm4b:s4+s12], $0x1, s25, s12, $0xb8;
	[tilespmem:$0x3C00] =	vst v63  }
0x121: {  	_ = 	snop  }
0x122: {  	[tilespmem:s29], [sflag:$0x1] =	stream.indirect.gather [hbm4b:s4+s12], $0x1, s28, s12, $0xb8;
	[tilespmem:$0x3C00] =	vst v63  }
0x123: {  	_ = 	snop  }
0x124: {  	[tilespmem:s31], [sflag:$0x1] =	stream.indirect.gather [hbm4b:s4+s12], $0x1, s30, s12, $0xb8;
	[tilespmem:$0x3C00] =	vst v63  }
0x125: {  	_ =	swait.ge [sflag:s13], $0x50  }
0x126: {  	[sflag:s13] =	ssyncset.done $0x0  }
0x127: {  	[sflag:s13] =	ssyncadd.s32 $0xFFFFFFB0  }
0x128: {  	_ =	swait.ge [sflag:s13], $0x50  }
0x129: {  	[sflag:s13] =	ssyncset.done $0x0  }
0x12a: {  	[sflag:s13] =	ssyncadd.s32 $0xFFFFFFB0  }
0x12b: {  	_ =	swait.ge [sflag:s13], $0x50  }
0x12c: {  	[sflag:s13] =	ssyncset.done $0x0  }
0x12d: {  	[sflag:s13] =	ssyncadd.s32 $0xFFFFFFB0  }
0x12e: {  	_ =	swait.ge [sflag:s13], $0x50  }
0x12f: {  	[sflag:s13] =	ssyncset.done $0x0  }
0x130: {  	[sflag:s13] =	ssyncadd.s32 $0xFFFFFFB0  }
0x131: {  	_ =	swait.ge [sflag:s13], $0x50  }
0x132: {  	[sflag:s13] =	ssyncset.done $0x0  }
0x133: {  	[sflag:s13] =	ssyncadd.s32 $0xFFFFFFB0  }
0x134: {  	_ =	swait.ge [sflag:s13], $0x50  }
0x135: {  	[sflag:s13] =	ssyncset.done $0x0  }
0x136: {  	[sflag:s13] =	ssyncadd.s32 $0xFFFFFFB0  }
0x137: {  	_ =	swait.ge [sflag:s13], $0x50  }
0x138: {  	[sflag:s13] =	ssyncset.done $0x0  }
0x139: {  	[sflag:s13] =	ssyncadd.s32 $0xFFFFFFB0  }
0x13a: {  	_ =	swait.ge [sflag:s13], $0x50  }
0x13b: {  	[sflag:s13] =	ssyncset.done $0x0  }
0x13c: {  	[sflag:s13] =	ssyncadd.s32 $0xFFFFFFB0  }
0x13d: {  	[hbm4b:s9+s2] =	stream.linear.scatter [tilespmem:s16], [sflag:$0x2], $0x280, $0x38;
	[tilespmem:$0x3C00] =	vst v63  }
0x13e: {  	s1 =	sadd.s32 $0x500, s9;
	_ =	swait.ge [sflag:s11], $0x280  }
0x13f: {  	s7 =	simm.s32 $0x9C4;
	s14 =	simm.s32 $0x4E2;
	[sflag:s11] =	ssyncset.done $0x0  }
.LBB2_5:
0x140: {  	s5 =	sadd.s32 s14, s10  }
0x141: {  	[sflag:s11] =	ssyncadd.s32 $0xFFFFFD80;
	s14 =	smov.u32 s7;
	s6 =	sadd.s32 $0x4E2, s7  }
0x142: {  	[tilespmem:s15], [sflag:$0x2] =	stream.linear.gather [hbm4b:s5+s2], $0x280, $0x38;
	[tilespmem:$0x3C00] =	vst v63  }
0x143: {  	p1 =	seq.s32 s7, $0x30D4;
	_ =	swait.ge [sflag:s11], $0x280  }
0x144: {  	[sflag:s11] =	ssyncset.done $0x0  }
0x145: {  	[sflag:s11] =	ssyncadd.s32 $0xFFFFFD80  }
0x146: {  	[tilespmem:s16], [sflag:$0x1] =	stream.indirect.gather [hbm4b:s4+s12], $0x1, s15, s12, $0xb8;
	[tilespmem:$0x3C00] =	vst v63  }
0x147: {  	_ = 	snop  }
0x148: {  	[tilespmem:s18], [sflag:$0x1] =	stream.indirect.gather [hbm4b:s4+s12], $0x1, s17, s12, $0xb8;
	[tilespmem:$0x3C00] =	vst v63  }
0x149: {  	_ = 	snop  }
0x14a: {  	[tilespmem:s20], [sflag:$0x1] =	stream.indirect.gather [hbm4b:s4+s12], $0x1, s19, s12, $0xb8;
	[tilespmem:$0x3C00] =	vst v63  }
0x14b: {  	_ = 	snop  }
0x14c: {  	[tilespmem:s22], [sflag:$0x1] =	stream.indirect.gather [hbm4b:s4+s12], $0x1, s21, s12, $0xb8;
	[tilespmem:$0x3C00] =	vst v63  }
0x14d: {  	_ = 	snop  }
0x14e: {  	[tilespmem:s24], [sflag:$0x1] =	stream.indirect.gather [hbm4b:s4+s12], $0x1, s23, s12, $0xb8;
	[tilespmem:$0x3C00] =	vst v63  }
0x14f: {  	_ = 	snop  }
0x150: {  	[tilespmem:s26], [sflag:$0x1] =	stream.indirect.gather [hbm4b:s4+s12], $0x1, s25, s12, $0xb8;
	[tilespmem:$0x3C00] =	vst v63  }
0x151: {  	_ = 	snop  }
0x152: {  	[tilespmem:s29], [sflag:$0x1] =	stream.indirect.gather [hbm4b:s4+s12], $0x1, s28, s12, $0xb8;
	[tilespmem:$0x3C00] =	vst v63  }
0x153: {  	_ = 	snop  }
0x154: {  	[tilespmem:s31], [sflag:$0x1] =	stream.indirect.gather [hbm4b:s4+s12], $0x1, s30, s12, $0xb8;
	[tilespmem:$0x3C00] =	vst v63  }
0x155: {  	_ =	swait.ge [sflag:s13], $0x50  }
0x156: {  	[sflag:s13] =	ssyncset.done $0x0  }
0x157: {  	[sflag:s13] =	ssyncadd.s32 $0xFFFFFFB0  }
0x158: {  	_ =	swait.ge [sflag:s13], $0x50  }
0x159: {  	[sflag:s13] =	ssyncset.done $0x0  }
0x15a: {  	[sflag:s13] =	ssyncadd.s32 $0xFFFFFFB0  }
0x15b: {  	_ =	swait.ge [sflag:s13], $0x50  }
0x15c: {  	[sflag:s13] =	ssyncset.done $0x0  }
0x15d: {  	[sflag:s13] =	ssyncadd.s32 $0xFFFFFFB0  }
0x15e: {  	_ =	swait.ge [sflag:s13], $0x50  }
0x15f: {  	[sflag:s13] =	ssyncset.done $0x0  }
0x160: {  	[sflag:s13] =	ssyncadd.s32 $0xFFFFFFB0  }
0x161: {  	_ =	swait.ge [sflag:s13], $0x50  }
0x162: {  	[sflag:s13] =	ssyncset.done $0x0  }
0x163: {  	[sflag:s13] =	ssyncadd.s32 $0xFFFFFFB0  }
0x164: {  	_ =	swait.ge [sflag:s13], $0x50  }
0x165: {  	[sflag:s13] =	ssyncset.done $0x0  }
0x166: {  	[sflag:s13] =	ssyncadd.s32 $0xFFFFFFB0  }
0x167: {  	_ =	swait.ge [sflag:s13], $0x50  }
0x168: {  	[sflag:s13] =	ssyncset.done $0x0  }
0x169: {  	[sflag:s13] =	ssyncadd.s32 $0xFFFFFFB0  }
0x16a: {  	_ =	swait.ge [sflag:s13], $0x50  }
.Ltmp6:
0x16b: {  	[sflag:s13] =	ssyncset.done $0x0;
	(pc) =	sbr.rel @!p1 .LBB2_5-.Ltmp6, $4  }
0x16c: {  	[sflag:s13] =	ssyncadd.s32 $0xFFFFFFB0  }
0x16d: {  	[hbm4b:s1+s2] =	stream.linear.scatter [tilespmem:s16], [sflag:$0x2], $0x280, $0x38;
	[tilespmem:$0x3C00] =	vst v63  }
0x16e: {  	_ =	swait.ge [sflag:s11], $0x280  }
0x16f: {  	s7 =	smov.u32 s6;
	s1 =	sadd.s32 $0x500, s1;
	[sflag:s11] =	ssyncset.done $0x0  }
0x170: {  	s5 =	sadd.s32 s14, s10;
	[sflag:s11] =	ssyncadd.s32 $0xFFFFFD80  }
0x171: {  	[tilespmem:s15], [sflag:$0x2] =	stream.linear.gather [hbm4b:s5+s2], $0x280, $0x38;
	[tilespmem:$0x3C00] =	vst v63  }
0x172: {  	_ =	swait.ge [sflag:s11], $0x280  }
0x173: {  	[sflag:s11] =	ssyncset.done $0x0  }
0x174: {  	[sflag:s11] =	ssyncadd.s32 $0xFFFFFD80  }
0x175: {  	[tilespmem:s16], [sflag:$0x1] =	stream.indirect.gather [hbm4b:s4+s12], $0x1, s15, s12, $0xb8;
	[tilespmem:$0x3C00] =	vst v63  }
0x176: {  	_ = 	snop  }
0x177: {  	[tilespmem:s18], [sflag:$0x1] =	stream.indirect.gather [hbm4b:s4+s12], $0x1, s17, s12, $0xb8;
	[tilespmem:$0x3C00] =	vst v63  }
0x178: {  	_ = 	snop  }
0x179: {  	[tilespmem:s20], [sflag:$0x1] =	stream.indirect.gather [hbm4b:s4+s12], $0x1, s19, s12, $0xb8;
	[tilespmem:$0x3C00] =	vst v63  }
0x17a: {  	_ = 	snop  }
0x17b: {  	[tilespmem:s22], [sflag:$0x1] =	stream.indirect.gather [hbm4b:s4+s12], $0x1, s21, s12, $0xb8;
	[tilespmem:$0x3C00] =	vst v63  }
0x17c: {  	_ = 	snop  }
0x17d: {  	[tilespmem:s24], [sflag:$0x1] =	stream.indirect.gather [hbm4b:s4+s12], $0x1, s23, s12, $0xb8;
	[tilespmem:$0x3C00] =	vst v63  }
0x17e: {  	_ = 	snop  }
0x17f: {  	[tilespmem:s26], [sflag:$0x1] =	stream.indirect.gather [hbm4b:s4+s12], $0x1, s25, s12, $0xb8;
	[tilespmem:$0x3C00] =	vst v63  }
0x180: {  	_ = 	snop  }
0x181: {  	[tilespmem:s29], [sflag:$0x1] =	stream.indirect.gather [hbm4b:s4+s12], $0x1, s28, s12, $0xb8;
	[tilespmem:$0x3C00] =	vst v63  }
0x182: {  	_ = 	snop  }
0x183: {  	[tilespmem:s31], [sflag:$0x1] =	stream.indirect.gather [hbm4b:s4+s12], $0x1, s30, s12, $0xb8;
	[tilespmem:$0x3C00] =	vst v63  }
0x184: {  	_ =	swait.ge [sflag:s13], $0x50  }
0x185: {  	[sflag:s13] =	ssyncset.done $0x0  }
0x186: {  	[sflag:s13] =	ssyncadd.s32 $0xFFFFFFB0  }
0x187: {  	_ =	swait.ge [sflag:s13], $0x50  }
0x188: {  	[sflag:s13] =	ssyncset.done $0x0  }
0x189: {  	[sflag:s13] =	ssyncadd.s32 $0xFFFFFFB0  }
0x18a: {  	_ =	swait.ge [sflag:s13], $0x50  }
0x18b: {  	[sflag:s13] =	ssyncset.done $0x0  }
0x18c: {  	[sflag:s13] =	ssyncadd.s32 $0xFFFFFFB0  }
0x18d: {  	_ =	swait.ge [sflag:s13], $0x50  }
0x18e: {  	[sflag:s13] =	ssyncset.done $0x0  }
0x18f: {  	[sflag:s13] =	ssyncadd.s32 $0xFFFFFFB0  }
0x190: {  	_ =	swait.ge [sflag:s13], $0x50  }
0x191: {  	[sflag:s13] =	ssyncset.done $0x0  }
0x192: {  	[sflag:s13] =	ssyncadd.s32 $0xFFFFFFB0  }
0x193: {  	_ =	swait.ge [sflag:s13], $0x50  }
0x194: {  	[sflag:s13] =	ssyncset.done $0x0  }
0x195: {  	[sflag:s13] =	ssyncadd.s32 $0xFFFFFFB0  }
0x196: {  	_ =	swait.ge [sflag:s13], $0x50  }
0x197: {  	[sflag:s13] =	ssyncset.done $0x0  }
0x198: {  	[sflag:s13] =	ssyncadd.s32 $0xFFFFFFB0  }
0x199: {  	_ =	swait.ge [sflag:s13], $0x50  }
0x19a: {  	[sflag:s13] =	ssyncset.done $0x0  }
.Ltmp7:
0x19b: {  	[sflag:s13] =	ssyncadd.s32 $0xFFFFFFB0;
	(pc) =	sbr.rel .LBB2_10-.Ltmp7, $4  }
0x19c: {  	[hbm4b:s1+s2] =	stream.linear.scatter [tilespmem:s16], [sflag:$0x2], $0x280, $0x38;
	[tilespmem:$0x3C00] =	vst v63  }
0x19d: {  	_ =	swait.ge [sflag:s11], $0x280  }
0x19e: {  	[sflag:s11] =	ssyncset.done $0x0  }
0x19f: {  	[sflag:s11] =	ssyncadd.s32 $0xFFFFFD80  }
.LBB2_11:
0x1a0: {  	_ =	sfence.sel $0x180000  }
0x1a1: {  	[bflag:$0x0] =	sbarrier.arrive $0xFFFF  }
0x1a2: {  	_ =	strace $0x90000047  }
0x1a3: {  	s0 =	stileid.u32;
	[bflag:$0x2] =	sbarrier.arrive $0xFFFF  }
0x1a4: {  	p0 =	sne.s32 s0, $0x0;
	s0 =	rddreg [dreg:$0x1]  }
0x1a5: {  	s0 =	sadd.s32 @!p0 $0x100000, s0  }
0x1a6: {  	[sflag:s0] =	ssyncadd.tile.s32 @!p0 $0x1;
	_ =	shalt  }
.Lfunc_end2:
_tile_overlayer_lowered:
.L_overlay_start_2:
0x1a7: {  	(tag) =	ssettag $0x2  }
0x1a8: {  	s0 =	rddreg [dreg:$0x0];
	s2 =	stileid.u32  }
0x1a9: {  	s1 =	rddreg [dreg:$0x1];
	p0 =	sne.s32 s2, $0x0  }
0x1aa: {  	s3 =	rddreg [dreg:$0x2];
	[bflag:$0x3] =	sbarrier.arrive $0xFFFF;
	s2 =	simm.s32 @!p0 $0x1C02  }
0x1ab: {  	[timem:s3], [sflag:s2] =	dma.local @!p0 [hbm:s0], s1  }
0x1ac: {  	s0 =	simm.s32 @!p0 $0x2  }
0x1ad: {  	_ =	swait.ge @!p0 [sflag:s0], s1  }
0x1ae: {  	s1 =	ssub.s32 @!p0 $0x0, s1;
	[sflag:s0] =	ssyncset.done @!p0 $0x0  }
0x1af: {  	[sflag:s0] =	ssyncadd.s32 @!p0 s1  }
0x1b0: {  	[bflag:$0x3] =	sbarrier.arrive $0xFFFF  }
0x1b1: {  	_ =	shalt  }

</sc_bundles>
